<compile_context>
chip_gen: v7x
topology: tpu7x:2x2x1
jax: 0.10.2.dev20260603
libtpu: 0.0.44.dev20260713+nightly
codegen_flags: <defaults>
</compile_context>

<pallas_src>
import functools
import jax
import jax.numpy as jnp
from jax import lax
from jax.experimental import pallas as pl
from jax.experimental.pallas import tpu as pltpu
from jax.experimental.pallas import tpu_sc as plsc

_N = 150528
_P = 50176
_K = 12544
_HI0 = 0x3F800000
_BIG = 1 << 30


_NCH = 49
_CT = 24


def _make_sc_hist(b):
    mesh = plsc.VectorSubcoreMesh(core_axis_name="c", subcore_axis_name="s")

    @functools.partial(
        pl.kernel, mesh=mesh,
        compiler_params=pltpu.CompilerParams(needs_layout_passes=False),
        out_type=jax.ShapeDtypeStruct((b // 8, 2048), jnp.float32),
        scratch_types=[
            pltpu.VMEM((_CT, 8, 128), jnp.int32),
            pltpu.VMEM((32768,), jnp.float32),
            pltpu.VMEM((2048,), jnp.float32),
        ],
    )
    def hist_kernel(g_hbm, hist_hbm, buf, hist_v, out_v):
        wid = lax.axis_index("s") * 2 + lax.axis_index("c")
        zero16 = jnp.zeros((16,), jnp.float32)
        one16 = jnp.ones((16,), jnp.float32)
        lane_base = lax.iota(jnp.int32, 16) * 256

        def zrow(j, _):
            hist_v[pl.ds(j * 16, 16)] = zero16
            return 0

        lax.fori_loop(0, 2048, zrow, 0, unroll=False)

        def chunk(c, _):
            pltpu.sync_copy(g_hbm.at[wid, pl.ds(c * _CT, _CT)], buf)

            def tile_row(t, _):
                for s in range(8):
                    for j in range(8):
                        bits = buf[t, s, pl.ds(j * 16, 16)]
                        d = lax.shift_right_logical(bits, 23) & 255
                        plsc.addupdate_scatter(
                            hist_v, [lane_base + (d + s * 4096)], one16)
                return 0

            lax.fori_loop(0, _CT, tile_row, 0, unroll=False)
            return 0

        lax.fori_loop(0, _NCH, chunk, 0, unroll=False)

        def mrow(j, _):
            for s in range(8):
                acc = zero16
                for lane in range(16):
                    acc = acc + hist_v[pl.ds(s * 4096 + lane * 256 + j * 16, 16)]
                out_v[pl.ds(s * 256 + j * 16, 16)] = acc
            return 0

        lax.fori_loop(0, 16, mrow, 0, unroll=False)
        pltpu.sync_copy(out_v, hist_hbm.at[wid])

    return hist_kernel


def _search_body(g_ref, hist_ref, m_ref, *, k):
    g = g_ref[...]
    keys = jax.lax.bitcast_convert_type(g, jnp.int32)
    kf = jnp.float32(k)

    h = hist_ref[0]
    ti = (jax.lax.broadcasted_iota(jnp.int32, (256, 256), 0) >=
          jax.lax.broadcasted_iota(jnp.int32, (256, 256), 1)).astype(jnp.float32)
    suf = jnp.dot(h, ti, preferred_element_type=jnp.float32)
    ok = suf >= kf
    bi = jax.lax.broadcasted_iota(jnp.int32, (8, 256), 1)
    bstar = jnp.max(jnp.where(ok, bi, 0), axis=1, keepdims=True)
    cnt0 = jnp.min(jnp.where(ok, suf, jnp.float32(3e38)), axis=1, keepdims=True)
    lo0 = bstar << 23
    hi0 = jnp.minimum((bstar + 1) << 23, _HI0)

    def count_ge(thr):
        m = (keys >= thr).astype(jnp.float32)
        parts = [
            jnp.sum(m[:, j * (_N // 8):(j + 1) * (_N // 8)], axis=1, keepdims=True)
            for j in range(8)
        ]
        return sum(parts)

    def vcond(carry):
        i, lo, hi, cnt_lo = carry
        return (i < 31) & jnp.any((cnt_lo != kf) & (hi - lo > 1))

    def vstep(carry):
        i, lo, hi, cnt_lo = carry
        mid = lo + (hi - lo) // 2
        c = count_ge(mid)
        big = c >= kf
        return (i + 1, jnp.where(big, mid, lo), jnp.where(big, hi, mid),
                jnp.where(big, c, cnt_lo))

    _, lo, hi, cnt_lo = jax.lax.while_loop(
        vcond, vstep, (jnp.int32(0), lo0, hi0, cnt0))
    exact = cnt_lo == kf
    t = jnp.where(exact, lo - 1, lo)

    idx = jax.lax.broadcasted_iota(jnp.int32, (8, _N), 1)

    def do_idx_search(_):
        need = kf - jnp.sum((keys > t).astype(jnp.float32), axis=1, keepdims=True)
        w = jnp.where(keys == t, idx, _BIG)

        def istep(_, carry):
            lo2, hi2 = carry
            mid = lo2 + (hi2 - lo2) // 2
            cnt = jnp.sum((w <= mid).astype(jnp.float32), axis=1, keepdims=True)
            ge = cnt >= need
            return jnp.where(ge, lo2, mid + 1), jnp.where(ge, mid, hi2)

        cs, _ = jax.lax.fori_loop(
            0, 18, istep,
            (jnp.zeros((8, 1), jnp.int32), jnp.full((8, 1), _N - 1, jnp.int32)),
            unroll=False)
        return cs

    cstar = jax.lax.cond(
        jnp.any(~exact), do_idx_search,
        lambda _: jnp.full((8, 1), -1, jnp.int32), None)
    cstar = jnp.where(exact, -1, cstar)

    sel = (keys > t) | ((keys == t) & (idx <= cstar))
    pix = sel[:, 0:_P] | sel[:, _P:2 * _P] | sel[:, 2 * _P:]
    m_ref[...] = 1.0 - pix.astype(jnp.float32)


def _apply_body(d_ref, m_ref, o_ref):
    b = m_ref.shape[0]
    m = jnp.transpose(m_ref[...])
    m4 = m.reshape(4, 224, b)
    o_ref[...] = d_ref[...] * m4[:, None]


@jax.jit
def kernel(Data, line_grad):
    b = Data.shape[0]
    gt4 = jnp.transpose(
        jax.lax.bitcast_convert_type(line_grad, jnp.int32)
        .reshape(b // 8, 8, _N // 128, 128), (0, 2, 1, 3))
    hist = _make_sc_hist(b)(gt4).reshape(b // 8, 8, 256)

    mask = pl.pallas_call(
        functools.partial(_search_body, k=_K),
        grid=(b // 8,),
        in_specs=[
            pl.BlockSpec((8, _N), lambda i: (i, 0)),
            pl.BlockSpec((1, 8, 256), lambda i: (i, 0, 0)),
        ],
        out_specs=pl.BlockSpec((8, _P), lambda i: (i, 0)),
        out_shape=jax.ShapeDtypeStruct((b, _P), jnp.float32),
    )(line_grad, hist)

    dt = jnp.transpose(Data, (1, 3, 2, 0))
    ot = pl.pallas_call(
        _apply_body,
        grid=(56,),
        in_specs=[
            pl.BlockSpec((4, 3, 224, b), lambda h: (h, 0, 0, 0)),
            pl.BlockSpec((b, 896), lambda h: (0, h)),
        ],
        out_specs=pl.BlockSpec((4, 3, 224, b), lambda h: (h, 0, 0, 0)),
        out_shape=jax.ShapeDtypeStruct((224, 3, 224, b), jnp.float32),
    )(dt, mask)
    return jnp.transpose(ot, (3, 0, 2, 1))

# --- scband reference (transcript-rebuilt; emitter-appended) ---
"""Pipeline reference for scband-masked-model-51264729645285 (READ-ONLY COPY).

The authoritative reference and input builder live on the scoring server;
editing this copy changes nothing except your own understanding.
"""

import jax, jax.numpy as jnp
import numpy as np

IMAGE_SIZE = 224
K = int(0.25 * IMAGE_SIZE * IMAGE_SIZE)  # 12544


def setup_inputs(seed: int = 0) -> dict:
    key = jax.random.key(seed)
    k1, k2 = jax.random.split(key)
    Data = jax.random.normal(k1, (256, 224, 224, 3), dtype=jnp.float32)
    # line_grad models |gradients| flattened: non-negative values
    line_grad = jax.random.uniform(k2, (256, 224 * 224 * 3), dtype=jnp.float32)
    return {"Data": Data, "line_grad": line_grad}


def reference(Data, line_grad):
    # Faithful translation of apply_mask (deterministic branch: mask always applied).
    # Per sample: top-k indices of the flat gradient magnitude, folded into the
    # 224x224 spatial grid, and those pixels (all 3 channels) are overwritten with 0.
    def mask_one(d, g):
        _, max_index = jax.lax.top_k(g, K)
        reduced_index = jnp.mod(max_index, IMAGE_SIZE ** 2)
        rows = (reduced_index // IMAGE_SIZE).astype(jnp.int32)
        cols = jnp.mod(reduced_index, IMAGE_SIZE).astype(jnp.int32)
        # scatter-overwrite: tensor_scatter_nd_update with zeros -> .at[...].set(0)
        return d.at[rows, cols, :].set(0.0)

    return jax.vmap(mask_one)(Data, line_grad)

if __name__ == "__main__":
    import jax
    _d = setup_inputs()
    print(jax.jit(kernel)(*tuple(_d.values())))

</pallas_src>

<mosaic_0001>
#map = affine_map<(d0, d1) -> (0, 0, 0, 0)>
#map1 = affine_map<(d0, d1) -> (0, 0)>
module attributes {stable_mosaic.version = 14 : i64} {
  func.func @hist_kernel(%arg0: i32, %arg1: i32, %arg2: memref<32x1176x8x128xi32, #tpu.memory_space<hbm>>, %arg3: memref<32x2048xf32, #tpu.memory_space<hbm>>, %arg4: memref<24x8x128xi32, #tpu.memory_space<vmem>>, %arg5: memref<32768xf32, #tpu.memory_space<vmem>>, %arg6: memref<2048xf32, #tpu.memory_space<vmem>>) attributes {dimension_semantics = [#tpu.dimension_semantics<core_parallel>, #tpu.dimension_semantics<subcore_parallel>], iteration_bounds = array<i64: 2, 16>, scalar_prefetch = 0 : i64, scratch_operands = 3 : i64, tpu.core_type = #tpu.core_type<sc_vector_subcore>, window_params = [{transform_indices = #map}, {transform_indices = #map1}]} {
    %mul3A = arith.constant 2 : i32
    %mul3A_0 = arith.muli %arg1, %mul3A : i32
    %add3A = arith.addi %mul3A_0, %arg0 : i32
    %broadcast_in_dim3A = arith.constant 0.000000e+00 : f32
    %broadcast_in_dim3A_1 = vector.broadcast %broadcast_in_dim3A : f32 to vector<16xf32>
    %broadcast_in_dim3A_2 = arith.constant 1.000000e+00 : f32
    %broadcast_in_dim3A_3 = vector.broadcast %broadcast_in_dim3A_2 : f32 to vector<16xf32>
    %iota3A = tpu.iota {dimensions = array<i32: 0>} : vector<16xi32>
    %mul3A_4 = arith.constant 256 : i32
    %mul3A_5 = vector.broadcast %mul3A_4 : i32 to vector<16xi32>
    %mul3A_6 = arith.muli %iota3A, %mul3A_5 : vector<16xi32>
    %scan3A = arith.constant 0 : i32
    %scan3A_7 = arith.constant 0 : i32
    %scan3A_8 = arith.constant 2048 : i32
    %scan3A_9 = arith.addi %scan3A_7, %scan3A_8 : i32
    %scan3A_10 = arith.constant 1 : i32
    %scan3A_11 = scf.for %scan3A_27 = %scan3A_7 to %scan3A_9 step %scan3A_10 iter_args(%scan3A_28 = %scan3A) -> (i32)  : i32 {
      %mul3A_29 = arith.constant 16 : i32
      %mul3A_30 = arith.muli %scan3A_27, %mul3A_29 : i32
      %swap3A = arith.index_cast %mul3A_30 : i32 to index
      %swap3A_31 = tpu.vector_load %arg5[%swap3A] {strides = array<i32>} : memref<32768xf32, #tpu.memory_space<vmem>>, vector<16xf32>,
      tpu.vector_store %arg5[%swap3A], %broadcast_in_dim3A_1 {strides = array<i32>} : memref<32768xf32, #tpu.memory_space<vmem>>, vector<16xf32>,
      %scan3A_32 = arith.constant 0 : i32
      scf.yield %scan3A_32 : i32
    }
    %scan3A_12 = arith.constant 2048 : i32
    %scan3A_13 = arith.constant 0 : i32
    %scan3A_14 = arith.constant 0 : i32
    %scan3A_15 = arith.constant 49 : i32
    %scan3A_16 = arith.addi %scan3A_14, %scan3A_15 : i32
    %scan3A_17 = arith.constant 1 : i32
    %scan3A_18 = scf.for %scan3A_27 = %scan3A_14 to %scan3A_16 step %scan3A_17 iter_args(%scan3A_28 = %scan3A_13) -> (i32)  : i32 {
      %mul3A_29 = arith.constant 24 : i32
      %mul3A_30 = arith.muli %scan3A_27, %mul3A_29 : i32
      "tpu.region"() ({
        %run_scoped3A = tpu.sem_alloc : memref<!tpu.dma_semaphore, #tpu.memory_space<semaphore_mem>>
        %dma_start3A = arith.constant 0 : i32
        %dma_start3A_39 = arith.constant 0 : i32
        %dma_start3A_40 = tpu.memref_slice %arg2[%add3A, %mul3A_30, %dma_start3A, %dma_start3A_39] : memref<32x1176x8x128xi32, #tpu.memory_space<hbm>> -> memref<1x24x8x128xi32, #tpu.memory_space<hbm>>
        %dma_start3A_41 = tpu.memref_squeeze %dma_start3A_40 : memref<1x24x8x128xi32, #tpu.memory_space<hbm>> -> memref<24x8x128xi32, #tpu.memory_space<hbm>>
        %dma_start3A_42 = arith.constant 0 : i32
        %dma_start3A_43 = arith.constant 0 : i32
        %dma_start3A_44 = tpu.memref_slice %arg2[%add3A, %mul3A_30, %dma_start3A_42, %dma_start3A_43] : memref<32x1176x8x128xi32, #tpu.memory_space<hbm>> -> memref<1x24x8x128xi32, #tpu.memory_space<hbm>>
        %dma_start3A_45 = tpu.memref_squeeze %dma_start3A_44 : memref<1x24x8x128xi32, #tpu.memory_space<hbm>> -> memref<24x8x128xi32, #tpu.memory_space<hbm>>
        tpu.enqueue_dma source(%dma_start3A_45 : memref<24x8x128xi32, #tpu.memory_space<hbm>>) target(%arg4 : memref<24x8x128xi32, #tpu.memory_space<vmem>>) target_semaphore(%run_scoped3A : memref<!tpu.dma_semaphore, #tpu.memory_space<semaphore_mem>>)
        %dma_wait3A = arith.constant 0 : i32
        %dma_wait3A_46 = arith.constant 0 : i32
        %dma_wait3A_47 = tpu.memref_slice %arg2[%add3A, %mul3A_30, %dma_wait3A, %dma_wait3A_46] : memref<32x1176x8x128xi32, #tpu.memory_space<hbm>> -> memref<1x24x8x128xi32, #tpu.memory_space<hbm>>
        %dma_wait3A_48 = tpu.memref_squeeze %dma_wait3A_47 : memref<1x24x8x128xi32, #tpu.memory_space<hbm>> -> memref<24x8x128xi32, #tpu.memory_space<hbm>>
        %dma_wait3A_49 = arith.constant 0 : i32
        %dma_wait3A_50 = arith.constant 0 : i32
        %dma_wait3A_51 = tpu.memref_slice %arg2[%add3A, %mul3A_30, %dma_wait3A_49, %dma_wait3A_50] : memref<32x1176x8x128xi32, #tpu.memory_space<hbm>> -> memref<1x24x8x128xi32, #tpu.memory_space<hbm>>
        %dma_wait3A_52 = tpu.memref_squeeze %dma_wait3A_51 : memref<1x24x8x128xi32, #tpu.memory_space<hbm>> -> memref<24x8x128xi32, #tpu.memory_space<hbm>>
        tpu.wait_dma2 semaphore(%run_scoped3A : memref<!tpu.dma_semaphore, #tpu.memory_space<semaphore_mem>>) src(%dma_wait3A_52 : memref<24x8x128xi32, #tpu.memory_space<hbm>>) dst(%arg4 : memref<24x8x128xi32, #tpu.memory_space<vmem>>)
        tpu.yield
      }) : () -> ()
      %scan3A_31 = arith.constant 0 : i32
      %scan3A_32 = arith.constant 0 : i32
      %scan3A_33 = arith.constant 24 : i32
      %scan3A_34 = arith.addi %scan3A_32, %scan3A_33 : i32
      %scan3A_35 = arith.constant 1 : i32
      %scan3A_36 = scf.for %scan3A_39 = %scan3A_32 to %scan3A_34 step %scan3A_35 iter_args(%scan3A_40 = %scan3A_31) -> (i32)  : i32 {
        %get3A = arith.constant 0 : i32
        %get3A_41 = arith.index_cast %scan3A_39 : i32 to index
        %get3A_42 = arith.index_cast %get3A : i32 to index
        %get3A_43 = arith.constant 0 : index
        %get3A_44 = tpu.vector_load %arg4[%get3A_41, %get3A_42, %get3A_43] {strides = array<i32>} : memref<24x8x128xi32, #tpu.memory_space<vmem>>, vector<16xi32>,
        %shift_right_logical3A = arith.constant 23 : i32
        %shift_right_logical3A_45 = vector.broadcast %shift_right_logical3A : i32 to vector<16xi32>
        %shift_right_logical3A_46 = arith.shrui %get3A_44, %shift_right_logical3A_45 : vector<16xi32>
        %and3A = arith.constant 255 : i32
        %and3A_47 = vector.broadcast %and3A : i32 to vector<16xi32>
        %and3A_48 = arith.andi %shift_right_logical3A_46, %and3A_47 : vector<16xi32>
        %add3A_49 = arith.constant 0 : i32
        %add3A_50 = vector.broadcast %add3A_49 : i32 to vector<16xi32>
        %add3A_51 = arith.addi %and3A_48, %add3A_50 : vector<16xi32>
        %add3A_52 = arith.addi %mul3A_6, %add3A_51 : vector<16xi32>
        tpu.vector_store_idx %arg5[%add3A_52], %broadcast_in_dim3A_3 {add = true} : memref<32768xf32, #tpu.memory_space<vmem>>[vector<16xi32>], vector<16xf32>,
        %get3A_53 = arith.constant 0 : i32
        %get3A_54 = arith.index_cast %scan3A_39 : i32 to index
        %get3A_55 = arith.index_cast %get3A_53 : i32 to index
        %get3A_56 = arith.constant 16 : index
        %get3A_57 = tpu.vector_load %arg4[%get3A_54, %get3A_55, %get3A_56] {strides = array<i32>} : memref<24x8x128xi32, #tpu.memory_space<vmem>>, vector<16xi32>,
        %shift_right_logical3A_58 = arith.constant 23 : i32
        %shift_right_logical3A_59 = vector.broadcast %shift_right_logical3A_58 : i32 to vector<16xi32>
        %shift_right_logical3A_60 = arith.shrui %get3A_57, %shift_right_logical3A_59 : vector<16xi32>
        %and3A_61 = arith.constant 255 : i32
        %and3A_62 = vector.broadcast %and3A_61 : i32 to vector<16xi32>
        %and3A_63 = arith.andi %shift_right_logical3A_60, %and3A_62 : vector<16xi32>
        %add3A_64 = arith.constant 0 : i32
        %add3A_65 = vector.broadcast %add3A_64 : i32 to vector<16xi32>
        %add3A_66 = arith.addi %and3A_63, %add3A_65 : vector<16xi32>
        %add3A_67 = arith.addi %mul3A_6, %add3A_66 : vector<16xi32>
        tpu.vector_store_idx %arg5[%add3A_67], %broadcast_in_dim3A_3 {add = true} : memref<32768xf32, #tpu.memory_space<vmem>>[vector<16xi32>], vector<16xf32>,
        %get3A_68 = arith.constant 0 : i32
        %get3A_69 = arith.index_cast %scan3A_39 : i32 to index
        %get3A_70 = arith.index_cast %get3A_68 : i32 to index
        %get3A_71 = arith.constant 32 : index
        %get3A_72 = tpu.vector_load %arg4[%get3A_69, %get3A_70, %get3A_71] {strides = array<i32>} : memref<24x8x128xi32, #tpu.memory_space<vmem>>, vector<16xi32>,
        %shift_right_logical3A_73 = arith.constant 23 : i32
        %shift_right_logical3A_74 = vector.broadcast %shift_right_logical3A_73 : i32 to vector<16xi32>
        %shift_right_logical3A_75 = arith.shrui %get3A_72, %shift_right_logical3A_74 : vector<16xi32>
        %and3A_76 = arith.constant 255 : i32
        %and3A_77 = vector.broadcast %and3A_76 : i32 to vector<16xi32>
        %and3A_78 = arith.andi %shift_right_logical3A_75, %and3A_77 : vector<16xi32>
        %add3A_79 = arith.constant 0 : i32
        %add3A_80 = vector.broadcast %add3A_79 : i32 to vector<16xi32>
        %add3A_81 = arith.addi %and3A_78, %add3A_80 : vector<16xi32>
        %add3A_82 = arith.addi %mul3A_6, %add3A_81 : vector<16xi32>
        tpu.vector_store_idx %arg5[%add3A_82], %broadcast_in_dim3A_3 {add = true} : memref<32768xf32, #tpu.memory_space<vmem>>[vector<16xi32>], vector<16xf32>,
        %get3A_83 = arith.constant 0 : i32
        %get3A_84 = arith.index_cast %scan3A_39 : i32 to index
        %get3A_85 = arith.index_cast %get3A_83 : i32 to index
        %get3A_86 = arith.constant 48 : index
        %get3A_87 = tpu.vector_load %arg4[%get3A_84, %get3A_85, %get3A_86] {strides = array<i32>} : memref<24x8x128xi32, #tpu.memory_space<vmem>>, vector<16xi32>,
        %shift_right_logical3A_88 = arith.constant 23 : i32
        %shift_right_logical3A_89 = vector.broadcast %shift_right_logical3A_88 : i32 to vector<16xi32>
        %shift_right_logical3A_90 = arith.shrui %get3A_87, %shift_right_logical3A_89 : vector<16xi32>
        %and3A_91 = arith.constant 255 : i32
        %and3A_92 = vector.broadcast %and3A_91 : i32 to vector<16xi32>
        %and3A_93 = arith.andi %shift_right_logical3A_90, %and3A_92 : vector<16xi32>
        %add3A_94 = arith.constant 0 : i32
        %add3A_95 = vector.broadcast %add3A_94 : i32 to vector<16xi32>
        %add3A_96 = arith.addi %and3A_93, %add3A_95 : vector<16xi32>
        %add3A_97 = arith.addi %mul3A_6, %add3A_96 : vector<16xi32>
        tpu.vector_store_idx %arg5[%add3A_97], %broadcast_in_dim3A_3 {add = true} : memref<32768xf32, #tpu.memory_space<vmem>>[vector<16xi32>], vector<16xf32>,
        %get3A_98 = arith.constant 0 : i32
        %get3A_99 = arith.index_cast %scan3A_39 : i32 to index
        %get3A_100 = arith.index_cast %get3A_98 : i32 to index
        %get3A_101 = arith.constant 64 : index
        %get3A_102 = tpu.vector_load %arg4[%get3A_99, %get3A_100, %get3A_101] {strides = array<i32>} : memref<24x8x128xi32, #tpu.memory_space<vmem>>, vector<16xi32>,
        %shift_right_logical3A_103 = arith.constant 23 : i32
        %shift_right_logical3A_104 = vector.broadcast %shift_right_logical3A_103 : i32 to vector<16xi32>
        %shift_right_logical3A_105 = arith.shrui %get3A_102, %shift_right_logical3A_104 : vector<16xi32>
        %and3A_106 = arith.constant 255 : i32
        %and3A_107 = vector.broadcast %and3A_106 : i32 to vector<16xi32>
        %and3A_108 = arith.andi %shift_right_logical3A_105, %and3A_107 : vector<16xi32>
        %add3A_109 = arith.constant 0 : i32
        %add3A_110 = vector.broadcast %add3A_109 : i32 to vector<16xi32>
        %add3A_111 = arith.addi %and3A_108, %add3A_110 : vector<16xi32>
        %add3A_112 = arith.addi %mul3A_6, %add3A_111 : vector<16xi32>
        tpu.vector_store_idx %arg5[%add3A_112], %broadcast_in_dim3A_3 {add = true} : memref<32768xf32, #tpu.memory_space<vmem>>[vector<16xi32>], vector<16xf32>,
        %get3A_113 = arith.constant 0 : i32
        %get3A_114 = arith.index_cast %scan3A_39 : i32 to index
        %get3A_115 = arith.index_cast %get3A_113 : i32 to index
        %get3A_116 = arith.constant 80 : index
        %get3A_117 = tpu.vector_load %arg4[%get3A_114, %get3A_115, %get3A_116] {strides = array<i32>} : memref<24x8x128xi32, #tpu.memory_space<vmem>>, vector<16xi32>,
        %shift_right_logical3A_118 = arith.constant 23 : i32
        %shift_right_logical3A_119 = vector.broadcast %shift_right_logical3A_118 : i32 to vector<16xi32>
        %shift_right_logical3A_120 = arith.shrui %get3A_117, %shift_right_logical3A_119 : vector<16xi32>
        %and3A_121 = arith.constant 255 : i32
        %and3A_122 = vector.broadcast %and3A_121 : i32 to vector<16xi32>
        %and3A_123 = arith.andi %shift_right_logical3A_120, %and3A_122 : vector<16xi32>
        %add3A_124 = arith.constant 0 : i32
        %add3A_125 = vector.broadcast %add3A_124 : i32 to vector<16xi32>
        %add3A_126 = arith.addi %and3A_123, %add3A_125 : vector<16xi32>
        %add3A_127 = arith.addi %mul3A_6, %add3A_126 : vector<16xi32>
        tpu.vector_store_idx %arg5[%add3A_127], %broadcast_in_dim3A_3 {add = true} : memref<32768xf32, #tpu.memory_space<vmem>>[vector<16xi32>], vector<16xf32>,
        %get3A_128 = arith.constant 0 : i32
        %get3A_129 = arith.index_cast %scan3A_39 : i32 to index
        %get3A_130 = arith.index_cast %get3A_128 : i32 to index
        %get3A_131 = arith.constant 96 : index
        %get3A_132 = tpu.vector_load %arg4[%get3A_129, %get3A_130, %get3A_131] {strides = array<i32>} : memref<24x8x128xi32, #tpu.memory_space<vmem>>, vector<16xi32>,
        %shift_right_logical3A_133 = arith.constant 23 : i32
        %shift_right_logical3A_134 = vector.broadcast %shift_right_logical3A_133 : i32 to vector<16xi32>
        %shift_right_logical3A_135 = arith.shrui %get3A_132, %shift_right_logical3A_134 : vector<16xi32>
        %and3A_136 = arith.constant 255 : i32
        %and3A_137 = vector.broadcast %and3A_136 : i32 to vector<16xi32>
        %and3A_138 = arith.andi %shift_right_logical3A_135, %and3A_137 : vector<16xi32>
        %add3A_139 = arith.constant 0 : i32
        %add3A_140 = vector.broadcast %add3A_139 : i32 to vector<16xi32>
        %add3A_141 = arith.addi %and3A_138, %add3A_140 : vector<16xi32>
        %add3A_142 = arith.addi %mul3A_6, %add3A_141 : vector<16xi32>
        tpu.vector_store_idx %arg5[%add3A_142], %broadcast_in_dim3A_3 {add = true} : memref<32768xf32, #tpu.memory_space<vmem>>[vector<16xi32>], vector<16xf32>,
        %get3A_143 = arith.constant 0 : i32
        %get3A_144 = arith.index_cast %scan3A_39 : i32 to index
        %get3A_145 = arith.index_cast %get3A_143 : i32 to index
        %get3A_146 = arith.constant 112 : index
        %get3A_147 = tpu.vector_load %arg4[%get3A_144, %get3A_145, %get3A_146] {strides = array<i32>} : memref<24x8x128xi32, #tpu.memory_space<vmem>>, vector<16xi32>,
        %shift_right_logical3A_148 = arith.constant 23 : i32
        %shift_right_logical3A_149 = vector.broadcast %shift_right_logical3A_148 : i32 to vector<16xi32>
        %shift_right_logical3A_150 = arith.shrui %get3A_147, %shift_right_logical3A_149 : vector<16xi32>
        %and3A_151 = arith.constant 255 : i32
        %and3A_152 = vector.broadcast %and3A_151 : i32 to vector<16xi32>
        %and3A_153 = arith.andi %shift_right_logical3A_150, %and3A_152 : vector<16xi32>
        %add3A_154 = arith.constant 0 : i32
        %add3A_155 = vector.broadcast %add3A_154 : i32 to vector<16xi32>
        %add3A_156 = arith.addi %and3A_153, %add3A_155 : vector<16xi32>
        %add3A_157 = arith.addi %mul3A_6, %add3A_156 : vector<16xi32>
        tpu.vector_store_idx %arg5[%add3A_157], %broadcast_in_dim3A_3 {add = true} : memref<32768xf32, #tpu.memory_space<vmem>>[vector<16xi32>], vector<16xf32>,
        %get3A_158 = arith.constant 1 : i32
        %get3A_159 = arith.index_cast %scan3A_39 : i32 to index
        %get3A_160 = arith.index_cast %get3A_158 : i32 to index
        %get3A_161 = arith.constant 0 : index
        %get3A_162 = tpu.vector_load %arg4[%get3A_159, %get3A_160, %get3A_161] {strides = array<i32>} : memref<24x8x128xi32, #tpu.memory_space<vmem>>, vector<16xi32>,
        %shift_right_logical3A_163 = arith.constant 23 : i32
        %shift_right_logical3A_164 = vector.broadcast %shift_right_logical3A_163 : i32 to vector<16xi32>
        %shift_right_logical3A_165 = arith.shrui %get3A_162, %shift_right_logical3A_164 : vector<16xi32>
        %and3A_166 = arith.constant 255 : i32
        %and3A_167 = vector.broadcast %and3A_166 : i32 to vector<16xi32>
        %and3A_168 = arith.andi %shift_right_logical3A_165, %and3A_167 : vector<16xi32>
        %add3A_169 = arith.constant 4096 : i32
        %add3A_170 = vector.broadcast %add3A_169 : i32 to vector<16xi32>
        %add3A_171 = arith.addi %and3A_168, %add3A_170 : vector<16xi32>
        %add3A_172 = arith.addi %mul3A_6, %add3A_171 : vector<16xi32>
        tpu.vector_store_idx %arg5[%add3A_172], %broadcast_in_dim3A_3 {add = true} : memref<32768xf32, #tpu.memory_space<vmem>>[vector<16xi32>], vector<16xf32>,
        %get3A_173 = arith.constant 1 : i32
        %get3A_174 = arith.index_cast %scan3A_39 : i32 to index
        %get3A_175 = arith.index_cast %get3A_173 : i32 to index
        %get3A_176 = arith.constant 16 : index
        %get3A_177 = tpu.vector_load %arg4[%get3A_174, %get3A_175, %get3A_176] {strides = array<i32>} : memref<24x8x128xi32, #tpu.memory_space<vmem>>, vector<16xi32>,
        %shift_right_logical3A_178 = arith.constant 23 : i32
        %shift_right_logical3A_179 = vector.broadcast %shift_right_logical3A_178 : i32 to vector<16xi32>
        %shift_right_logical3A_180 = arith.shrui %get3A_177, %shift_right_logical3A_179 : vector<16xi32>
        %and3A_181 = arith.constant 255 : i32
        %and3A_182 = vector.broadcast %and3A_181 : i32 to vector<16xi32>
        %and3A_183 = arith.andi %shift_right_logical3A_180, %and3A_182 : vector<16xi32>
        %add3A_184 = arith.constant 4096 : i32
        %add3A_185 = vector.broadcast %add3A_184 : i32 to vector<16xi32>
        %add3A_186 = arith.addi %and3A_183, %add3A_185 : vector<16xi32>
        %add3A_187 = arith.addi %mul3A_6, %add3A_186 : vector<16xi32>
        tpu.vector_store_idx %arg5[%add3A_187], %broadcast_in_dim3A_3 {add = true} : memref<32768xf32, #tpu.memory_space<vmem>>[vector<16xi32>], vector<16xf32>,
        %get3A_188 = arith.constant 1 : i32
        %get3A_189 = arith.index_cast %scan3A_39 : i32 to index
        %get3A_190 = arith.index_cast %get3A_188 : i32 to index
        %get3A_191 = arith.constant 32 : index
        %get3A_192 = tpu.vector_load %arg4[%get3A_189, %get3A_190, %get3A_191] {strides = array<i32>} : memref<24x8x128xi32, #tpu.memory_space<vmem>>, vector<16xi32>,
        %shift_right_logical3A_193 = arith.constant 23 : i32
        %shift_right_logical3A_194 = vector.broadcast %shift_right_logical3A_193 : i32 to vector<16xi32>
        %shift_right_logical3A_195 = arith.shrui %get3A_192, %shift_right_logical3A_194 : vector<16xi32>
        %and3A_196 = arith.constant 255 : i32
        %and3A_197 = vector.broadcast %and3A_196 : i32 to vector<16xi32>
        %and3A_198 = arith.andi %shift_right_logical3A_195, %and3A_197 : vector<16xi32>
        %add3A_199 = arith.constant 4096 : i32
        %add3A_200 = vector.broadcast %add3A_199 : i32 to vector<16xi32>
        %add3A_201 = arith.addi %and3A_198, %add3A_200 : vector<16xi32>
        %add3A_202 = arith.addi %mul3A_6, %add3A_201 : vector<16xi32>
        tpu.vector_store_idx %arg5[%add3A_202], %broadcast_in_dim3A_3 {add = true} : memref<32768xf32, #tpu.memory_space<vmem>>[vector<16xi32>], vector<16xf32>,
        %get3A_203 = arith.constant 1 : i32
        %get3A_204 = arith.index_cast %scan3A_39 : i32 to index
        %get3A_205 = arith.index_cast %get3A_203 : i32 to index
        %get3A_206 = arith.constant 48 : index
        %get3A_207 = tpu.vector_load %arg4[%get3A_204, %get3A_205, %get3A_206] {strides = array<i32>} : memref<24x8x128xi32, #tpu.memory_space<vmem>>, vector<16xi32>,
        %shift_right_logical3A_208 = arith.constant 23 : i32
        %shift_right_logical3A_209 = vector.broadcast %shift_right_logical3A_208 : i32 to vector<16xi32>
        %shift_right_logical3A_210 = arith.shrui %get3A_207, %shift_right_logical3A_209 : vector<16xi32>
        %and3A_211 = arith.constant 255 : i32
        %and3A_212 = vector.broadcast %and3A_211 : i32 to vector<16xi32>
        %and3A_213 = arith.andi %shift_right_logical3A_210, %and3A_212 : vector<16xi32>
        %add3A_214 = arith.constant 4096 : i32
        %add3A_215 = vector.broadcast %add3A_214 : i32 to vector<16xi32>
        %add3A_216 = arith.addi %and3A_213, %add3A_215 : vector<16xi32>
        %add3A_217 = arith.addi %mul3A_6, %add3A_216 : vector<16xi32>
        tpu.vector_store_idx %arg5[%add3A_217], %broadcast_in_dim3A_3 {add = true} : memref<32768xf32, #tpu.memory_space<vmem>>[vector<16xi32>], vector<16xf32>,
        %get3A_218 = arith.constant 1 : i32
        %get3A_219 = arith.index_cast %scan3A_39 : i32 to index
        %get3A_220 = arith.index_cast %get3A_218 : i32 to index
        %get3A_221 = arith.constant 64 : index
        %get3A_222 = tpu.vector_load %arg4[%get3A_219, %get3A_220, %get3A_221] {strides = array<i32>} : memref<24x8x128xi32, #tpu.memory_space<vmem>>, vector<16xi32>,
        %shift_right_logical3A_223 = arith.constant 23 : i32
        %shift_right_logical3A_224 = vector.broadcast %shift_right_logical3A_223 : i32 to vector<16xi32>
        %shift_right_logical3A_225 = arith.shrui %get3A_222, %shift_right_logical3A_224 : vector<16xi32>
        %and3A_226 = arith.constant 255 : i32
        %and3A_227 = vector.broadcast %and3A_226 : i32 to vector<16xi32>
        %and3A_228 = arith.andi %shift_right_logical3A_225, %and3A_227 : vector<16xi32>
        %add3A_229 = arith.constant 4096 : i32
        %add3A_230 = vector.broadcast %add3A_229 : i32 to vector<16xi32>
        %add3A_231 = arith.addi %and3A_228, %add3A_230 : vector<16xi32>
        %add3A_232 = arith.addi %mul3A_6, %add3A_231 : vector<16xi32>
        tpu.vector_store_idx %arg5[%add3A_232], %broadcast_in_dim3A_3 {add = true} : memref<32768xf32, #tpu.memory_space<vmem>>[vector<16xi32>], vector<16xf32>,
        %get3A_233 = arith.constant 1 : i32
        %get3A_234 = arith.index_cast %scan3A_39 : i32 to index
        %get3A_235 = arith.index_cast %get3A_233 : i32 to index
        %get3A_236 = arith.constant 80 : index
        %get3A_237 = tpu.vector_load %arg4[%get3A_234, %get3A_235, %get3A_236] {strides = array<i32>} : memref<24x8x128xi32, #tpu.memory_space<vmem>>, vector<16xi32>,
        %shift_right_logical3A_238 = arith.constant 23 : i32
        %shift_right_logical3A_239 = vector.broadcast %shift_right_logical3A_238 : i32 to vector<16xi32>
        %shift_right_logical3A_240 = arith.shrui %get3A_237, %shift_right_logical3A_239 : vector<16xi32>
        %and3A_241 = arith.constant 255 : i32
        %and3A_242 = vector.broadcast %and3A_241 : i32 to vector<16xi32>
        %and3A_243 = arith.andi %shift_right_logical3A_240, %and3A_242 : vector<16xi32>
        %add3A_244 = arith.constant 4096 : i32
        %add3A_245 = vector.broadcast %add3A_244 : i32 to vector<16xi32>
        %add3A_246 = arith.addi %and3A_243, %add3A_245 : vector<16xi32>
        %add3A_247 = arith.addi %mul3A_6, %add3A_246 : vector<16xi32>
        tpu.vector_store_idx %arg5[%add3A_247], %broadcast_in_dim3A_3 {add = true} : memref<32768xf32, #tpu.memory_space<vmem>>[vector<16xi32>], vector<16xf32>,
        %get3A_248 = arith.constant 1 : i32
        %get3A_249 = arith.index_cast %scan3A_39 : i32 to index
        %get3A_250 = arith.index_cast %get3A_248 : i32 to index
        %get3A_251 = arith.constant 96 : index
        %get3A_252 = tpu.vector_load %arg4[%get3A_249, %get3A_250, %get3A_251] {strides = array<i32>} : memref<24x8x128xi32, #tpu.memory_space<vmem>>, vector<16xi32>,
        %shift_right_logical3A_253 = arith.constant 23 : i32
        %shift_right_logical3A_254 = vector.broadcast %shift_right_logical3A_253 : i32 to vector<16xi32>
        %shift_right_logical3A_255 = arith.shrui %get3A_252, %shift_right_logical3A_254 : vector<16xi32>
        %and3A_256 = arith.constant 255 : i32
        %and3A_257 = vector.broadcast %and3A_256 : i32 to vector<16xi32>
        %and3A_258 = arith.andi %shift_right_logical3A_255, %and3A_257 : vector<16xi32>
        %add3A_259 = arith.constant 4096 : i32
        %add3A_260 = vector.broadcast %add3A_259 : i32 to vector<16xi32>
        %add3A_261 = arith.addi %and3A_258, %add3A_260 : vector<16xi32>
        %add3A_262 = arith.addi %mul3A_6, %add3A_261 : vector<16xi32>
        tpu.vector_store_idx %arg5[%add3A_262], %broadcast_in_dim3A_3 {add = true} : memref<32768xf32, #tpu.memory_space<vmem>>[vector<16xi32>], vector<16xf32>,
        %get3A_263 = arith.constant 1 : i32
        %get3A_264 = arith.index_cast %scan3A_39 : i32 to index
        %get3A_265 = arith.index_cast %get3A_263 : i32 to index
        %get3A_266 = arith.constant 112 : index
        %get3A_267 = tpu.vector_load %arg4[%get3A_264, %get3A_265, %get3A_266] {strides = array<i32>} : memref<24x8x128xi32, #tpu.memory_space<vmem>>, vector<16xi32>,
        %shift_right_logical3A_268 = arith.constant 23 : i32
        %shift_right_logical3A_269 = vector.broadcast %shift_right_logical3A_268 : i32 to vector<16xi32>
        %shift_right_logical3A_270 = arith.shrui %get3A_267, %shift_right_logical3A_269 : vector<16xi32>
        %and3A_271 = arith.constant 255 : i32
        %and3A_272 = vector.broadcast %and3A_271 : i32 to vector<16xi32>
        %and3A_273 = arith.andi %shift_right_logical3A_270, %and3A_272 : vector<16xi32>
        %add3A_274 = arith.constant 4096 : i32
        %add3A_275 = vector.broadcast %add3A_274 : i32 to vector<16xi32>
        %add3A_276 = arith.addi %and3A_273, %add3A_275 : vector<16xi32>
        %add3A_277 = arith.addi %mul3A_6, %add3A_276 : vector<16xi32>
        tpu.vector_store_idx %arg5[%add3A_277], %broadcast_in_dim3A_3 {add = true} : memref<32768xf32, #tpu.memory_space<vmem>>[vector<16xi32>], vector<16xf32>,
        %get3A_278 = arith.constant 2 : i32
        %get3A_279 = arith.index_cast %scan3A_39 : i32 to index
        %get3A_280 = arith.index_cast %get3A_278 : i32 to index
        %get3A_281 = arith.constant 0 : index
        %get3A_282 = tpu.vector_load %arg4[%get3A_279, %get3A_280, %get3A_281] {strides = array<i32>} : memref<24x8x128xi32, #tpu.memory_space<vmem>>, vector<16xi32>,
        %shift_right_logical3A_283 = arith.constant 23 : i32
        %shift_right_logical3A_284 = vector.broadcast %shift_right_logical3A_283 : i32 to vector<16xi32>
        %shift_right_logical3A_285 = arith.shrui %get3A_282, %shift_right_logical3A_284 : vector<16xi32>
        %and3A_286 = arith.constant 255 : i32
        %and3A_287 = vector.broadcast %and3A_286 : i32 to vector<16xi32>
        %and3A_288 = arith.andi %shift_right_logical3A_285, %and3A_287 : vector<16xi32>
        %add3A_289 = arith.constant 8192 : i32
        %add3A_290 = vector.broadcast %add3A_289 : i32 to vector<16xi32>
        %add3A_291 = arith.addi %and3A_288, %add3A_290 : vector<16xi32>
        %add3A_292 = arith.addi %mul3A_6, %add3A_291 : vector<16xi32>
        tpu.vector_store_idx %arg5[%add3A_292], %broadcast_in_dim3A_3 {add = true} : memref<32768xf32, #tpu.memory_space<vmem>>[vector<16xi32>], vector<16xf32>,
        %get3A_293 = arith.constant 2 : i32
        %get3A_294 = arith.index_cast %scan3A_39 : i32 to index
        %get3A_295 = arith.index_cast %get3A_293 : i32 to index
        %get3A_296 = arith.constant 16 : index
        %get3A_297 = tpu.vector_load %arg4[%get3A_294, %get3A_295, %get3A_296] {strides = array<i32>} : memref<24x8x128xi32, #tpu.memory_space<vmem>>, vector<16xi32>,
        %shift_right_logical3A_298 = arith.constant 23 : i32
        %shift_right_logical3A_299 = vector.broadcast %shift_right_logical3A_298 : i32 to vector<16xi32>
        %shift_right_logical3A_300 = arith.shrui %get3A_297, %shift_right_logical3A_299 : vector<16xi32>
        %and3A_301 = arith.constant 255 : i32
        %and3A_302 = vector.broadcast %and3A_301 : i32 to vector<16xi32>
        %and3A_303 = arith.andi %shift_right_logical3A_300, %and3A_302 : vector<16xi32>
        %add3A_304 = arith.constant 8192 : i32
        %add3A_305 = vector.broadcast %add3A_304 : i32 to vector<16xi32>
        %add3A_306 = arith.addi %and3A_303, %add3A_305 : vector<16xi32>
        %add3A_307 = arith.addi %mul3A_6, %add3A_306 : vector<16xi32>
        tpu.vector_store_idx %arg5[%add3A_307], %broadcast_in_dim3A_3 {add = true} : memref<32768xf32, #tpu.memory_space<vmem>>[vector<16xi32>], vector<16xf32>,
        %get3A_308 = arith.constant 2 : i32
        %get3A_309 = arith.index_cast %scan3A_39 : i32 to index
        %get3A_310 = arith.index_cast %get3A_308 : i32 to index
        %get3A_311 = arith.constant 32 : index
        %get3A_312 = tpu.vector_load %arg4[%get3A_309, %get3A_310, %get3A_311] {strides = array<i32>} : memref<24x8x128xi32, #tpu.memory_space<vmem>>, vector<16xi32>,
        %shift_right_logical3A_313 = arith.constant 23 : i32
        %shift_right_logical3A_314 = vector.broadcast %shift_right_logical3A_313 : i32 to vector<16xi32>
        %shift_right_logical3A_315 = arith.shrui %get3A_312, %shift_right_logical3A_314 : vector<16xi32>
        %and3A_316 = arith.constant 255 : i32
        %and3A_317 = vector.broadcast %and3A_316 : i32 to vector<16xi32>
        %and3A_318 = arith.andi %shift_right_logical3A_315, %and3A_317 : vector<16xi32>
        %add3A_319 = arith.constant 8192 : i32
        %add3A_320 = vector.broadcast %add3A_319 : i32 to vector<16xi32>
        %add3A_321 = arith.addi %and3A_318, %add3A_320 : vector<16xi32>
        %add3A_322 = arith.addi %mul3A_6, %add3A_321 : vector<16xi32>
        tpu.vector_store_idx %arg5[%add3A_322], %broadcast_in_dim3A_3 {add = true} : memref<32768xf32, #tpu.memory_space<vmem>>[vector<16xi32>], vector<16xf32>,
        %get3A_323 = arith.constant 2 : i32
        %get3A_324 = arith.index_cast %scan3A_39 : i32 to index
        %get3A_325 = arith.index_cast %get3A_323 : i32 to index
        %get3A_326 = arith.constant 48 : index
        %get3A_327 = tpu.vector_load %arg4[%get3A_324, %get3A_325, %get3A_326] {strides = array<i32>} : memref<24x8x128xi32, #tpu.memory_space<vmem>>, vector<16xi32>,
        %shift_right_logical3A_328 = arith.constant 23 : i32
        %shift_right_logical3A_329 = vector.broadcast %shift_right_logical3A_328 : i32 to vector<16xi32>
        %shift_right_logical3A_330 = arith.shrui %get3A_327, %shift_right_logical3A_329 : vector<16xi32>
        %and3A_331 = arith.constant 255 : i32
        %and3A_332 = vector.broadcast %and3A_331 : i32 to vector<16xi32>
        %and3A_333 = arith.andi %shift_right_logical3A_330, %and3A_332 : vector<16xi32>
        %add3A_334 = arith.constant 8192 : i32
        %add3A_335 = vector.broadcast %add3A_334 : i32 to vector<16xi32>
        %add3A_336 = arith.addi %and3A_333, %add3A_335 : vector<16xi32>
        %add3A_337 = arith.addi %mul3A_6, %add3A_336 : vector<16xi32>
        tpu.vector_store_idx %arg5[%add3A_337], %broadcast_in_dim3A_3 {add = true} : memref<32768xf32, #tpu.memory_space<vmem>>[vector<16xi32>], vector<16xf32>,
        %get3A_338 = arith.constant 2 : i32
        %get3A_339 = arith.index_cast %scan3A_39 : i32 to index
        %get3A_340 = arith.index_cast %get3A_338 : i32 to index
        %get3A_341 = arith.constant 64 : index
        %get3A_342 = tpu.vector_load %arg4[%get3A_339, %get3A_340, %get3A_341] {strides = array<i32>} : memref<24x8x128xi32, #tpu.memory_space<vmem>>, vector<16xi32>,
        %shift_right_logical3A_343 = arith.constant 23 : i32
        %shift_right_logical3A_344 = vector.broadcast %shift_right_logical3A_343 : i32 to vector<16xi32>
        %shift_right_logical3A_345 = arith.shrui %get3A_342, %shift_right_logical3A_344 : vector<16xi32>
        %and3A_346 = arith.constant 255 : i32
        %and3A_347 = vector.broadcast %and3A_346 : i32 to vector<16xi32>
        %and3A_348 = arith.andi %shift_right_logical3A_345, %and3A_347 : vector<16xi32>
        %add3A_349 = arith.constant 8192 : i32
        %add3A_350 = vector.broadcast %add3A_349 : i32 to vector<16xi32>
        %add3A_351 = arith.addi %and3A_348, %add3A_350 : vector<16xi32>
        %add3A_352 = arith.addi %mul3A_6, %add3A_351 : vector<16xi32>
        tpu.vector_store_idx %arg5[%add3A_352], %broadcast_in_dim3A_3 {add = true} : memref<32768xf32, #tpu.memory_space<vmem>>[vector<16xi32>], vector<16xf32>,
        %get3A_353 = arith.constant 2 : i32
        %get3A_354 = arith.index_cast %scan3A_39 : i32 to index
        %get3A_355 = arith.index_cast %get3A_353 : i32 to index
        %get3A_356 = arith.constant 80 : index
        %get3A_357 = tpu.vector_load %arg4[%get3A_354, %get3A_355, %get3A_356] {strides = array<i32>} : memref<24x8x128xi32, #tpu.memory_space<vmem>>, vector<16xi32>,
        %shift_right_logical3A_358 = arith.constant 23 : i32
        %shift_right_logical3A_359 = vector.broadcast %shift_right_logical3A_358 : i32 to vector<16xi32>
        %shift_right_logical3A_360 = arith.shrui %get3A_357, %shift_right_logical3A_359 : vector<16xi32>
        %and3A_361 = arith.constant 255 : i32
        %and3A_362 = vector.broadcast %and3A_361 : i32 to vector<16xi32>
        %and3A_363 = arith.andi %shift_right_logical3A_360, %and3A_362 : vector<16xi32>
        %add3A_364 = arith.constant 8192 : i32
        %add3A_365 = vector.broadcast %add3A_364 : i32 to vector<16xi32>
        %add3A_366 = arith.addi %and3A_363, %add3A_365 : vector<16xi32>
        %add3A_367 = arith.addi %mul3A_6, %add3A_366 : vector<16xi32>
        tpu.vector_store_idx %arg5[%add3A_367], %broadcast_in_dim3A_3 {add = true} : memref<32768xf32, #tpu.memory_space<vmem>>[vector<16xi32>], vector<16xf32>,
        %get3A_368 = arith.constant 2 : i32
        %get3A_369 = arith.index_cast %scan3A_39 : i32 to index
        %get3A_370 = arith.index_cast %get3A_368 : i32 to index
        %get3A_371 = arith.constant 96 : index
        %get3A_372 = tpu.vector_load %arg4[%get3A_369, %get3A_370, %get3A_371] {strides = array<i32>} : memref<24x8x128xi32, #tpu.memory_space<vmem>>, vector<16xi32>,
        %shift_right_logical3A_373 = arith.constant 23 : i32
        %shift_right_logical3A_374 = vector.broadcast %shift_right_logical3A_373 : i32 to vector<16xi32>
        %shift_right_logical3A_375 = arith.shrui %get3A_372, %shift_right_logical3A_374 : vector<16xi32>
        %and3A_376 = arith.constant 255 : i32
        %and3A_377 = vector.broadcast %and3A_376 : i32 to vector<16xi32>
        %and3A_378 = arith.andi %shift_right_logical3A_375, %and3A_377 : vector<16xi32>
        %add3A_379 = arith.constant 8192 : i32
        %add3A_380 = vector.broadcast %add3A_379 : i32 to vector<16xi32>
        %add3A_381 = arith.addi %and3A_378, %add3A_380 : vector<16xi32>
        %add3A_382 = arith.addi %mul3A_6, %add3A_381 : vector<16xi32>
        tpu.vector_store_idx %arg5[%add3A_382], %broadcast_in_dim3A_3 {add = true} : memref<32768xf32, #tpu.memory_space<vmem>>[vector<16xi32>], vector<16xf32>,
        %get3A_383 = arith.constant 2 : i32
        %get3A_384 = arith.index_cast %scan3A_39 : i32 to index
        %get3A_385 = arith.index_cast %get3A_383 : i32 to index
        %get3A_386 = arith.constant 112 : index
        %get3A_387 = tpu.vector_load %arg4[%get3A_384, %get3A_385, %get3A_386] {strides = array<i32>} : memref<24x8x128xi32, #tpu.memory_space<vmem>>, vector<16xi32>,
        %shift_right_logical3A_388 = arith.constant 23 : i32
        %shift_right_logical3A_389 = vector.broadcast %shift_right_logical3A_388 : i32 to vector<16xi32>
        %shift_right_logical3A_390 = arith.shrui %get3A_387, %shift_right_logical3A_389 : vector<16xi32>
        %and3A_391 = arith.constant 255 : i32
        %and3A_392 = vector.broadcast %and3A_391 : i32 to vector<16xi32>
        %and3A_393 = arith.andi %shift_right_logical3A_390, %and3A_392 : vector<16xi32>
        %add3A_394 = arith.constant 8192 : i32
        %add3A_395 = vector.broadcast %add3A_394 : i32 to vector<16xi32>
        %add3A_396 = arith.addi %and3A_393, %add3A_395 : vector<16xi32>
        %add3A_397 = arith.addi %mul3A_6, %add3A_396 : vector<16xi32>
        tpu.vector_store_idx %arg5[%add3A_397], %broadcast_in_dim3A_3 {add = true} : memref<32768xf32, #tpu.memory_space<vmem>>[vector<16xi32>], vector<16xf32>,
        %get3A_398 = arith.constant 3 : i32
        %get3A_399 = arith.index_cast %scan3A_39 : i32 to index
        %get3A_400 = arith.index_cast %get3A_398 : i32 to index
        %get3A_401 = arith.constant 0 : index
        %get3A_402 = tpu.vector_load %arg4[%get3A_399, %get3A_400, %get3A_401] {strides = array<i32>} : memref<24x8x128xi32, #tpu.memory_space<vmem>>, vector<16xi32>,
        %shift_right_logical3A_403 = arith.constant 23 : i32
        %shift_right_logical3A_404 = vector.broadcast %shift_right_logical3A_403 : i32 to vector<16xi32>
        %shift_right_logical3A_405 = arith.shrui %get3A_402, %shift_right_logical3A_404 : vector<16xi32>
        %and3A_406 = arith.constant 255 : i32
        %and3A_407 = vector.broadcast %and3A_406 : i32 to vector<16xi32>
        %and3A_408 = arith.andi %shift_right_logical3A_405, %and3A_407 : vector<16xi32>
        %add3A_409 = arith.constant 12288 : i32
        %add3A_410 = vector.broadcast %add3A_409 : i32 to vector<16xi32>
        %add3A_411 = arith.addi %and3A_408, %add3A_410 : vector<16xi32>
        %add3A_412 = arith.addi %mul3A_6, %add3A_411 : vector<16xi32>
        tpu.vector_store_idx %arg5[%add3A_412], %broadcast_in_dim3A_3 {add = true} : memref<32768xf32, #tpu.memory_space<vmem>>[vector<16xi32>], vector<16xf32>,
        %get3A_413 = arith.constant 3 : i32
        %get3A_414 = arith.index_cast %scan3A_39 : i32 to index
        %get3A_415 = arith.index_cast %get3A_413 : i32 to index
        %get3A_416 = arith.constant 16 : index
        %get3A_417 = tpu.vector_load %arg4[%get3A_414, %get3A_415, %get3A_416] {strides = array<i32>} : memref<24x8x128xi32, #tpu.memory_space<vmem>>, vector<16xi32>,
        %shift_right_logical3A_418 = arith.constant 23 : i32
        %shift_right_logical3A_419 = vector.broadcast %shift_right_logical3A_418 : i32 to vector<16xi32>
        %shift_right_logical3A_420 = arith.shrui %get3A_417, %shift_right_logical3A_419 : vector<16xi32>
        %and3A_421 = arith.constant 255 : i32
        %and3A_422 = vector.broadcast %and3A_421 : i32 to vector<16xi32>
        %and3A_423 = arith.andi %shift_right_logical3A_420, %and3A_422 : vector<16xi32>
        %add3A_424 = arith.constant 12288 : i32
        %add3A_425 = vector.broadcast %add3A_424 : i32 to vector<16xi32>
        %add3A_426 = arith.addi %and3A_423, %add3A_425 : vector<16xi32>
        %add3A_427 = arith.addi %mul3A_6, %add3A_426 : vector<16xi32>
        tpu.vector_store_idx %arg5[%add3A_427], %broadcast_in_dim3A_3 {add = true} : memref<32768xf32, #tpu.memory_space<vmem>>[vector<16xi32>], vector<16xf32>,
        %get3A_428 = arith.constant 3 : i32
        %get3A_429 = arith.index_cast %scan3A_39 : i32 to index
        %get3A_430 = arith.index_cast %get3A_428 : i32 to index
        %get3A_431 = arith.constant 32 : index
        %get3A_432 = tpu.vector_load %arg4[%get3A_429, %get3A_430, %get3A_431] {strides = array<i32>} : memref<24x8x128xi32, #tpu.memory_space<vmem>>, vector<16xi32>,
        %shift_right_logical3A_433 = arith.constant 23 : i32
        %shift_right_logical3A_434 = vector.broadcast %shift_right_logical3A_433 : i32 to vector<16xi32>
        %shift_right_logical3A_435 = arith.shrui %get3A_432, %shift_right_logical3A_434 : vector<16xi32>
        %and3A_436 = arith.constant 255 : i32
        %and3A_437 = vector.broadcast %and3A_436 : i32 to vector<16xi32>
        %and3A_438 = arith.andi %shift_right_logical3A_435, %and3A_437 : vector<16xi32>
        %add3A_439 = arith.constant 12288 : i32
        %add3A_440 = vector.broadcast %add3A_439 : i32 to vector<16xi32>
        %add3A_441 = arith.addi %and3A_438, %add3A_440 : vector<16xi32>
        %add3A_442 = arith.addi %mul3A_6, %add3A_441 : vector<16xi32>
        tpu.vector_store_idx %arg5[%add3A_442], %broadcast_in_dim3A_3 {add = true} : memref<32768xf32, #tpu.memory_space<vmem>>[vector<16xi32>], vector<16xf32>,
        %get3A_443 = arith.constant 3 : i32
        %get3A_444 = arith.index_cast %scan3A_39 : i32 to index
        %get3A_445 = arith.index_cast %get3A_443 : i32 to index
        %get3A_446 = arith.constant 48 : index
        %get3A_447 = tpu.vector_load %arg4[%get3A_444, %get3A_445, %get3A_446] {strides = array<i32>} : memref<24x8x128xi32, #tpu.memory_space<vmem>>, vector<16xi32>,
        %shift_right_logical3A_448 = arith.constant 23 : i32
        %shift_right_logical3A_449 = vector.broadcast %shift_right_logical3A_448 : i32 to vector<16xi32>
        %shift_right_logical3A_450 = arith.shrui %get3A_447, %shift_right_logical3A_449 : vector<16xi32>
        %and3A_451 = arith.constant 255 : i32
        %and3A_452 = vector.broadcast %and3A_451 : i32 to vector<16xi32>
        %and3A_453 = arith.andi %shift_right_logical3A_450, %and3A_452 : vector<16xi32>
        %add3A_454 = arith.constant 12288 : i32
        %add3A_455 = vector.broadcast %add3A_454 : i32 to vector<16xi32>
        %add3A_456 = arith.addi %and3A_453, %add3A_455 : vector<16xi32>
        %add3A_457 = arith.addi %mul3A_6, %add3A_456 : vector<16xi32>
        tpu.vector_store_idx %arg5[%add3A_457], %broadcast_in_dim3A_3 {add = true} : memref<32768xf32, #tpu.memory_space<vmem>>[vector<16xi32>], vector<16xf32>,
        %get3A_458 = arith.constant 3 : i32
        %get3A_459 = arith.index_cast %scan3A_39 : i32 to index
        %get3A_460 = arith.index_cast %get3A_458 : i32 to index
        %get3A_461 = arith.constant 64 : index
        %get3A_462 = tpu.vector_load %arg4[%get3A_459, %get3A_460, %get3A_461] {strides = array<i32>} : memref<24x8x128xi32, #tpu.memory_space<vmem>>, vector<16xi32>,
        %shift_right_logical3A_463 = arith.constant 23 : i32
        %shift_right_logical3A_464 = vector.broadcast %shift_right_logical3A_463 : i32 to vector<16xi32>
        %shift_right_logical3A_465 = arith.shrui %get3A_462, %shift_right_logical3A_464 : vector<16xi32>
        %and3A_466 = arith.constant 255 : i32
        %and3A_467 = vector.broadcast %and3A_466 : i32 to vector<16xi32>
        %and3A_468 = arith.andi %shift_right_logical3A_465, %and3A_467 : vector<16xi32>
        %add3A_469 = arith.constant 12288 : i32
        %add3A_470 = vector.broadcast %add3A_469 : i32 to vector<16xi32>
        %add3A_471 = arith.addi %and3A_468, %add3A_470 : vector<16xi32>
        %add3A_472 = arith.addi %mul3A_6, %add3A_471 : vector<16xi32>
        tpu.vector_store_idx %arg5[%add3A_472], %broadcast_in_dim3A_3 {add = true} : memref<32768xf32, #tpu.memory_space<vmem>>[vector<16xi32>], vector<16xf32>,
        %get3A_473 = arith.constant 3 : i32
        %get3A_474 = arith.index_cast %scan3A_39 : i32 to index
        %get3A_475 = arith.index_cast %get3A_473 : i32 to index
        %get3A_476 = arith.constant 80 : index
        %get3A_477 = tpu.vector_load %arg4[%get3A_474, %get3A_475, %get3A_476] {strides = array<i32>} : memref<24x8x128xi32, #tpu.memory_space<vmem>>, vector<16xi32>,
        %shift_right_logical3A_478 = arith.constant 23 : i32
        %shift_right_logical3A_479 = vector.broadcast %shift_right_logical3A_478 : i32 to vector<16xi32>
        %shift_right_logical3A_480 = arith.shrui %get3A_477, %shift_right_logical3A_479 : vector<16xi32>
        %and3A_481 = arith.constant 255 : i32
        %and3A_482 = vector.broadcast %and3A_481 : i32 to vector<16xi32>
        %and3A_483 = arith.andi %shift_right_logical3A_480, %and3A_482 : vector<16xi32>
        %add3A_484 = arith.constant 12288 : i32
        %add3A_485 = vector.broadcast %add3A_484 : i32 to vector<16xi32>
        %add3A_486 = arith.addi %and3A_483, %add3A_485 : vector<16xi32>
        %add3A_487 = arith.addi %mul3A_6, %add3A_486 : vector<16xi32>
        tpu.vector_store_idx %arg5[%add3A_487], %broadcast_in_dim3A_3 {add = true} : memref<32768xf32, #tpu.memory_space<vmem>>[vector<16xi32>], vector<16xf32>,
        %get3A_488 = arith.constant 3 : i32
        %get3A_489 = arith.index_cast %scan3A_39 : i32 to index
        %get3A_490 = arith.index_cast %get3A_488 : i32 to index
        %get3A_491 = arith.constant 96 : index
        %get3A_492 = tpu.vector_load %arg4[%get3A_489, %get3A_490, %get3A_491] {strides = array<i32>} : memref<24x8x128xi32, #tpu.memory_space<vmem>>, vector<16xi32>,
        %shift_right_logical3A_493 = arith.constant 23 : i32
        %shift_right_logical3A_494 = vector.broadcast %shift_right_logical3A_493 : i32 to vector<16xi32>
        %shift_right_logical3A_495 = arith.shrui %get3A_492, %shift_right_logical3A_494 : vector<16xi32>
        %and3A_496 = arith.constant 255 : i32
        %and3A_497 = vector.broadcast %and3A_496 : i32 to vector<16xi32>
        %and3A_498 = arith.andi %shift_right_logical3A_495, %and3A_497 : vector<16xi32>
        %add3A_499 = arith.constant 12288 : i32
        %add3A_500 = vector.broadcast %add3A_499 : i32 to vector<16xi32>
        %add3A_501 = arith.addi %and3A_498, %add3A_500 : vector<16xi32>
        %add3A_502 = arith.addi %mul3A_6, %add3A_501 : vector<16xi32>
        tpu.vector_store_idx %arg5[%add3A_502], %broadcast_in_dim3A_3 {add = true} : memref<32768xf32, #tpu.memory_space<vmem>>[vector<16xi32>], vector<16xf32>,
        %get3A_503 = arith.constant 3 : i32
        %get3A_504 = arith.index_cast %scan3A_39 : i32 to index
        %get3A_505 = arith.index_cast %get3A_503 : i32 to index
        %get3A_506 = arith.constant 112 : index
        %get3A_507 = tpu.vector_load %arg4[%get3A_504, %get3A_505, %get3A_506] {strides = array<i32>} : memref<24x8x128xi32, #tpu.memory_space<vmem>>, vector<16xi32>,
        %shift_right_logical3A_508 = arith.constant 23 : i32
        %shift_right_logical3A_509 = vector.broadcast %shift_right_logical3A_508 : i32 to vector<16xi32>
        %shift_right_logical3A_510 = arith.shrui %get3A_507, %shift_right_logical3A_509 : vector<16xi32>
        %and3A_511 = arith.constant 255 : i32
        %and3A_512 = vector.broadcast %and3A_511 : i32 to vector<16xi32>
        %and3A_513 = arith.andi %shift_right_logical3A_510, %and3A_512 : vector<16xi32>
        %add3A_514 = arith.constant 12288 : i32
        %add3A_515 = vector.broadcast %add3A_514 : i32 to vector<16xi32>
        %add3A_516 = arith.addi %and3A_513, %add3A_515 : vector<16xi32>
        %add3A_517 = arith.addi %mul3A_6, %add3A_516 : vector<16xi32>
        tpu.vector_store_idx %arg5[%add3A_517], %broadcast_in_dim3A_3 {add = true} : memref<32768xf32, #tpu.memory_space<vmem>>[vector<16xi32>], vector<16xf32>,
        %get3A_518 = arith.constant 4 : i32
        %get3A_519 = arith.index_cast %scan3A_39 : i32 to index
        %get3A_520 = arith.index_cast %get3A_518 : i32 to index
        %get3A_521 = arith.constant 0 : index
        %get3A_522 = tpu.vector_load %arg4[%get3A_519, %get3A_520, %get3A_521] {strides = array<i32>} : memref<24x8x128xi32, #tpu.memory_space<vmem>>, vector<16xi32>,
        %shift_right_logical3A_523 = arith.constant 23 : i32
        %shift_right_logical3A_524 = vector.broadcast %shift_right_logical3A_523 : i32 to vector<16xi32>
        %shift_right_logical3A_525 = arith.shrui %get3A_522, %shift_right_logical3A_524 : vector<16xi32>
        %and3A_526 = arith.constant 255 : i32
        %and3A_527 = vector.broadcast %and3A_526 : i32 to vector<16xi32>
        %and3A_528 = arith.andi %shift_right_logical3A_525, %and3A_527 : vector<16xi32>
        %add3A_529 = arith.constant 16384 : i32
        %add3A_530 = vector.broadcast %add3A_529 : i32 to vector<16xi32>
        %add3A_531 = arith.addi %and3A_528, %add3A_530 : vector<16xi32>
        %add3A_532 = arith.addi %mul3A_6, %add3A_531 : vector<16xi32>
        tpu.vector_store_idx %arg5[%add3A_532], %broadcast_in_dim3A_3 {add = true} : memref<32768xf32, #tpu.memory_space<vmem>>[vector<16xi32>], vector<16xf32>,
        %get3A_533 = arith.constant 4 : i32
        %get3A_534 = arith.index_cast %scan3A_39 : i32 to index
        %get3A_535 = arith.index_cast %get3A_533 : i32 to index
        %get3A_536 = arith.constant 16 : index
        %get3A_537 = tpu.vector_load %arg4[%get3A_534, %get3A_535, %get3A_536] {strides = array<i32>} : memref<24x8x128xi32, #tpu.memory_space<vmem>>, vector<16xi32>,
        %shift_right_logical3A_538 = arith.constant 23 : i32
        %shift_right_logical3A_539 = vector.broadcast %shift_right_logical3A_538 : i32 to vector<16xi32>
        %shift_right_logical3A_540 = arith.shrui %get3A_537, %shift_right_logical3A_539 : vector<16xi32>
        %and3A_541 = arith.constant 255 : i32
        %and3A_542 = vector.broadcast %and3A_541 : i32 to vector<16xi32>
        %and3A_543 = arith.andi %shift_right_logical3A_540, %and3A_542 : vector<16xi32>
        %add3A_544 = arith.constant 16384 : i32
        %add3A_545 = vector.broadcast %add3A_544 : i32 to vector<16xi32>
        %add3A_546 = arith.addi %and3A_543, %add3A_545 : vector<16xi32>
        %add3A_547 = arith.addi %mul3A_6, %add3A_546 : vector<16xi32>
        tpu.vector_store_idx %arg5[%add3A_547], %broadcast_in_dim3A_3 {add = true} : memref<32768xf32, #tpu.memory_space<vmem>>[vector<16xi32>], vector<16xf32>,
        %get3A_548 = arith.constant 4 : i32
        %get3A_549 = arith.index_cast %scan3A_39 : i32 to index
        %get3A_550 = arith.index_cast %get3A_548 : i32 to index
        %get3A_551 = arith.constant 32 : index
        %get3A_552 = tpu.vector_load %arg4[%get3A_549, %get3A_550, %get3A_551] {strides = array<i32>} : memref<24x8x128xi32, #tpu.memory_space<vmem>>, vector<16xi32>,
        %shift_right_logical3A_553 = arith.constant 23 : i32
        %shift_right_logical3A_554 = vector.broadcast %shift_right_logical3A_553 : i32 to vector<16xi32>
        %shift_right_logical3A_555 = arith.shrui %get3A_552, %shift_right_logical3A_554 : vector<16xi32>
        %and3A_556 = arith.constant 255 : i32
        %and3A_557 = vector.broadcast %and3A_556 : i32 to vector<16xi32>
        %and3A_558 = arith.andi %shift_right_logical3A_555, %and3A_557 : vector<16xi32>
        %add3A_559 = arith.constant 16384 : i32
        %add3A_560 = vector.broadcast %add3A_559 : i32 to vector<16xi32>
        %add3A_561 = arith.addi %and3A_558, %add3A_560 : vector<16xi32>
        %add3A_562 = arith.addi %mul3A_6, %add3A_561 : vector<16xi32>
        tpu.vector_store_idx %arg5[%add3A_562], %broadcast_in_dim3A_3 {add = true} : memref<32768xf32, #tpu.memory_space<vmem>>[vector<16xi32>], vector<16xf32>,
        %get3A_563 = arith.constant 4 : i32
        %get3A_564 = arith.index_cast %scan3A_39 : i32 to index
        %get3A_565 = arith.index_cast %get3A_563 : i32 to index
        %get3A_566 = arith.constant 48 : index
        %get3A_567 = tpu.vector_load %arg4[%get3A_564, %get3A_565, %get3A_566] {strides = array<i32>} : memref<24x8x128xi32, #tpu.memory_space<vmem>>, vector<16xi32>,
        %shift_right_logical3A_568 = arith.constant 23 : i32
        %shift_right_logical3A_569 = vector.broadcast %shift_right_logical3A_568 : i32 to vector<16xi32>
        %shift_right_logical3A_570 = arith.shrui %get3A_567, %shift_right_logical3A_569 : vector<16xi32>
        %and3A_571 = arith.constant 255 : i32
        %and3A_572 = vector.broadcast %and3A_571 : i32 to vector<16xi32>
        %and3A_573 = arith.andi %shift_right_logical3A_570, %and3A_572 : vector<16xi32>
        %add3A_574 = arith.constant 16384 : i32
        %add3A_575 = vector.broadcast %add3A_574 : i32 to vector<16xi32>
        %add3A_576 = arith.addi %and3A_573, %add3A_575 : vector<16xi32>
        %add3A_577 = arith.addi %mul3A_6, %add3A_576 : vector<16xi32>
        tpu.vector_store_idx %arg5[%add3A_577], %broadcast_in_dim3A_3 {add = true} : memref<32768xf32, #tpu.memory_space<vmem>>[vector<16xi32>], vector<16xf32>,
        %get3A_578 = arith.constant 4 : i32
        %get3A_579 = arith.index_cast %scan3A_39 : i32 to index
        %get3A_580 = arith.index_cast %get3A_578 : i32 to index
        %get3A_581 = arith.constant 64 : index
        %get3A_582 = tpu.vector_load %arg4[%get3A_579, %get3A_580, %get3A_581] {strides = array<i32>} : memref<24x8x128xi32, #tpu.memory_space<vmem>>, vector<16xi32>,
        %shift_right_logical3A_583 = arith.constant 23 : i32
        %shift_right_logical3A_584 = vector.broadcast %shift_right_logical3A_583 : i32 to vector<16xi32>
        %shift_right_logical3A_585 = arith.shrui %get3A_582, %shift_right_logical3A_584 : vector<16xi32>
        %and3A_586 = arith.constant 255 : i32
        %and3A_587 = vector.broadcast %and3A_586 : i32 to vector<16xi32>
        %and3A_588 = arith.andi %shift_right_logical3A_585, %and3A_587 : vector<16xi32>
        %add3A_589 = arith.constant 16384 : i32
        %add3A_590 = vector.broadcast %add3A_589 : i32 to vector<16xi32>
        %add3A_591 = arith.addi %and3A_588, %add3A_590 : vector<16xi32>
        %add3A_592 = arith.addi %mul3A_6, %add3A_591 : vector<16xi32>
        tpu.vector_store_idx %arg5[%add3A_592], %broadcast_in_dim3A_3 {add = true} : memref<32768xf32, #tpu.memory_space<vmem>>[vector<16xi32>], vector<16xf32>,
        %get3A_593 = arith.constant 4 : i32
        %get3A_594 = arith.index_cast %scan3A_39 : i32 to index
        %get3A_595 = arith.index_cast %get3A_593 : i32 to index
        %get3A_596 = arith.constant 80 : index
        %get3A_597 = tpu.vector_load %arg4[%get3A_594, %get3A_595, %get3A_596] {strides = array<i32>} : memref<24x8x128xi32, #tpu.memory_space<vmem>>, vector<16xi32>,
        %shift_right_logical3A_598 = arith.constant 23 : i32
        %shift_right_logical3A_599 = vector.broadcast %shift_right_logical3A_598 : i32 to vector<16xi32>
        %shift_right_logical3A_600 = arith.shrui %get3A_597, %shift_right_logical3A_599 : vector<16xi32>
        %and3A_601 = arith.constant 255 : i32
        %and3A_602 = vector.broadcast %and3A_601 : i32 to vector<16xi32>
        %and3A_603 = arith.andi %shift_right_logical3A_600, %and3A_602 : vector<16xi32>
        %add3A_604 = arith.constant 16384 : i32
        %add3A_605 = vector.broadcast %add3A_604 : i32 to vector<16xi32>
        %add3A_606 = arith.addi %and3A_603, %add3A_605 : vector<16xi32>
        %add3A_607 = arith.addi %mul3A_6, %add3A_606 : vector<16xi32>
        tpu.vector_store_idx %arg5[%add3A_607], %broadcast_in_dim3A_3 {add = true} : memref<32768xf32, #tpu.memory_space<vmem>>[vector<16xi32>], vector<16xf32>,
        %get3A_608 = arith.constant 4 : i32
        %get3A_609 = arith.index_cast %scan3A_39 : i32 to index
        %get3A_610 = arith.index_cast %get3A_608 : i32 to index
        %get3A_611 = arith.constant 96 : index
        %get3A_612 = tpu.vector_load %arg4[%get3A_609, %get3A_610, %get3A_611] {strides = array<i32>} : memref<24x8x128xi32, #tpu.memory_space<vmem>>, vector<16xi32>,
        %shift_right_logical3A_613 = arith.constant 23 : i32
        %shift_right_logical3A_614 = vector.broadcast %shift_right_logical3A_613 : i32 to vector<16xi32>
        %shift_right_logical3A_615 = arith.shrui %get3A_612, %shift_right_logical3A_614 : vector<16xi32>
        %and3A_616 = arith.constant 255 : i32
        %and3A_617 = vector.broadcast %and3A_616 : i32 to vector<16xi32>
        %and3A_618 = arith.andi %shift_right_logical3A_615, %and3A_617 : vector<16xi32>
        %add3A_619 = arith.constant 16384 : i32
        %add3A_620 = vector.broadcast %add3A_619 : i32 to vector<16xi32>
        %add3A_621 = arith.addi %and3A_618, %add3A_620 : vector<16xi32>
        %add3A_622 = arith.addi %mul3A_6, %add3A_621 : vector<16xi32>
        tpu.vector_store_idx %arg5[%add3A_622], %broadcast_in_dim3A_3 {add = true} : memref<32768xf32, #tpu.memory_space<vmem>>[vector<16xi32>], vector<16xf32>,
        %get3A_623 = arith.constant 4 : i32
        %get3A_624 = arith.index_cast %scan3A_39 : i32 to index
        %get3A_625 = arith.index_cast %get3A_623 : i32 to index
        %get3A_626 = arith.constant 112 : index
        %get3A_627 = tpu.vector_load %arg4[%get3A_624, %get3A_625, %get3A_626] {strides = array<i32>} : memref<24x8x128xi32, #tpu.memory_space<vmem>>, vector<16xi32>,
        %shift_right_logical3A_628 = arith.constant 23 : i32
        %shift_right_logical3A_629 = vector.broadcast %shift_right_logical3A_628 : i32 to vector<16xi32>
        %shift_right_logical3A_630 = arith.shrui %get3A_627, %shift_right_logical3A_629 : vector<16xi32>
        %and3A_631 = arith.constant 255 : i32
        %and3A_632 = vector.broadcast %and3A_631 : i32 to vector<16xi32>
        %and3A_633 = arith.andi %shift_right_logical3A_630, %and3A_632 : vector<16xi32>
        %add3A_634 = arith.constant 16384 : i32
        %add3A_635 = vector.broadcast %add3A_634 : i32 to vector<16xi32>
        %add3A_636 = arith.addi %and3A_633, %add3A_635 : vector<16xi32>
        %add3A_637 = arith.addi %mul3A_6, %add3A_636 : vector<16xi32>
        tpu.vector_store_idx %arg5[%add3A_637], %broadcast_in_dim3A_3 {add = true} : memref<32768xf32, #tpu.memory_space<vmem>>[vector<16xi32>], vector<16xf32>,
        %get3A_638 = arith.constant 5 : i32
        %get3A_639 = arith.index_cast %scan3A_39 : i32 to index
        %get3A_640 = arith.index_cast %get3A_638 : i32 to index
        %get3A_641 = arith.constant 0 : index
        %get3A_642 = tpu.vector_load %arg4[%get3A_639, %get3A_640, %get3A_641] {strides = array<i32>} : memref<24x8x128xi32, #tpu.memory_space<vmem>>, vector<16xi32>,
        %shift_right_logical3A_643 = arith.constant 23 : i32
        %shift_right_logical3A_644 = vector.broadcast %shift_right_logical3A_643 : i32 to vector<16xi32>
        %shift_right_logical3A_645 = arith.shrui %get3A_642, %shift_right_logical3A_644 : vector<16xi32>
        %and3A_646 = arith.constant 255 : i32
        %and3A_647 = vector.broadcast %and3A_646 : i32 to vector<16xi32>
        %and3A_648 = arith.andi %shift_right_logical3A_645, %and3A_647 : vector<16xi32>
        %add3A_649 = arith.constant 20480 : i32
        %add3A_650 = vector.broadcast %add3A_649 : i32 to vector<16xi32>
        %add3A_651 = arith.addi %and3A_648, %add3A_650 : vector<16xi32>
        %add3A_652 = arith.addi %mul3A_6, %add3A_651 : vector<16xi32>
        tpu.vector_store_idx %arg5[%add3A_652], %broadcast_in_dim3A_3 {add = true} : memref<32768xf32, #tpu.memory_space<vmem>>[vector<16xi32>], vector<16xf32>,
        %get3A_653 = arith.constant 5 : i32
        %get3A_654 = arith.index_cast %scan3A_39 : i32 to index
        %get3A_655 = arith.index_cast %get3A_653 : i32 to index
        %get3A_656 = arith.constant 16 : index
        %get3A_657 = tpu.vector_load %arg4[%get3A_654, %get3A_655, %get3A_656] {strides = array<i32>} : memref<24x8x128xi32, #tpu.memory_space<vmem>>, vector<16xi32>,
        %shift_right_logical3A_658 = arith.constant 23 : i32
        %shift_right_logical3A_659 = vector.broadcast %shift_right_logical3A_658 : i32 to vector<16xi32>
        %shift_right_logical3A_660 = arith.shrui %get3A_657, %shift_right_logical3A_659 : vector<16xi32>
        %and3A_661 = arith.constant 255 : i32
        %and3A_662 = vector.broadcast %and3A_661 : i32 to vector<16xi32>
        %and3A_663 = arith.andi %shift_right_logical3A_660, %and3A_662 : vector<16xi32>
        %add3A_664 = arith.constant 20480 : i32
        %add3A_665 = vector.broadcast %add3A_664 : i32 to vector<16xi32>
        %add3A_666 = arith.addi %and3A_663, %add3A_665 : vector<16xi32>
        %add3A_667 = arith.addi %mul3A_6, %add3A_666 : vector<16xi32>
        tpu.vector_store_idx %arg5[%add3A_667], %broadcast_in_dim3A_3 {add = true} : memref<32768xf32, #tpu.memory_space<vmem>>[vector<16xi32>], vector<16xf32>,
        %get3A_668 = arith.constant 5 : i32
        %get3A_669 = arith.index_cast %scan3A_39 : i32 to index
        %get3A_670 = arith.index_cast %get3A_668 : i32 to index
        %get3A_671 = arith.constant 32 : index
        %get3A_672 = tpu.vector_load %arg4[%get3A_669, %get3A_670, %get3A_671] {strides = array<i32>} : memref<24x8x128xi32, #tpu.memory_space<vmem>>, vector<16xi32>,
        %shift_right_logical3A_673 = arith.constant 23 : i32
        %shift_right_logical3A_674 = vector.broadcast %shift_right_logical3A_673 : i32 to vector<16xi32>
        %shift_right_logical3A_675 = arith.shrui %get3A_672, %shift_right_logical3A_674 : vector<16xi32>
        %and3A_676 = arith.constant 255 : i32
        %and3A_677 = vector.broadcast %and3A_676 : i32 to vector<16xi32>
        %and3A_678 = arith.andi %shift_right_logical3A_675, %and3A_677 : vector<16xi32>
        %add3A_679 = arith.constant 20480 : i32
        %add3A_680 = vector.broadcast %add3A_679 : i32 to vector<16xi32>
        %add3A_681 = arith.addi %and3A_678, %add3A_680 : vector<16xi32>
        %add3A_682 = arith.addi %mul3A_6, %add3A_681 : vector<16xi32>
        tpu.vector_store_idx %arg5[%add3A_682], %broadcast_in_dim3A_3 {add = true} : memref<32768xf32, #tpu.memory_space<vmem>>[vector<16xi32>], vector<16xf32>,
        %get3A_683 = arith.constant 5 : i32
        %get3A_684 = arith.index_cast %scan3A_39 : i32 to index
        %get3A_685 = arith.index_cast %get3A_683 : i32 to index
        %get3A_686 = arith.constant 48 : index
        %get3A_687 = tpu.vector_load %arg4[%get3A_684, %get3A_685, %get3A_686] {strides = array<i32>} : memref<24x8x128xi32, #tpu.memory_space<vmem>>, vector<16xi32>,
        %shift_right_logical3A_688 = arith.constant 23 : i32
        %shift_right_logical3A_689 = vector.broadcast %shift_right_logical3A_688 : i32 to vector<16xi32>
        %shift_right_logical3A_690 = arith.shrui %get3A_687, %shift_right_logical3A_689 : vector<16xi32>
        %and3A_691 = arith.constant 255 : i32
        %and3A_692 = vector.broadcast %and3A_691 : i32 to vector<16xi32>
        %and3A_693 = arith.andi %shift_right_logical3A_690, %and3A_692 : vector<16xi32>
        %add3A_694 = arith.constant 20480 : i32
        %add3A_695 = vector.broadcast %add3A_694 : i32 to vector<16xi32>
        %add3A_696 = arith.addi %and3A_693, %add3A_695 : vector<16xi32>
        %add3A_697 = arith.addi %mul3A_6, %add3A_696 : vector<16xi32>
        tpu.vector_store_idx %arg5[%add3A_697], %broadcast_in_dim3A_3 {add = true} : memref<32768xf32, #tpu.memory_space<vmem>>[vector<16xi32>], vector<16xf32>,
        %get3A_698 = arith.constant 5 : i32
        %get3A_699 = arith.index_cast %scan3A_39 : i32 to index
        %get3A_700 = arith.index_cast %get3A_698 : i32 to index
        %get3A_701 = arith.constant 64 : index
        %get3A_702 = tpu.vector_load %arg4[%get3A_699, %get3A_700, %get3A_701] {strides = array<i32>} : memref<24x8x128xi32, #tpu.memory_space<vmem>>, vector<16xi32>,
        %shift_right_logical3A_703 = arith.constant 23 : i32
        %shift_right_logical3A_704 = vector.broadcast %shift_right_logical3A_703 : i32 to vector<16xi32>
        %shift_right_logical3A_705 = arith.shrui %get3A_702, %shift_right_logical3A_704 : vector<16xi32>
        %and3A_706 = arith.constant 255 : i32
        %and3A_707 = vector.broadcast %and3A_706 : i32 to vector<16xi32>
        %and3A_708 = arith.andi %shift_right_logical3A_705, %and3A_707 : vector<16xi32>
        %add3A_709 = arith.constant 20480 : i32
        %add3A_710 = vector.broadcast %add3A_709 : i32 to vector<16xi32>
        %add3A_711 = arith.addi %and3A_708, %add3A_710 : vector<16xi32>
        %add3A_712 = arith.addi %mul3A_6, %add3A_711 : vector<16xi32>
        tpu.vector_store_idx %arg5[%add3A_712], %broadcast_in_dim3A_3 {add = true} : memref<32768xf32, #tpu.memory_space<vmem>>[vector<16xi32>], vector<16xf32>,
        %get3A_713 = arith.constant 5 : i32
        %get3A_714 = arith.index_cast %scan3A_39 : i32 to index
        %get3A_715 = arith.index_cast %get3A_713 : i32 to index
        %get3A_716 = arith.constant 80 : index
        %get3A_717 = tpu.vector_load %arg4[%get3A_714, %get3A_715, %get3A_716] {strides = array<i32>} : memref<24x8x128xi32, #tpu.memory_space<vmem>>, vector<16xi32>,
        %shift_right_logical3A_718 = arith.constant 23 : i32
        %shift_right_logical3A_719 = vector.broadcast %shift_right_logical3A_718 : i32 to vector<16xi32>
        %shift_right_logical3A_720 = arith.shrui %get3A_717, %shift_right_logical3A_719 : vector<16xi32>
        %and3A_721 = arith.constant 255 : i32
        %and3A_722 = vector.broadcast %and3A_721 : i32 to vector<16xi32>
        %and3A_723 = arith.andi %shift_right_logical3A_720, %and3A_722 : vector<16xi32>
        %add3A_724 = arith.constant 20480 : i32
        %add3A_725 = vector.broadcast %add3A_724 : i32 to vector<16xi32>
        %add3A_726 = arith.addi %and3A_723, %add3A_725 : vector<16xi32>
        %add3A_727 = arith.addi %mul3A_6, %add3A_726 : vector<16xi32>
        tpu.vector_store_idx %arg5[%add3A_727], %broadcast_in_dim3A_3 {add = true} : memref<32768xf32, #tpu.memory_space<vmem>>[vector<16xi32>], vector<16xf32>,
        %get3A_728 = arith.constant 5 : i32
        %get3A_729 = arith.index_cast %scan3A_39 : i32 to index
        %get3A_730 = arith.index_cast %get3A_728 : i32 to index
        %get3A_731 = arith.constant 96 : index
        %get3A_732 = tpu.vector_load %arg4[%get3A_729, %get3A_730, %get3A_731] {strides = array<i32>} : memref<24x8x128xi32, #tpu.memory_space<vmem>>, vector<16xi32>,
        %shift_right_logical3A_733 = arith.constant 23 : i32
        %shift_right_logical3A_734 = vector.broadcast %shift_right_logical3A_733 : i32 to vector<16xi32>
        %shift_right_logical3A_735 = arith.shrui %get3A_732, %shift_right_logical3A_734 : vector<16xi32>
        %and3A_736 = arith.constant 255 : i32
        %and3A_737 = vector.broadcast %and3A_736 : i32 to vector<16xi32>
        %and3A_738 = arith.andi %shift_right_logical3A_735, %and3A_737 : vector<16xi32>
        %add3A_739 = arith.constant 20480 : i32
        %add3A_740 = vector.broadcast %add3A_739 : i32 to vector<16xi32>
        %add3A_741 = arith.addi %and3A_738, %add3A_740 : vector<16xi32>
        %add3A_742 = arith.addi %mul3A_6, %add3A_741 : vector<16xi32>
        tpu.vector_store_idx %arg5[%add3A_742], %broadcast_in_dim3A_3 {add = true} : memref<32768xf32, #tpu.memory_space<vmem>>[vector<16xi32>], vector<16xf32>,
        %get3A_743 = arith.constant 5 : i32
        %get3A_744 = arith.index_cast %scan3A_39 : i32 to index
        %get3A_745 = arith.index_cast %get3A_743 : i32 to index
        %get3A_746 = arith.constant 112 : index
        %get3A_747 = tpu.vector_load %arg4[%get3A_744, %get3A_745, %get3A_746] {strides = array<i32>} : memref<24x8x128xi32, #tpu.memory_space<vmem>>, vector<16xi32>,
        %shift_right_logical3A_748 = arith.constant 23 : i32
        %shift_right_logical3A_749 = vector.broadcast %shift_right_logical3A_748 : i32 to vector<16xi32>
        %shift_right_logical3A_750 = arith.shrui %get3A_747, %shift_right_logical3A_749 : vector<16xi32>
        %and3A_751 = arith.constant 255 : i32
        %and3A_752 = vector.broadcast %and3A_751 : i32 to vector<16xi32>
        %and3A_753 = arith.andi %shift_right_logical3A_750, %and3A_752 : vector<16xi32>
        %add3A_754 = arith.constant 20480 : i32
        %add3A_755 = vector.broadcast %add3A_754 : i32 to vector<16xi32>
        %add3A_756 = arith.addi %and3A_753, %add3A_755 : vector<16xi32>
        %add3A_757 = arith.addi %mul3A_6, %add3A_756 : vector<16xi32>
        tpu.vector_store_idx %arg5[%add3A_757], %broadcast_in_dim3A_3 {add = true} : memref<32768xf32, #tpu.memory_space<vmem>>[vector<16xi32>], vector<16xf32>,
        %get3A_758 = arith.constant 6 : i32
        %get3A_759 = arith.index_cast %scan3A_39 : i32 to index
        %get3A_760 = arith.index_cast %get3A_758 : i32 to index
        %get3A_761 = arith.constant 0 : index
        %get3A_762 = tpu.vector_load %arg4[%get3A_759, %get3A_760, %get3A_761] {strides = array<i32>} : memref<24x8x128xi32, #tpu.memory_space<vmem>>, vector<16xi32>,
        %shift_right_logical3A_763 = arith.constant 23 : i32
        %shift_right_logical3A_764 = vector.broadcast %shift_right_logical3A_763 : i32 to vector<16xi32>
        %shift_right_logical3A_765 = arith.shrui %get3A_762, %shift_right_logical3A_764 : vector<16xi32>
        %and3A_766 = arith.constant 255 : i32
        %and3A_767 = vector.broadcast %and3A_766 : i32 to vector<16xi32>
        %and3A_768 = arith.andi %shift_right_logical3A_765, %and3A_767 : vector<16xi32>
        %add3A_769 = arith.constant 24576 : i32
        %add3A_770 = vector.broadcast %add3A_769 : i32 to vector<16xi32>
        %add3A_771 = arith.addi %and3A_768, %add3A_770 : vector<16xi32>
        %add3A_772 = arith.addi %mul3A_6, %add3A_771 : vector<16xi32>
        tpu.vector_store_idx %arg5[%add3A_772], %broadcast_in_dim3A_3 {add = true} : memref<32768xf32, #tpu.memory_space<vmem>>[vector<16xi32>], vector<16xf32>,
        %get3A_773 = arith.constant 6 : i32
        %get3A_774 = arith.index_cast %scan3A_39 : i32 to index
        %get3A_775 = arith.index_cast %get3A_773 : i32 to index
        %get3A_776 = arith.constant 16 : index
        %get3A_777 = tpu.vector_load %arg4[%get3A_774, %get3A_775, %get3A_776] {strides = array<i32>} : memref<24x8x128xi32, #tpu.memory_space<vmem>>, vector<16xi32>,
        %shift_right_logical3A_778 = arith.constant 23 : i32
        %shift_right_logical3A_779 = vector.broadcast %shift_right_logical3A_778 : i32 to vector<16xi32>
        %shift_right_logical3A_780 = arith.shrui %get3A_777, %shift_right_logical3A_779 : vector<16xi32>
        %and3A_781 = arith.constant 255 : i32
        %and3A_782 = vector.broadcast %and3A_781 : i32 to vector<16xi32>
        %and3A_783 = arith.andi %shift_right_logical3A_780, %and3A_782 : vector<16xi32>
        %add3A_784 = arith.constant 24576 : i32
        %add3A_785 = vector.broadcast %add3A_784 : i32 to vector<16xi32>
        %add3A_786 = arith.addi %and3A_783, %add3A_785 : vector<16xi32>
        %add3A_787 = arith.addi %mul3A_6, %add3A_786 : vector<16xi32>
        tpu.vector_store_idx %arg5[%add3A_787], %broadcast_in_dim3A_3 {add = true} : memref<32768xf32, #tpu.memory_space<vmem>>[vector<16xi32>], vector<16xf32>,
        %get3A_788 = arith.constant 6 : i32
        %get3A_789 = arith.index_cast %scan3A_39 : i32 to index
        %get3A_790 = arith.index_cast %get3A_788 : i32 to index
        %get3A_791 = arith.constant 32 : index
        %get3A_792 = tpu.vector_load %arg4[%get3A_789, %get3A_790, %get3A_791] {strides = array<i32>} : memref<24x8x128xi32, #tpu.memory_space<vmem>>, vector<16xi32>,
        %shift_right_logical3A_793 = arith.constant 23 : i32
        %shift_right_logical3A_794 = vector.broadcast %shift_right_logical3A_793 : i32 to vector<16xi32>
        %shift_right_logical3A_795 = arith.shrui %get3A_792, %shift_right_logical3A_794 : vector<16xi32>
        %and3A_796 = arith.constant 255 : i32
        %and3A_797 = vector.broadcast %and3A_796 : i32 to vector<16xi32>
        %and3A_798 = arith.andi %shift_right_logical3A_795, %and3A_797 : vector<16xi32>
        %add3A_799 = arith.constant 24576 : i32
        %add3A_800 = vector.broadcast %add3A_799 : i32 to vector<16xi32>
        %add3A_801 = arith.addi %and3A_798, %add3A_800 : vector<16xi32>
        %add3A_802 = arith.addi %mul3A_6, %add3A_801 : vector<16xi32>
        tpu.vector_store_idx %arg5[%add3A_802], %broadcast_in_dim3A_3 {add = true} : memref<32768xf32, #tpu.memory_space<vmem>>[vector<16xi32>], vector<16xf32>,
        %get3A_803 = arith.constant 6 : i32
        %get3A_804 = arith.index_cast %scan3A_39 : i32 to index
        %get3A_805 = arith.index_cast %get3A_803 : i32 to index
        %get3A_806 = arith.constant 48 : index
        %get3A_807 = tpu.vector_load %arg4[%get3A_804, %get3A_805, %get3A_806] {strides = array<i32>} : memref<24x8x128xi32, #tpu.memory_space<vmem>>, vector<16xi32>,
        %shift_right_logical3A_808 = arith.constant 23 : i32
        %shift_right_logical3A_809 = vector.broadcast %shift_right_logical3A_808 : i32 to vector<16xi32>
        %shift_right_logical3A_810 = arith.shrui %get3A_807, %shift_right_logical3A_809 : vector<16xi32>
        %and3A_811 = arith.constant 255 : i32
        %and3A_812 = vector.broadcast %and3A_811 : i32 to vector<16xi32>
        %and3A_813 = arith.andi %shift_right_logical3A_810, %and3A_812 : vector<16xi32>
        %add3A_814 = arith.constant 24576 : i32
        %add3A_815 = vector.broadcast %add3A_814 : i32 to vector<16xi32>
        %add3A_816 = arith.addi %and3A_813, %add3A_815 : vector<16xi32>
        %add3A_817 = arith.addi %mul3A_6, %add3A_816 : vector<16xi32>
        tpu.vector_store_idx %arg5[%add3A_817], %broadcast_in_dim3A_3 {add = true} : memref<32768xf32, #tpu.memory_space<vmem>>[vector<16xi32>], vector<16xf32>,
        %get3A_818 = arith.constant 6 : i32
        %get3A_819 = arith.index_cast %scan3A_39 : i32 to index
        %get3A_820 = arith.index_cast %get3A_818 : i32 to index
        %get3A_821 = arith.constant 64 : index
        %get3A_822 = tpu.vector_load %arg4[%get3A_819, %get3A_820, %get3A_821] {strides = array<i32>} : memref<24x8x128xi32, #tpu.memory_space<vmem>>, vector<16xi32>,
        %shift_right_logical3A_823 = arith.constant 23 : i32
        %shift_right_logical3A_824 = vector.broadcast %shift_right_logical3A_823 : i32 to vector<16xi32>
        %shift_right_logical3A_825 = arith.shrui %get3A_822, %shift_right_logical3A_824 : vector<16xi32>
        %and3A_826 = arith.constant 255 : i32
        %and3A_827 = vector.broadcast %and3A_826 : i32 to vector<16xi32>
        %and3A_828 = arith.andi %shift_right_logical3A_825, %and3A_827 : vector<16xi32>
        %add3A_829 = arith.constant 24576 : i32
        %add3A_830 = vector.broadcast %add3A_829 : i32 to vector<16xi32>
        %add3A_831 = arith.addi %and3A_828, %add3A_830 : vector<16xi32>
        %add3A_832 = arith.addi %mul3A_6, %add3A_831 : vector<16xi32>
        tpu.vector_store_idx %arg5[%add3A_832], %broadcast_in_dim3A_3 {add = true} : memref<32768xf32, #tpu.memory_space<vmem>>[vector<16xi32>], vector<16xf32>,
        %get3A_833 = arith.constant 6 : i32
        %get3A_834 = arith.index_cast %scan3A_39 : i32 to index
        %get3A_835 = arith.index_cast %get3A_833 : i32 to index
        %get3A_836 = arith.constant 80 : index
        %get3A_837 = tpu.vector_load %arg4[%get3A_834, %get3A_835, %get3A_836] {strides = array<i32>} : memref<24x8x128xi32, #tpu.memory_space<vmem>>, vector<16xi32>,
        %shift_right_logical3A_838 = arith.constant 23 : i32
        %shift_right_logical3A_839 = vector.broadcast %shift_right_logical3A_838 : i32 to vector<16xi32>
        %shift_right_logical3A_840 = arith.shrui %get3A_837, %shift_right_logical3A_839 : vector<16xi32>
        %and3A_841 = arith.constant 255 : i32
        %and3A_842 = vector.broadcast %and3A_841 : i32 to vector<16xi32>
        %and3A_843 = arith.andi %shift_right_logical3A_840, %and3A_842 : vector<16xi32>
        %add3A_844 = arith.constant 24576 : i32
        %add3A_845 = vector.broadcast %add3A_844 : i32 to vector<16xi32>
        %add3A_846 = arith.addi %and3A_843, %add3A_845 : vector<16xi32>
        %add3A_847 = arith.addi %mul3A_6, %add3A_846 : vector<16xi32>
        tpu.vector_store_idx %arg5[%add3A_847], %broadcast_in_dim3A_3 {add = true} : memref<32768xf32, #tpu.memory_space<vmem>>[vector<16xi32>], vector<16xf32>,
        %get3A_848 = arith.constant 6 : i32
        %get3A_849 = arith.index_cast %scan3A_39 : i32 to index
        %get3A_850 = arith.index_cast %get3A_848 : i32 to index
        %get3A_851 = arith.constant 96 : index
        %get3A_852 = tpu.vector_load %arg4[%get3A_849, %get3A_850, %get3A_851] {strides = array<i32>} : memref<24x8x128xi32, #tpu.memory_space<vmem>>, vector<16xi32>,
        %shift_right_logical3A_853 = arith.constant 23 : i32
        %shift_right_logical3A_854 = vector.broadcast %shift_right_logical3A_853 : i32 to vector<16xi32>
        %shift_right_logical3A_855 = arith.shrui %get3A_852, %shift_right_logical3A_854 : vector<16xi32>
        %and3A_856 = arith.constant 255 : i32
        %and3A_857 = vector.broadcast %and3A_856 : i32 to vector<16xi32>
        %and3A_858 = arith.andi %shift_right_logical3A_855, %and3A_857 : vector<16xi32>
        %add3A_859 = arith.constant 24576 : i32
        %add3A_860 = vector.broadcast %add3A_859 : i32 to vector<16xi32>
        %add3A_861 = arith.addi %and3A_858, %add3A_860 : vector<16xi32>
        %add3A_862 = arith.addi %mul3A_6, %add3A_861 : vector<16xi32>
        tpu.vector_store_idx %arg5[%add3A_862], %broadcast_in_dim3A_3 {add = true} : memref<32768xf32, #tpu.memory_space<vmem>>[vector<16xi32>], vector<16xf32>,
        %get3A_863 = arith.constant 6 : i32
        %get3A_864 = arith.index_cast %scan3A_39 : i32 to index
        %get3A_865 = arith.index_cast %get3A_863 : i32 to index
        %get3A_866 = arith.constant 112 : index
        %get3A_867 = tpu.vector_load %arg4[%get3A_864, %get3A_865, %get3A_866] {strides = array<i32>} : memref<24x8x128xi32, #tpu.memory_space<vmem>>, vector<16xi32>,
        %shift_right_logical3A_868 = arith.constant 23 : i32
        %shift_right_logical3A_869 = vector.broadcast %shift_right_logical3A_868 : i32 to vector<16xi32>
        %shift_right_logical3A_870 = arith.shrui %get3A_867, %shift_right_logical3A_869 : vector<16xi32>
        %and3A_871 = arith.constant 255 : i32
        %and3A_872 = vector.broadcast %and3A_871 : i32 to vector<16xi32>
        %and3A_873 = arith.andi %shift_right_logical3A_870, %and3A_872 : vector<16xi32>
        %add3A_874 = arith.constant 24576 : i32
        %add3A_875 = vector.broadcast %add3A_874 : i32 to vector<16xi32>
        %add3A_876 = arith.addi %and3A_873, %add3A_875 : vector<16xi32>
        %add3A_877 = arith.addi %mul3A_6, %add3A_876 : vector<16xi32>
        tpu.vector_store_idx %arg5[%add3A_877], %broadcast_in_dim3A_3 {add = true} : memref<32768xf32, #tpu.memory_space<vmem>>[vector<16xi32>], vector<16xf32>,
        %get3A_878 = arith.constant 7 : i32
        %get3A_879 = arith.index_cast %scan3A_39 : i32 to index
        %get3A_880 = arith.index_cast %get3A_878 : i32 to index
        %get3A_881 = arith.constant 0 : index
        %get3A_882 = tpu.vector_load %arg4[%get3A_879, %get3A_880, %get3A_881] {strides = array<i32>} : memref<24x8x128xi32, #tpu.memory_space<vmem>>, vector<16xi32>,
        %shift_right_logical3A_883 = arith.constant 23 : i32
        %shift_right_logical3A_884 = vector.broadcast %shift_right_logical3A_883 : i32 to vector<16xi32>
        %shift_right_logical3A_885 = arith.shrui %get3A_882, %shift_right_logical3A_884 : vector<16xi32>
        %and3A_886 = arith.constant 255 : i32
        %and3A_887 = vector.broadcast %and3A_886 : i32 to vector<16xi32>
        %and3A_888 = arith.andi %shift_right_logical3A_885, %and3A_887 : vector<16xi32>
        %add3A_889 = arith.constant 28672 : i32
        %add3A_890 = vector.broadcast %add3A_889 : i32 to vector<16xi32>
        %add3A_891 = arith.addi %and3A_888, %add3A_890 : vector<16xi32>
        %add3A_892 = arith.addi %mul3A_6, %add3A_891 : vector<16xi32>
        tpu.vector_store_idx %arg5[%add3A_892], %broadcast_in_dim3A_3 {add = true} : memref<32768xf32, #tpu.memory_space<vmem>>[vector<16xi32>], vector<16xf32>,
        %get3A_893 = arith.constant 7 : i32
        %get3A_894 = arith.index_cast %scan3A_39 : i32 to index
        %get3A_895 = arith.index_cast %get3A_893 : i32 to index
        %get3A_896 = arith.constant 16 : index
        %get3A_897 = tpu.vector_load %arg4[%get3A_894, %get3A_895, %get3A_896] {strides = array<i32>} : memref<24x8x128xi32, #tpu.memory_space<vmem>>, vector<16xi32>,
        %shift_right_logical3A_898 = arith.constant 23 : i32
        %shift_right_logical3A_899 = vector.broadcast %shift_right_logical3A_898 : i32 to vector<16xi32>
        %shift_right_logical3A_900 = arith.shrui %get3A_897, %shift_right_logical3A_899 : vector<16xi32>
        %and3A_901 = arith.constant 255 : i32
        %and3A_902 = vector.broadcast %and3A_901 : i32 to vector<16xi32>
        %and3A_903 = arith.andi %shift_right_logical3A_900, %and3A_902 : vector<16xi32>
        %add3A_904 = arith.constant 28672 : i32
        %add3A_905 = vector.broadcast %add3A_904 : i32 to vector<16xi32>
        %add3A_906 = arith.addi %and3A_903, %add3A_905 : vector<16xi32>
        %add3A_907 = arith.addi %mul3A_6, %add3A_906 : vector<16xi32>
        tpu.vector_store_idx %arg5[%add3A_907], %broadcast_in_dim3A_3 {add = true} : memref<32768xf32, #tpu.memory_space<vmem>>[vector<16xi32>], vector<16xf32>,
        %get3A_908 = arith.constant 7 : i32
        %get3A_909 = arith.index_cast %scan3A_39 : i32 to index
        %get3A_910 = arith.index_cast %get3A_908 : i32 to index
        %get3A_911 = arith.constant 32 : index
        %get3A_912 = tpu.vector_load %arg4[%get3A_909, %get3A_910, %get3A_911] {strides = array<i32>} : memref<24x8x128xi32, #tpu.memory_space<vmem>>, vector<16xi32>,
        %shift_right_logical3A_913 = arith.constant 23 : i32
        %shift_right_logical3A_914 = vector.broadcast %shift_right_logical3A_913 : i32 to vector<16xi32>
        %shift_right_logical3A_915 = arith.shrui %get3A_912, %shift_right_logical3A_914 : vector<16xi32>
        %and3A_916 = arith.constant 255 : i32
        %and3A_917 = vector.broadcast %and3A_916 : i32 to vector<16xi32>
        %and3A_918 = arith.andi %shift_right_logical3A_915, %and3A_917 : vector<16xi32>
        %add3A_919 = arith.constant 28672 : i32
        %add3A_920 = vector.broadcast %add3A_919 : i32 to vector<16xi32>
        %add3A_921 = arith.addi %and3A_918, %add3A_920 : vector<16xi32>
        %add3A_922 = arith.addi %mul3A_6, %add3A_921 : vector<16xi32>
        tpu.vector_store_idx %arg5[%add3A_922], %broadcast_in_dim3A_3 {add = true} : memref<32768xf32, #tpu.memory_space<vmem>>[vector<16xi32>], vector<16xf32>,
        %get3A_923 = arith.constant 7 : i32
        %get3A_924 = arith.index_cast %scan3A_39 : i32 to index
        %get3A_925 = arith.index_cast %get3A_923 : i32 to index
        %get3A_926 = arith.constant 48 : index
        %get3A_927 = tpu.vector_load %arg4[%get3A_924, %get3A_925, %get3A_926] {strides = array<i32>} : memref<24x8x128xi32, #tpu.memory_space<vmem>>, vector<16xi32>,
        %shift_right_logical3A_928 = arith.constant 23 : i32
        %shift_right_logical3A_929 = vector.broadcast %shift_right_logical3A_928 : i32 to vector<16xi32>
        %shift_right_logical3A_930 = arith.shrui %get3A_927, %shift_right_logical3A_929 : vector<16xi32>
        %and3A_931 = arith.constant 255 : i32
        %and3A_932 = vector.broadcast %and3A_931 : i32 to vector<16xi32>
        %and3A_933 = arith.andi %shift_right_logical3A_930, %and3A_932 : vector<16xi32>
        %add3A_934 = arith.constant 28672 : i32
        %add3A_935 = vector.broadcast %add3A_934 : i32 to vector<16xi32>
        %add3A_936 = arith.addi %and3A_933, %add3A_935 : vector<16xi32>
        %add3A_937 = arith.addi %mul3A_6, %add3A_936 : vector<16xi32>
        tpu.vector_store_idx %arg5[%add3A_937], %broadcast_in_dim3A_3 {add = true} : memref<32768xf32, #tpu.memory_space<vmem>>[vector<16xi32>], vector<16xf32>,
        %get3A_938 = arith.constant 7 : i32
        %get3A_939 = arith.index_cast %scan3A_39 : i32 to index
        %get3A_940 = arith.index_cast %get3A_938 : i32 to index
        %get3A_941 = arith.constant 64 : index
        %get3A_942 = tpu.vector_load %arg4[%get3A_939, %get3A_940, %get3A_941] {strides = array<i32>} : memref<24x8x128xi32, #tpu.memory_space<vmem>>, vector<16xi32>,
        %shift_right_logical3A_943 = arith.constant 23 : i32
        %shift_right_logical3A_944 = vector.broadcast %shift_right_logical3A_943 : i32 to vector<16xi32>
        %shift_right_logical3A_945 = arith.shrui %get3A_942, %shift_right_logical3A_944 : vector<16xi32>
        %and3A_946 = arith.constant 255 : i32
        %and3A_947 = vector.broadcast %and3A_946 : i32 to vector<16xi32>
        %and3A_948 = arith.andi %shift_right_logical3A_945, %and3A_947 : vector<16xi32>
        %add3A_949 = arith.constant 28672 : i32
        %add3A_950 = vector.broadcast %add3A_949 : i32 to vector<16xi32>
        %add3A_951 = arith.addi %and3A_948, %add3A_950 : vector<16xi32>
        %add3A_952 = arith.addi %mul3A_6, %add3A_951 : vector<16xi32>
        tpu.vector_store_idx %arg5[%add3A_952], %broadcast_in_dim3A_3 {add = true} : memref<32768xf32, #tpu.memory_space<vmem>>[vector<16xi32>], vector<16xf32>,
        %get3A_953 = arith.constant 7 : i32
        %get3A_954 = arith.index_cast %scan3A_39 : i32 to index
        %get3A_955 = arith.index_cast %get3A_953 : i32 to index
        %get3A_956 = arith.constant 80 : index
        %get3A_957 = tpu.vector_load %arg4[%get3A_954, %get3A_955, %get3A_956] {strides = array<i32>} : memref<24x8x128xi32, #tpu.memory_space<vmem>>, vector<16xi32>,
        %shift_right_logical3A_958 = arith.constant 23 : i32
        %shift_right_logical3A_959 = vector.broadcast %shift_right_logical3A_958 : i32 to vector<16xi32>
        %shift_right_logical3A_960 = arith.shrui %get3A_957, %shift_right_logical3A_959 : vector<16xi32>
        %and3A_961 = arith.constant 255 : i32
        %and3A_962 = vector.broadcast %and3A_961 : i32 to vector<16xi32>
        %and3A_963 = arith.andi %shift_right_logical3A_960, %and3A_962 : vector<16xi32>
        %add3A_964 = arith.constant 28672 : i32
        %add3A_965 = vector.broadcast %add3A_964 : i32 to vector<16xi32>
        %add3A_966 = arith.addi %and3A_963, %add3A_965 : vector<16xi32>
        %add3A_967 = arith.addi %mul3A_6, %add3A_966 : vector<16xi32>
        tpu.vector_store_idx %arg5[%add3A_967], %broadcast_in_dim3A_3 {add = true} : memref<32768xf32, #tpu.memory_space<vmem>>[vector<16xi32>], vector<16xf32>,
        %get3A_968 = arith.constant 7 : i32
        %get3A_969 = arith.index_cast %scan3A_39 : i32 to index
        %get3A_970 = arith.index_cast %get3A_968 : i32 to index
        %get3A_971 = arith.constant 96 : index
        %get3A_972 = tpu.vector_load %arg4[%get3A_969, %get3A_970, %get3A_971] {strides = array<i32>} : memref<24x8x128xi32, #tpu.memory_space<vmem>>, vector<16xi32>,
        %shift_right_logical3A_973 = arith.constant 23 : i32
        %shift_right_logical3A_974 = vector.broadcast %shift_right_logical3A_973 : i32 to vector<16xi32>
        %shift_right_logical3A_975 = arith.shrui %get3A_972, %shift_right_logical3A_974 : vector<16xi32>
        %and3A_976 = arith.constant 255 : i32
        %and3A_977 = vector.broadcast %and3A_976 : i32 to vector<16xi32>
        %and3A_978 = arith.andi %shift_right_logical3A_975, %and3A_977 : vector<16xi32>
        %add3A_979 = arith.constant 28672 : i32
        %add3A_980 = vector.broadcast %add3A_979 : i32 to vector<16xi32>
        %add3A_981 = arith.addi %and3A_978, %add3A_980 : vector<16xi32>
        %add3A_982 = arith.addi %mul3A_6, %add3A_981 : vector<16xi32>
        tpu.vector_store_idx %arg5[%add3A_982], %broadcast_in_dim3A_3 {add = true} : memref<32768xf32, #tpu.memory_space<vmem>>[vector<16xi32>], vector<16xf32>,
        %get3A_983 = arith.constant 7 : i32
        %get3A_984 = arith.index_cast %scan3A_39 : i32 to index
        %get3A_985 = arith.index_cast %get3A_983 : i32 to index
        %get3A_986 = arith.constant 112 : index
        %get3A_987 = tpu.vector_load %arg4[%get3A_984, %get3A_985, %get3A_986] {strides = array<i32>} : memref<24x8x128xi32, #tpu.memory_space<vmem>>, vector<16xi32>,
        %shift_right_logical3A_988 = arith.constant 23 : i32
        %shift_right_logical3A_989 = vector.broadcast %shift_right_logical3A_988 : i32 to vector<16xi32>
        %shift_right_logical3A_990 = arith.shrui %get3A_987, %shift_right_logical3A_989 : vector<16xi32>
        %and3A_991 = arith.constant 255 : i32
        %and3A_992 = vector.broadcast %and3A_991 : i32 to vector<16xi32>
        %and3A_993 = arith.andi %shift_right_logical3A_990, %and3A_992 : vector<16xi32>
        %add3A_994 = arith.constant 28672 : i32
        %add3A_995 = vector.broadcast %add3A_994 : i32 to vector<16xi32>
        %add3A_996 = arith.addi %and3A_993, %add3A_995 : vector<16xi32>
        %add3A_997 = arith.addi %mul3A_6, %add3A_996 : vector<16xi32>
        tpu.vector_store_idx %arg5[%add3A_997], %broadcast_in_dim3A_3 {add = true} : memref<32768xf32, #tpu.memory_space<vmem>>[vector<16xi32>], vector<16xf32>,
        %scan3A_998 = arith.constant 0 : i32
        scf.yield %scan3A_998 : i32
      }
      %scan3A_37 = arith.constant 24 : i32
      %scan3A_38 = arith.constant 0 : i32
      scf.yield %scan3A_38 : i32
    }
    %scan3A_19 = arith.constant 49 : i32
    %scan3A_20 = arith.constant 0 : i32
    %scan3A_21 = arith.constant 0 : i32
    %scan3A_22 = arith.constant 16 : i32
    %scan3A_23 = arith.addi %scan3A_21, %scan3A_22 : i32
    %scan3A_24 = arith.constant 1 : i32
    %scan3A_25 = scf.for %scan3A_27 = %scan3A_21 to %scan3A_23 step %scan3A_24 iter_args(%scan3A_28 = %scan3A_20) -> (i32)  : i32 {
      %mul3A_29 = arith.constant 16 : i32
      %mul3A_30 = arith.muli %scan3A_27, %mul3A_29 : i32
      %add3A_31 = arith.constant 0 : i32
      %add3A_32 = arith.addi %add3A_31, %mul3A_30 : i32
      %get3A = arith.index_cast %add3A_32 : i32 to index
      %get3A_33 = tpu.vector_load %arg5[%get3A] {strides = array<i32>} : memref<32768xf32, #tpu.memory_space<vmem>>, vector<16xf32>,
      %add3A_34 = arith.addf %broadcast_in_dim3A_1, %get3A_33 : vector<16xf32>
      %mul3A_35 = arith.constant 16 : i32
      %mul3A_36 = arith.muli %scan3A_27, %mul3A_35 : i32
      %add3A_37 = arith.constant 256 : i32
      %add3A_38 = arith.addi %add3A_37, %mul3A_36 : i32
      %get3A_39 = arith.index_cast %add3A_38 : i32 to index
      %get3A_40 = tpu.vector_load %arg5[%get3A_39] {strides = array<i32>} : memref<32768xf32, #tpu.memory_space<vmem>>, vector<16xf32>,
      %add3A_41 = arith.addf %add3A_34, %get3A_40 : vector<16xf32>
      %mul3A_42 = arith.constant 16 : i32
      %mul3A_43 = arith.muli %scan3A_27, %mul3A_42 : i32
      %add3A_44 = arith.constant 512 : i32
      %add3A_45 = arith.addi %add3A_44, %mul3A_43 : i32
      %get3A_46 = arith.index_cast %add3A_45 : i32 to index
      %get3A_47 = tpu.vector_load %arg5[%get3A_46] {strides = array<i32>} : memref<32768xf32, #tpu.memory_space<vmem>>, vector<16xf32>,
      %add3A_48 = arith.addf %add3A_41, %get3A_47 : vector<16xf32>
      %mul3A_49 = arith.constant 16 : i32
      %mul3A_50 = arith.muli %scan3A_27, %mul3A_49 : i32
      %add3A_51 = arith.constant 768 : i32
      %add3A_52 = arith.addi %add3A_51, %mul3A_50 : i32
      %get3A_53 = arith.index_cast %add3A_52 : i32 to index
      %get3A_54 = tpu.vector_load %arg5[%get3A_53] {strides = array<i32>} : memref<32768xf32, #tpu.memory_space<vmem>>, vector<16xf32>,
      %add3A_55 = arith.addf %add3A_48, %get3A_54 : vector<16xf32>
      %mul3A_56 = arith.constant 16 : i32
      %mul3A_57 = arith.muli %scan3A_27, %mul3A_56 : i32
      %add3A_58 = arith.constant 1024 : i32
      %add3A_59 = arith.addi %add3A_58, %mul3A_57 : i32
      %get3A_60 = arith.index_cast %add3A_59 : i32 to index
      %get3A_61 = tpu.vector_load %arg5[%get3A_60] {strides = array<i32>} : memref<32768xf32, #tpu.memory_space<vmem>>, vector<16xf32>,
      %add3A_62 = arith.addf %add3A_55, %get3A_61 : vector<16xf32>
      %mul3A_63 = arith.constant 16 : i32
      %mul3A_64 = arith.muli %scan3A_27, %mul3A_63 : i32
      %add3A_65 = arith.constant 1280 : i32
      %add3A_66 = arith.addi %add3A_65, %mul3A_64 : i32
      %get3A_67 = arith.index_cast %add3A_66 : i32 to index
      %get3A_68 = tpu.vector_load %arg5[%get3A_67] {strides = array<i32>} : memref<32768xf32, #tpu.memory_space<vmem>>, vector<16xf32>,
      %add3A_69 = arith.addf %add3A_62, %get3A_68 : vector<16xf32>
      %mul3A_70 = arith.constant 16 : i32
      %mul3A_71 = arith.muli %scan3A_27, %mul3A_70 : i32
      %add3A_72 = arith.constant 1536 : i32
      %add3A_73 = arith.addi %add3A_72, %mul3A_71 : i32
      %get3A_74 = arith.index_cast %add3A_73 : i32 to index
      %get3A_75 = tpu.vector_load %arg5[%get3A_74] {strides = array<i32>} : memref<32768xf32, #tpu.memory_space<vmem>>, vector<16xf32>,
      %add3A_76 = arith.addf %add3A_69, %get3A_75 : vector<16xf32>
      %mul3A_77 = arith.constant 16 : i32
      %mul3A_78 = arith.muli %scan3A_27, %mul3A_77 : i32
      %add3A_79 = arith.constant 1792 : i32
      %add3A_80 = arith.addi %add3A_79, %mul3A_78 : i32
      %get3A_81 = arith.index_cast %add3A_80 : i32 to index
      %get3A_82 = tpu.vector_load %arg5[%get3A_81] {strides = array<i32>} : memref<32768xf32, #tpu.memory_space<vmem>>, vector<16xf32>,
      %add3A_83 = arith.addf %add3A_76, %get3A_82 : vector<16xf32>
      %mul3A_84 = arith.constant 16 : i32
      %mul3A_85 = arith.muli %scan3A_27, %mul3A_84 : i32
      %add3A_86 = arith.constant 2048 : i32
      %add3A_87 = arith.addi %add3A_86, %mul3A_85 : i32
      %get3A_88 = arith.index_cast %add3A_87 : i32 to index
      %get3A_89 = tpu.vector_load %arg5[%get3A_88] {strides = array<i32>} : memref<32768xf32, #tpu.memory_space<vmem>>, vector<16xf32>,
      %add3A_90 = arith.addf %add3A_83, %get3A_89 : vector<16xf32>
      %mul3A_91 = arith.constant 16 : i32
      %mul3A_92 = arith.muli %scan3A_27, %mul3A_91 : i32
      %add3A_93 = arith.constant 2304 : i32
      %add3A_94 = arith.addi %add3A_93, %mul3A_92 : i32
      %get3A_95 = arith.index_cast %add3A_94 : i32 to index
      %get3A_96 = tpu.vector_load %arg5[%get3A_95] {strides = array<i32>} : memref<32768xf32, #tpu.memory_space<vmem>>, vector<16xf32>,
      %add3A_97 = arith.addf %add3A_90, %get3A_96 : vector<16xf32>
      %mul3A_98 = arith.constant 16 : i32
      %mul3A_99 = arith.muli %scan3A_27, %mul3A_98 : i32
      %add3A_100 = arith.constant 2560 : i32
      %add3A_101 = arith.addi %add3A_100, %mul3A_99 : i32
      %get3A_102 = arith.index_cast %add3A_101 : i32 to index
      %get3A_103 = tpu.vector_load %arg5[%get3A_102] {strides = array<i32>} : memref<32768xf32, #tpu.memory_space<vmem>>, vector<16xf32>,
      %add3A_104 = arith.addf %add3A_97, %get3A_103 : vector<16xf32>
      %mul3A_105 = arith.constant 16 : i32
      %mul3A_106 = arith.muli %scan3A_27, %mul3A_105 : i32
      %add3A_107 = arith.constant 2816 : i32
      %add3A_108 = arith.addi %add3A_107, %mul3A_106 : i32
      %get3A_109 = arith.index_cast %add3A_108 : i32 to index
      %get3A_110 = tpu.vector_load %arg5[%get3A_109] {strides = array<i32>} : memref<32768xf32, #tpu.memory_space<vmem>>, vector<16xf32>,
      %add3A_111 = arith.addf %add3A_104, %get3A_110 : vector<16xf32>
      %mul3A_112 = arith.constant 16 : i32
      %mul3A_113 = arith.muli %scan3A_27, %mul3A_112 : i32
      %add3A_114 = arith.constant 3072 : i32
      %add3A_115 = arith.addi %add3A_114, %mul3A_113 : i32
      %get3A_116 = arith.index_cast %add3A_115 : i32 to index
      %get3A_117 = tpu.vector_load %arg5[%get3A_116] {strides = array<i32>} : memref<32768xf32, #tpu.memory_space<vmem>>, vector<16xf32>,
      %add3A_118 = arith.addf %add3A_111, %get3A_117 : vector<16xf32>
      %mul3A_119 = arith.constant 16 : i32
      %mul3A_120 = arith.muli %scan3A_27, %mul3A_119 : i32
      %add3A_121 = arith.constant 3328 : i32
      %add3A_122 = arith.addi %add3A_121, %mul3A_120 : i32
      %get3A_123 = arith.index_cast %add3A_122 : i32 to index
      %get3A_124 = tpu.vector_load %arg5[%get3A_123] {strides = array<i32>} : memref<32768xf32, #tpu.memory_space<vmem>>, vector<16xf32>,
      %add3A_125 = arith.addf %add3A_118, %get3A_124 : vector<16xf32>
      %mul3A_126 = arith.constant 16 : i32
      %mul3A_127 = arith.muli %scan3A_27, %mul3A_126 : i32
      %add3A_128 = arith.constant 3584 : i32
      %add3A_129 = arith.addi %add3A_128, %mul3A_127 : i32
      %get3A_130 = arith.index_cast %add3A_129 : i32 to index
      %get3A_131 = tpu.vector_load %arg5[%get3A_130] {strides = array<i32>} : memref<32768xf32, #tpu.memory_space<vmem>>, vector<16xf32>,
      %add3A_132 = arith.addf %add3A_125, %get3A_131 : vector<16xf32>
      %mul3A_133 = arith.constant 16 : i32
      %mul3A_134 = arith.muli %scan3A_27, %mul3A_133 : i32
      %add3A_135 = arith.constant 3840 : i32
      %add3A_136 = arith.addi %add3A_135, %mul3A_134 : i32
      %get3A_137 = arith.index_cast %add3A_136 : i32 to index
      %get3A_138 = tpu.vector_load %arg5[%get3A_137] {strides = array<i32>} : memref<32768xf32, #tpu.memory_space<vmem>>, vector<16xf32>,
      %add3A_139 = arith.addf %add3A_132, %get3A_138 : vector<16xf32>
      %mul3A_140 = arith.constant 16 : i32
      %mul3A_141 = arith.muli %scan3A_27, %mul3A_140 : i32
      %add3A_142 = arith.constant 0 : i32
      %add3A_143 = arith.addi %add3A_142, %mul3A_141 : i32
      %swap3A = arith.index_cast %add3A_143 : i32 to index
      %swap3A_144 = tpu.vector_load %arg6[%swap3A] {strides = array<i32>} : memref<2048xf32, #tpu.memory_space<vmem>>, vector<16xf32>,
      tpu.vector_store %arg6[%swap3A], %add3A_139 {strides = array<i32>} : memref<2048xf32, #tpu.memory_space<vmem>>, vector<16xf32>,
      %mul3A_145 = arith.constant 16 : i32
      %mul3A_146 = arith.muli %scan3A_27, %mul3A_145 : i32
      %add3A_147 = arith.constant 4096 : i32
      %add3A_148 = arith.addi %add3A_147, %mul3A_146 : i32
      %get3A_149 = arith.index_cast %add3A_148 : i32 to index
      %get3A_150 = tpu.vector_load %arg5[%get3A_149] {strides = array<i32>} : memref<32768xf32, #tpu.memory_space<vmem>>, vector<16xf32>,
      %add3A_151 = arith.addf %broadcast_in_dim3A_1, %get3A_150 : vector<16xf32>
      %mul3A_152 = arith.constant 16 : i32
      %mul3A_153 = arith.muli %scan3A_27, %mul3A_152 : i32
      %add3A_154 = arith.constant 4352 : i32
      %add3A_155 = arith.addi %add3A_154, %mul3A_153 : i32
      %get3A_156 = arith.index_cast %add3A_155 : i32 to index
      %get3A_157 = tpu.vector_load %arg5[%get3A_156] {strides = array<i32>} : memref<32768xf32, #tpu.memory_space<vmem>>, vector<16xf32>,
      %add3A_158 = arith.addf %add3A_151, %get3A_157 : vector<16xf32>
      %mul3A_159 = arith.constant 16 : i32
      %mul3A_160 = arith.muli %scan3A_27, %mul3A_159 : i32
      %add3A_161 = arith.constant 4608 : i32
      %add3A_162 = arith.addi %add3A_161, %mul3A_160 : i32
      %get3A_163 = arith.index_cast %add3A_162 : i32 to index
      %get3A_164 = tpu.vector_load %arg5[%get3A_163] {strides = array<i32>} : memref<32768xf32, #tpu.memory_space<vmem>>, vector<16xf32>,
      %add3A_165 = arith.addf %add3A_158, %get3A_164 : vector<16xf32>
      %mul3A_166 = arith.constant 16 : i32
      %mul3A_167 = arith.muli %scan3A_27, %mul3A_166 : i32
      %add3A_168 = arith.constant 4864 : i32
      %add3A_169 = arith.addi %add3A_168, %mul3A_167 : i32
      %get3A_170 = arith.index_cast %add3A_169 : i32 to index
      %get3A_171 = tpu.vector_load %arg5[%get3A_170] {strides = array<i32>} : memref<32768xf32, #tpu.memory_space<vmem>>, vector<16xf32>,
      %add3A_172 = arith.addf %add3A_165, %get3A_171 : vector<16xf32>
      %mul3A_173 = arith.constant 16 : i32
      %mul3A_174 = arith.muli %scan3A_27, %mul3A_173 : i32
      %add3A_175 = arith.constant 5120 : i32
      %add3A_176 = arith.addi %add3A_175, %mul3A_174 : i32
      %get3A_177 = arith.index_cast %add3A_176 : i32 to index
      %get3A_178 = tpu.vector_load %arg5[%get3A_177] {strides = array<i32>} : memref<32768xf32, #tpu.memory_space<vmem>>, vector<16xf32>,
      %add3A_179 = arith.addf %add3A_172, %get3A_178 : vector<16xf32>
      %mul3A_180 = arith.constant 16 : i32
      %mul3A_181 = arith.muli %scan3A_27, %mul3A_180 : i32
      %add3A_182 = arith.constant 5376 : i32
      %add3A_183 = arith.addi %add3A_182, %mul3A_181 : i32
      %get3A_184 = arith.index_cast %add3A_183 : i32 to index
      %get3A_185 = tpu.vector_load %arg5[%get3A_184] {strides = array<i32>} : memref<32768xf32, #tpu.memory_space<vmem>>, vector<16xf32>,
      %add3A_186 = arith.addf %add3A_179, %get3A_185 : vector<16xf32>
      %mul3A_187 = arith.constant 16 : i32
      %mul3A_188 = arith.muli %scan3A_27, %mul3A_187 : i32
      %add3A_189 = arith.constant 5632 : i32
      %add3A_190 = arith.addi %add3A_189, %mul3A_188 : i32
      %get3A_191 = arith.index_cast %add3A_190 : i32 to index
      %get3A_192 = tpu.vector_load %arg5[%get3A_191] {strides = array<i32>} : memref<32768xf32, #tpu.memory_space<vmem>>, vector<16xf32>,
      %add3A_193 = arith.addf %add3A_186, %get3A_192 : vector<16xf32>
      %mul3A_194 = arith.constant 16 : i32
      %mul3A_195 = arith.muli %scan3A_27, %mul3A_194 : i32
      %add3A_196 = arith.constant 5888 : i32
      %add3A_197 = arith.addi %add3A_196, %mul3A_195 : i32
      %get3A_198 = arith.index_cast %add3A_197 : i32 to index
      %get3A_199 = tpu.vector_load %arg5[%get3A_198] {strides = array<i32>} : memref<32768xf32, #tpu.memory_space<vmem>>, vector<16xf32>,
      %add3A_200 = arith.addf %add3A_193, %get3A_199 : vector<16xf32>
      %mul3A_201 = arith.constant 16 : i32
      %mul3A_202 = arith.muli %scan3A_27, %mul3A_201 : i32
      %add3A_203 = arith.constant 6144 : i32
      %add3A_204 = arith.addi %add3A_203, %mul3A_202 : i32
      %get3A_205 = arith.index_cast %add3A_204 : i32 to index
      %get3A_206 = tpu.vector_load %arg5[%get3A_205] {strides = array<i32>} : memref<32768xf32, #tpu.memory_space<vmem>>, vector<16xf32>,
      %add3A_207 = arith.addf %add3A_200, %get3A_206 : vector<16xf32>
      %mul3A_208 = arith.constant 16 : i32
      %mul3A_209 = arith.muli %scan3A_27, %mul3A_208 : i32
      %add3A_210 = arith.constant 6400 : i32
      %add3A_211 = arith.addi %add3A_210, %mul3A_209 : i32
      %get3A_212 = arith.index_cast %add3A_211 : i32 to index
      %get3A_213 = tpu.vector_load %arg5[%get3A_212] {strides = array<i32>} : memref<32768xf32, #tpu.memory_space<vmem>>, vector<16xf32>,
      %add3A_214 = arith.addf %add3A_207, %get3A_213 : vector<16xf32>
      %mul3A_215 = arith.constant 16 : i32
      %mul3A_216 = arith.muli %scan3A_27, %mul3A_215 : i32
      %add3A_217 = arith.constant 6656 : i32
      %add3A_218 = arith.addi %add3A_217, %mul3A_216 : i32
      %get3A_219 = arith.index_cast %add3A_218 : i32 to index
      %get3A_220 = tpu.vector_load %arg5[%get3A_219] {strides = array<i32>} : memref<32768xf32, #tpu.memory_space<vmem>>, vector<16xf32>,
      %add3A_221 = arith.addf %add3A_214, %get3A_220 : vector<16xf32>
      %mul3A_222 = arith.constant 16 : i32
      %mul3A_223 = arith.muli %scan3A_27, %mul3A_222 : i32
      %add3A_224 = arith.constant 6912 : i32
      %add3A_225 = arith.addi %add3A_224, %mul3A_223 : i32
      %get3A_226 = arith.index_cast %add3A_225 : i32 to index
      %get3A_227 = tpu.vector_load %arg5[%get3A_226] {strides = array<i32>} : memref<32768xf32, #tpu.memory_space<vmem>>, vector<16xf32>,
      %add3A_228 = arith.addf %add3A_221, %get3A_227 : vector<16xf32>
      %mul3A_229 = arith.constant 16 : i32
      %mul3A_230 = arith.muli %scan3A_27, %mul3A_229 : i32
      %add3A_231 = arith.constant 7168 : i32
      %add3A_232 = arith.addi %add3A_231, %mul3A_230 : i32
      %get3A_233 = arith.index_cast %add3A_232 : i32 to index
      %get3A_234 = tpu.vector_load %arg5[%get3A_233] {strides = array<i32>} : memref<32768xf32, #tpu.memory_space<vmem>>, vector<16xf32>,
      %add3A_235 = arith.addf %add3A_228, %get3A_234 : vector<16xf32>
      %mul3A_236 = arith.constant 16 : i32
      %mul3A_237 = arith.muli %scan3A_27, %mul3A_236 : i32
      %add3A_238 = arith.constant 7424 : i32
      %add3A_239 = arith.addi %add3A_238, %mul3A_237 : i32
      %get3A_240 = arith.index_cast %add3A_239 : i32 to index
      %get3A_241 = tpu.vector_load %arg5[%get3A_240] {strides = array<i32>} : memref<32768xf32, #tpu.memory_space<vmem>>, vector<16xf32>,
      %add3A_242 = arith.addf %add3A_235, %get3A_241 : vector<16xf32>
      %mul3A_243 = arith.constant 16 : i32
      %mul3A_244 = arith.muli %scan3A_27, %mul3A_243 : i32
      %add3A_245 = arith.constant 7680 : i32
      %add3A_246 = arith.addi %add3A_245, %mul3A_244 : i32
      %get3A_247 = arith.index_cast %add3A_246 : i32 to index
      %get3A_248 = tpu.vector_load %arg5[%get3A_247] {strides = array<i32>} : memref<32768xf32, #tpu.memory_space<vmem>>, vector<16xf32>,
      %add3A_249 = arith.addf %add3A_242, %get3A_248 : vector<16xf32>
      %mul3A_250 = arith.constant 16 : i32
      %mul3A_251 = arith.muli %scan3A_27, %mul3A_250 : i32
      %add3A_252 = arith.constant 7936 : i32
      %add3A_253 = arith.addi %add3A_252, %mul3A_251 : i32
      %get3A_254 = arith.index_cast %add3A_253 : i32 to index
      %get3A_255 = tpu.vector_load %arg5[%get3A_254] {strides = array<i32>} : memref<32768xf32, #tpu.memory_space<vmem>>, vector<16xf32>,
      %add3A_256 = arith.addf %add3A_249, %get3A_255 : vector<16xf32>
      %mul3A_257 = arith.constant 16 : i32
      %mul3A_258 = arith.muli %scan3A_27, %mul3A_257 : i32
      %add3A_259 = arith.constant 256 : i32
      %add3A_260 = arith.addi %add3A_259, %mul3A_258 : i32
      %swap3A_261 = arith.index_cast %add3A_260 : i32 to index
      %swap3A_262 = tpu.vector_load %arg6[%swap3A_261] {strides = array<i32>} : memref<2048xf32, #tpu.memory_space<vmem>>, vector<16xf32>,
      tpu.vector_store %arg6[%swap3A_261], %add3A_256 {strides = array<i32>} : memref<2048xf32, #tpu.memory_space<vmem>>, vector<16xf32>,
      %mul3A_263 = arith.constant 16 : i32
      %mul3A_264 = arith.muli %scan3A_27, %mul3A_263 : i32
      %add3A_265 = arith.constant 8192 : i32
      %add3A_266 = arith.addi %add3A_265, %mul3A_264 : i32
      %get3A_267 = arith.index_cast %add3A_266 : i32 to index
      %get3A_268 = tpu.vector_load %arg5[%get3A_267] {strides = array<i32>} : memref<32768xf32, #tpu.memory_space<vmem>>, vector<16xf32>,
      %add3A_269 = arith.addf %broadcast_in_dim3A_1, %get3A_268 : vector<16xf32>
      %mul3A_270 = arith.constant 16 : i32
      %mul3A_271 = arith.muli %scan3A_27, %mul3A_270 : i32
      %add3A_272 = arith.constant 8448 : i32
      %add3A_273 = arith.addi %add3A_272, %mul3A_271 : i32
      %get3A_274 = arith.index_cast %add3A_273 : i32 to index
      %get3A_275 = tpu.vector_load %arg5[%get3A_274] {strides = array<i32>} : memref<32768xf32, #tpu.memory_space<vmem>>, vector<16xf32>,
      %add3A_276 = arith.addf %add3A_269, %get3A_275 : vector<16xf32>
      %mul3A_277 = arith.constant 16 : i32
      %mul3A_278 = arith.muli %scan3A_27, %mul3A_277 : i32
      %add3A_279 = arith.constant 8704 : i32
      %add3A_280 = arith.addi %add3A_279, %mul3A_278 : i32
      %get3A_281 = arith.index_cast %add3A_280 : i32 to index
      %get3A_282 = tpu.vector_load %arg5[%get3A_281] {strides = array<i32>} : memref<32768xf32, #tpu.memory_space<vmem>>, vector<16xf32>,
      %add3A_283 = arith.addf %add3A_276, %get3A_282 : vector<16xf32>
      %mul3A_284 = arith.constant 16 : i32
      %mul3A_285 = arith.muli %scan3A_27, %mul3A_284 : i32
      %add3A_286 = arith.constant 8960 : i32
      %add3A_287 = arith.addi %add3A_286, %mul3A_285 : i32
      %get3A_288 = arith.index_cast %add3A_287 : i32 to index
      %get3A_289 = tpu.vector_load %arg5[%get3A_288] {strides = array<i32>} : memref<32768xf32, #tpu.memory_space<vmem>>, vector<16xf32>,
      %add3A_290 = arith.addf %add3A_283, %get3A_289 : vector<16xf32>
      %mul3A_291 = arith.constant 16 : i32
      %mul3A_292 = arith.muli %scan3A_27, %mul3A_291 : i32
      %add3A_293 = arith.constant 9216 : i32
      %add3A_294 = arith.addi %add3A_293, %mul3A_292 : i32
      %get3A_295 = arith.index_cast %add3A_294 : i32 to index
      %get3A_296 = tpu.vector_load %arg5[%get3A_295] {strides = array<i32>} : memref<32768xf32, #tpu.memory_space<vmem>>, vector<16xf32>,
      %add3A_297 = arith.addf %add3A_290, %get3A_296 : vector<16xf32>
      %mul3A_298 = arith.constant 16 : i32
      %mul3A_299 = arith.muli %scan3A_27, %mul3A_298 : i32
      %add3A_300 = arith.constant 9472 : i32
      %add3A_301 = arith.addi %add3A_300, %mul3A_299 : i32
      %get3A_302 = arith.index_cast %add3A_301 : i32 to index
      %get3A_303 = tpu.vector_load %arg5[%get3A_302] {strides = array<i32>} : memref<32768xf32, #tpu.memory_space<vmem>>, vector<16xf32>,
      %add3A_304 = arith.addf %add3A_297, %get3A_303 : vector<16xf32>
      %mul3A_305 = arith.constant 16 : i32
      %mul3A_306 = arith.muli %scan3A_27, %mul3A_305 : i32
      %add3A_307 = arith.constant 9728 : i32
      %add3A_308 = arith.addi %add3A_307, %mul3A_306 : i32
      %get3A_309 = arith.index_cast %add3A_308 : i32 to index
      %get3A_310 = tpu.vector_load %arg5[%get3A_309] {strides = array<i32>} : memref<32768xf32, #tpu.memory_space<vmem>>, vector<16xf32>,
      %add3A_311 = arith.addf %add3A_304, %get3A_310 : vector<16xf32>
      %mul3A_312 = arith.constant 16 : i32
      %mul3A_313 = arith.muli %scan3A_27, %mul3A_312 : i32
      %add3A_314 = arith.constant 9984 : i32
      %add3A_315 = arith.addi %add3A_314, %mul3A_313 : i32
      %get3A_316 = arith.index_cast %add3A_315 : i32 to index
      %get3A_317 = tpu.vector_load %arg5[%get3A_316] {strides = array<i32>} : memref<32768xf32, #tpu.memory_space<vmem>>, vector<16xf32>,
      %add3A_318 = arith.addf %add3A_311, %get3A_317 : vector<16xf32>
      %mul3A_319 = arith.constant 16 : i32
      %mul3A_320 = arith.muli %scan3A_27, %mul3A_319 : i32
      %add3A_321 = arith.constant 10240 : i32
      %add3A_322 = arith.addi %add3A_321, %mul3A_320 : i32
      %get3A_323 = arith.index_cast %add3A_322 : i32 to index
      %get3A_324 = tpu.vector_load %arg5[%get3A_323] {strides = array<i32>} : memref<32768xf32, #tpu.memory_space<vmem>>, vector<16xf32>,
      %add3A_325 = arith.addf %add3A_318, %get3A_324 : vector<16xf32>
      %mul3A_326 = arith.constant 16 : i32
      %mul3A_327 = arith.muli %scan3A_27, %mul3A_326 : i32
      %add3A_328 = arith.constant 10496 : i32
      %add3A_329 = arith.addi %add3A_328, %mul3A_327 : i32
      %get3A_330 = arith.index_cast %add3A_329 : i32 to index
      %get3A_331 = tpu.vector_load %arg5[%get3A_330] {strides = array<i32>} : memref<32768xf32, #tpu.memory_space<vmem>>, vector<16xf32>,
      %add3A_332 = arith.addf %add3A_325, %get3A_331 : vector<16xf32>
      %mul3A_333 = arith.constant 16 : i32
      %mul3A_334 = arith.muli %scan3A_27, %mul3A_333 : i32
      %add3A_335 = arith.constant 10752 : i32
      %add3A_336 = arith.addi %add3A_335, %mul3A_334 : i32
      %get3A_337 = arith.index_cast %add3A_336 : i32 to index
      %get3A_338 = tpu.vector_load %arg5[%get3A_337] {strides = array<i32>} : memref<32768xf32, #tpu.memory_space<vmem>>, vector<16xf32>,
      %add3A_339 = arith.addf %add3A_332, %get3A_338 : vector<16xf32>
      %mul3A_340 = arith.constant 16 : i32
      %mul3A_341 = arith.muli %scan3A_27, %mul3A_340 : i32
      %add3A_342 = arith.constant 11008 : i32
      %add3A_343 = arith.addi %add3A_342, %mul3A_341 : i32
      %get3A_344 = arith.index_cast %add3A_343 : i32 to index
      %get3A_345 = tpu.vector_load %arg5[%get3A_344] {strides = array<i32>} : memref<32768xf32, #tpu.memory_space<vmem>>, vector<16xf32>,
      %add3A_346 = arith.addf %add3A_339, %get3A_345 : vector<16xf32>
      %mul3A_347 = arith.constant 16 : i32
      %mul3A_348 = arith.muli %scan3A_27, %mul3A_347 : i32
      %add3A_349 = arith.constant 11264 : i32
      %add3A_350 = arith.addi %add3A_349, %mul3A_348 : i32
      %get3A_351 = arith.index_cast %add3A_350 : i32 to index
      %get3A_352 = tpu.vector_load %arg5[%get3A_351] {strides = array<i32>} : memref<32768xf32, #tpu.memory_space<vmem>>, vector<16xf32>,
      %add3A_353 = arith.addf %add3A_346, %get3A_352 : vector<16xf32>
      %mul3A_354 = arith.constant 16 : i32
      %mul3A_355 = arith.muli %scan3A_27, %mul3A_354 : i32
      %add3A_356 = arith.constant 11520 : i32
      %add3A_357 = arith.addi %add3A_356, %mul3A_355 : i32
      %get3A_358 = arith.index_cast %add3A_357 : i32 to index
      %get3A_359 = tpu.vector_load %arg5[%get3A_358] {strides = array<i32>} : memref<32768xf32, #tpu.memory_space<vmem>>, vector<16xf32>,
      %add3A_360 = arith.addf %add3A_353, %get3A_359 : vector<16xf32>
      %mul3A_361 = arith.constant 16 : i32
      %mul3A_362 = arith.muli %scan3A_27, %mul3A_361 : i32
      %add3A_363 = arith.constant 11776 : i32
      %add3A_364 = arith.addi %add3A_363, %mul3A_362 : i32
      %get3A_365 = arith.index_cast %add3A_364 : i32 to index
      %get3A_366 = tpu.vector_load %arg5[%get3A_365] {strides = array<i32>} : memref<32768xf32, #tpu.memory_space<vmem>>, vector<16xf32>,
      %add3A_367 = arith.addf %add3A_360, %get3A_366 : vector<16xf32>
      %mul3A_368 = arith.constant 16 : i32
      %mul3A_369 = arith.muli %scan3A_27, %mul3A_368 : i32
      %add3A_370 = arith.constant 12032 : i32
      %add3A_371 = arith.addi %add3A_370, %mul3A_369 : i32
      %get3A_372 = arith.index_cast %add3A_371 : i32 to index
      %get3A_373 = tpu.vector_load %arg5[%get3A_372] {strides = array<i32>} : memref<32768xf32, #tpu.memory_space<vmem>>, vector<16xf32>,
      %add3A_374 = arith.addf %add3A_367, %get3A_373 : vector<16xf32>
      %mul3A_375 = arith.constant 16 : i32
      %mul3A_376 = arith.muli %scan3A_27, %mul3A_375 : i32
      %add3A_377 = arith.constant 512 : i32
      %add3A_378 = arith.addi %add3A_377, %mul3A_376 : i32
      %swap3A_379 = arith.index_cast %add3A_378 : i32 to index
      %swap3A_380 = tpu.vector_load %arg6[%swap3A_379] {strides = array<i32>} : memref<2048xf32, #tpu.memory_space<vmem>>, vector<16xf32>,
      tpu.vector_store %arg6[%swap3A_379], %add3A_374 {strides = array<i32>} : memref<2048xf32, #tpu.memory_space<vmem>>, vector<16xf32>,
      %mul3A_381 = arith.constant 16 : i32
      %mul3A_382 = arith.muli %scan3A_27, %mul3A_381 : i32
      %add3A_383 = arith.constant 12288 : i32
      %add3A_384 = arith.addi %add3A_383, %mul3A_382 : i32
      %get3A_385 = arith.index_cast %add3A_384 : i32 to index
      %get3A_386 = tpu.vector_load %arg5[%get3A_385] {strides = array<i32>} : memref<32768xf32, #tpu.memory_space<vmem>>, vector<16xf32>,
      %add3A_387 = arith.addf %broadcast_in_dim3A_1, %get3A_386 : vector<16xf32>
      %mul3A_388 = arith.constant 16 : i32
      %mul3A_389 = arith.muli %scan3A_27, %mul3A_388 : i32
      %add3A_390 = arith.constant 12544 : i32
      %add3A_391 = arith.addi %add3A_390, %mul3A_389 : i32
      %get3A_392 = arith.index_cast %add3A_391 : i32 to index
      %get3A_393 = tpu.vector_load %arg5[%get3A_392] {strides = array<i32>} : memref<32768xf32, #tpu.memory_space<vmem>>, vector<16xf32>,
      %add3A_394 = arith.addf %add3A_387, %get3A_393 : vector<16xf32>
      %mul3A_395 = arith.constant 16 : i32
      %mul3A_396 = arith.muli %scan3A_27, %mul3A_395 : i32
      %add3A_397 = arith.constant 12800 : i32
      %add3A_398 = arith.addi %add3A_397, %mul3A_396 : i32
      %get3A_399 = arith.index_cast %add3A_398 : i32 to index
      %get3A_400 = tpu.vector_load %arg5[%get3A_399] {strides = array<i32>} : memref<32768xf32, #tpu.memory_space<vmem>>, vector<16xf32>,
      %add3A_401 = arith.addf %add3A_394, %get3A_400 : vector<16xf32>
      %mul3A_402 = arith.constant 16 : i32
      %mul3A_403 = arith.muli %scan3A_27, %mul3A_402 : i32
      %add3A_404 = arith.constant 13056 : i32
      %add3A_405 = arith.addi %add3A_404, %mul3A_403 : i32
      %get3A_406 = arith.index_cast %add3A_405 : i32 to index
      %get3A_407 = tpu.vector_load %arg5[%get3A_406] {strides = array<i32>} : memref<32768xf32, #tpu.memory_space<vmem>>, vector<16xf32>,
      %add3A_408 = arith.addf %add3A_401, %get3A_407 : vector<16xf32>
      %mul3A_409 = arith.constant 16 : i32
      %mul3A_410 = arith.muli %scan3A_27, %mul3A_409 : i32
      %add3A_411 = arith.constant 13312 : i32
      %add3A_412 = arith.addi %add3A_411, %mul3A_410 : i32
      %get3A_413 = arith.index_cast %add3A_412 : i32 to index
      %get3A_414 = tpu.vector_load %arg5[%get3A_413] {strides = array<i32>} : memref<32768xf32, #tpu.memory_space<vmem>>, vector<16xf32>,
      %add3A_415 = arith.addf %add3A_408, %get3A_414 : vector<16xf32>
      %mul3A_416 = arith.constant 16 : i32
      %mul3A_417 = arith.muli %scan3A_27, %mul3A_416 : i32
      %add3A_418 = arith.constant 13568 : i32
      %add3A_419 = arith.addi %add3A_418, %mul3A_417 : i32
      %get3A_420 = arith.index_cast %add3A_419 : i32 to index
      %get3A_421 = tpu.vector_load %arg5[%get3A_420] {strides = array<i32>} : memref<32768xf32, #tpu.memory_space<vmem>>, vector<16xf32>,
      %add3A_422 = arith.addf %add3A_415, %get3A_421 : vector<16xf32>
      %mul3A_423 = arith.constant 16 : i32
      %mul3A_424 = arith.muli %scan3A_27, %mul3A_423 : i32
      %add3A_425 = arith.constant 13824 : i32
      %add3A_426 = arith.addi %add3A_425, %mul3A_424 : i32
      %get3A_427 = arith.index_cast %add3A_426 : i32 to index
      %get3A_428 = tpu.vector_load %arg5[%get3A_427] {strides = array<i32>} : memref<32768xf32, #tpu.memory_space<vmem>>, vector<16xf32>,
      %add3A_429 = arith.addf %add3A_422, %get3A_428 : vector<16xf32>
      %mul3A_430 = arith.constant 16 : i32
      %mul3A_431 = arith.muli %scan3A_27, %mul3A_430 : i32
      %add3A_432 = arith.constant 14080 : i32
      %add3A_433 = arith.addi %add3A_432, %mul3A_431 : i32
      %get3A_434 = arith.index_cast %add3A_433 : i32 to index
      %get3A_435 = tpu.vector_load %arg5[%get3A_434] {strides = array<i32>} : memref<32768xf32, #tpu.memory_space<vmem>>, vector<16xf32>,
      %add3A_436 = arith.addf %add3A_429, %get3A_435 : vector<16xf32>
      %mul3A_437 = arith.constant 16 : i32
      %mul3A_438 = arith.muli %scan3A_27, %mul3A_437 : i32
      %add3A_439 = arith.constant 14336 : i32
      %add3A_440 = arith.addi %add3A_439, %mul3A_438 : i32
      %get3A_441 = arith.index_cast %add3A_440 : i32 to index
      %get3A_442 = tpu.vector_load %arg5[%get3A_441] {strides = array<i32>} : memref<32768xf32, #tpu.memory_space<vmem>>, vector<16xf32>,
      %add3A_443 = arith.addf %add3A_436, %get3A_442 : vector<16xf32>
      %mul3A_444 = arith.constant 16 : i32
      %mul3A_445 = arith.muli %scan3A_27, %mul3A_444 : i32
      %add3A_446 = arith.constant 14592 : i32
      %add3A_447 = arith.addi %add3A_446, %mul3A_445 : i32
      %get3A_448 = arith.index_cast %add3A_447 : i32 to index
      %get3A_449 = tpu.vector_load %arg5[%get3A_448] {strides = array<i32>} : memref<32768xf32, #tpu.memory_space<vmem>>, vector<16xf32>,
      %add3A_450 = arith.addf %add3A_443, %get3A_449 : vector<16xf32>
      %mul3A_451 = arith.constant 16 : i32
      %mul3A_452 = arith.muli %scan3A_27, %mul3A_451 : i32
      %add3A_453 = arith.constant 14848 : i32
      %add3A_454 = arith.addi %add3A_453, %mul3A_452 : i32
      %get3A_455 = arith.index_cast %add3A_454 : i32 to index
      %get3A_456 = tpu.vector_load %arg5[%get3A_455] {strides = array<i32>} : memref<32768xf32, #tpu.memory_space<vmem>>, vector<16xf32>,
      %add3A_457 = arith.addf %add3A_450, %get3A_456 : vector<16xf32>
      %mul3A_458 = arith.constant 16 : i32
      %mul3A_459 = arith.muli %scan3A_27, %mul3A_458 : i32
      %add3A_460 = arith.constant 15104 : i32
      %add3A_461 = arith.addi %add3A_460, %mul3A_459 : i32
      %get3A_462 = arith.index_cast %add3A_461 : i32 to index
      %get3A_463 = tpu.vector_load %arg5[%get3A_462] {strides = array<i32>} : memref<32768xf32, #tpu.memory_space<vmem>>, vector<16xf32>,
      %add3A_464 = arith.addf %add3A_457, %get3A_463 : vector<16xf32>
      %mul3A_465 = arith.constant 16 : i32
      %mul3A_466 = arith.muli %scan3A_27, %mul3A_465 : i32
      %add3A_467 = arith.constant 15360 : i32
      %add3A_468 = arith.addi %add3A_467, %mul3A_466 : i32
      %get3A_469 = arith.index_cast %add3A_468 : i32 to index
      %get3A_470 = tpu.vector_load %arg5[%get3A_469] {strides = array<i32>} : memref<32768xf32, #tpu.memory_space<vmem>>, vector<16xf32>,
      %add3A_471 = arith.addf %add3A_464, %get3A_470 : vector<16xf32>
      %mul3A_472 = arith.constant 16 : i32
      %mul3A_473 = arith.muli %scan3A_27, %mul3A_472 : i32
      %add3A_474 = arith.constant 15616 : i32
      %add3A_475 = arith.addi %add3A_474, %mul3A_473 : i32
      %get3A_476 = arith.index_cast %add3A_475 : i32 to index
      %get3A_477 = tpu.vector_load %arg5[%get3A_476] {strides = array<i32>} : memref<32768xf32, #tpu.memory_space<vmem>>, vector<16xf32>,
      %add3A_478 = arith.addf %add3A_471, %get3A_477 : vector<16xf32>
      %mul3A_479 = arith.constant 16 : i32
      %mul3A_480 = arith.muli %scan3A_27, %mul3A_479 : i32
      %add3A_481 = arith.constant 15872 : i32
      %add3A_482 = arith.addi %add3A_481, %mul3A_480 : i32
      %get3A_483 = arith.index_cast %add3A_482 : i32 to index
      %get3A_484 = tpu.vector_load %arg5[%get3A_483] {strides = array<i32>} : memref<32768xf32, #tpu.memory_space<vmem>>, vector<16xf32>,
      %add3A_485 = arith.addf %add3A_478, %get3A_484 : vector<16xf32>
      %mul3A_486 = arith.constant 16 : i32
      %mul3A_487 = arith.muli %scan3A_27, %mul3A_486 : i32
      %add3A_488 = arith.constant 16128 : i32
      %add3A_489 = arith.addi %add3A_488, %mul3A_487 : i32
      %get3A_490 = arith.index_cast %add3A_489 : i32 to index
      %get3A_491 = tpu.vector_load %arg5[%get3A_490] {strides = array<i32>} : memref<32768xf32, #tpu.memory_space<vmem>>, vector<16xf32>,
      %add3A_492 = arith.addf %add3A_485, %get3A_491 : vector<16xf32>
      %mul3A_493 = arith.constant 16 : i32
      %mul3A_494 = arith.muli %scan3A_27, %mul3A_493 : i32
      %add3A_495 = arith.constant 768 : i32
      %add3A_496 = arith.addi %add3A_495, %mul3A_494 : i32
      %swap3A_497 = arith.index_cast %add3A_496 : i32 to index
      %swap3A_498 = tpu.vector_load %arg6[%swap3A_497] {strides = array<i32>} : memref<2048xf32, #tpu.memory_space<vmem>>, vector<16xf32>,
      tpu.vector_store %arg6[%swap3A_497], %add3A_492 {strides = array<i32>} : memref<2048xf32, #tpu.memory_space<vmem>>, vector<16xf32>,
      %mul3A_499 = arith.constant 16 : i32
      %mul3A_500 = arith.muli %scan3A_27, %mul3A_499 : i32
      %add3A_501 = arith.constant 16384 : i32
      %add3A_502 = arith.addi %add3A_501, %mul3A_500 : i32
      %get3A_503 = arith.index_cast %add3A_502 : i32 to index
      %get3A_504 = tpu.vector_load %arg5[%get3A_503] {strides = array<i32>} : memref<32768xf32, #tpu.memory_space<vmem>>, vector<16xf32>,
      %add3A_505 = arith.addf %broadcast_in_dim3A_1, %get3A_504 : vector<16xf32>
      %mul3A_506 = arith.constant 16 : i32
      %mul3A_507 = arith.muli %scan3A_27, %mul3A_506 : i32
      %add3A_508 = arith.constant 16640 : i32
      %add3A_509 = arith.addi %add3A_508, %mul3A_507 : i32
      %get3A_510 = arith.index_cast %add3A_509 : i32 to index
      %get3A_511 = tpu.vector_load %arg5[%get3A_510] {strides = array<i32>} : memref<32768xf32, #tpu.memory_space<vmem>>, vector<16xf32>,
      %add3A_512 = arith.addf %add3A_505, %get3A_511 : vector<16xf32>
      %mul3A_513 = arith.constant 16 : i32
      %mul3A_514 = arith.muli %scan3A_27, %mul3A_513 : i32
      %add3A_515 = arith.constant 16896 : i32
      %add3A_516 = arith.addi %add3A_515, %mul3A_514 : i32
      %get3A_517 = arith.index_cast %add3A_516 : i32 to index
      %get3A_518 = tpu.vector_load %arg5[%get3A_517] {strides = array<i32>} : memref<32768xf32, #tpu.memory_space<vmem>>, vector<16xf32>,
      %add3A_519 = arith.addf %add3A_512, %get3A_518 : vector<16xf32>
      %mul3A_520 = arith.constant 16 : i32
      %mul3A_521 = arith.muli %scan3A_27, %mul3A_520 : i32
      %add3A_522 = arith.constant 17152 : i32
      %add3A_523 = arith.addi %add3A_522, %mul3A_521 : i32
      %get3A_524 = arith.index_cast %add3A_523 : i32 to index
      %get3A_525 = tpu.vector_load %arg5[%get3A_524] {strides = array<i32>} : memref<32768xf32, #tpu.memory_space<vmem>>, vector<16xf32>,
      %add3A_526 = arith.addf %add3A_519, %get3A_525 : vector<16xf32>
      %mul3A_527 = arith.constant 16 : i32
      %mul3A_528 = arith.muli %scan3A_27, %mul3A_527 : i32
      %add3A_529 = arith.constant 17408 : i32
      %add3A_530 = arith.addi %add3A_529, %mul3A_528 : i32
      %get3A_531 = arith.index_cast %add3A_530 : i32 to index
      %get3A_532 = tpu.vector_load %arg5[%get3A_531] {strides = array<i32>} : memref<32768xf32, #tpu.memory_space<vmem>>, vector<16xf32>,
      %add3A_533 = arith.addf %add3A_526, %get3A_532 : vector<16xf32>
      %mul3A_534 = arith.constant 16 : i32
      %mul3A_535 = arith.muli %scan3A_27, %mul3A_534 : i32
      %add3A_536 = arith.constant 17664 : i32
      %add3A_537 = arith.addi %add3A_536, %mul3A_535 : i32
      %get3A_538 = arith.index_cast %add3A_537 : i32 to index
      %get3A_539 = tpu.vector_load %arg5[%get3A_538] {strides = array<i32>} : memref<32768xf32, #tpu.memory_space<vmem>>, vector<16xf32>,
      %add3A_540 = arith.addf %add3A_533, %get3A_539 : vector<16xf32>
      %mul3A_541 = arith.constant 16 : i32
      %mul3A_542 = arith.muli %scan3A_27, %mul3A_541 : i32
      %add3A_543 = arith.constant 17920 : i32
      %add3A_544 = arith.addi %add3A_543, %mul3A_542 : i32
      %get3A_545 = arith.index_cast %add3A_544 : i32 to index
      %get3A_546 = tpu.vector_load %arg5[%get3A_545] {strides = array<i32>} : memref<32768xf32, #tpu.memory_space<vmem>>, vector<16xf32>,
      %add3A_547 = arith.addf %add3A_540, %get3A_546 : vector<16xf32>
      %mul3A_548 = arith.constant 16 : i32
      %mul3A_549 = arith.muli %scan3A_27, %mul3A_548 : i32
      %add3A_550 = arith.constant 18176 : i32
      %add3A_551 = arith.addi %add3A_550, %mul3A_549 : i32
      %get3A_552 = arith.index_cast %add3A_551 : i32 to index
      %get3A_553 = tpu.vector_load %arg5[%get3A_552] {strides = array<i32>} : memref<32768xf32, #tpu.memory_space<vmem>>, vector<16xf32>,
      %add3A_554 = arith.addf %add3A_547, %get3A_553 : vector<16xf32>
      %mul3A_555 = arith.constant 16 : i32
      %mul3A_556 = arith.muli %scan3A_27, %mul3A_555 : i32
      %add3A_557 = arith.constant 18432 : i32
      %add3A_558 = arith.addi %add3A_557, %mul3A_556 : i32
      %get3A_559 = arith.index_cast %add3A_558 : i32 to index
      %get3A_560 = tpu.vector_load %arg5[%get3A_559] {strides = array<i32>} : memref<32768xf32, #tpu.memory_space<vmem>>, vector<16xf32>,
      %add3A_561 = arith.addf %add3A_554, %get3A_560 : vector<16xf32>
      %mul3A_562 = arith.constant 16 : i32
      %mul3A_563 = arith.muli %scan3A_27, %mul3A_562 : i32
      %add3A_564 = arith.constant 18688 : i32
      %add3A_565 = arith.addi %add3A_564, %mul3A_563 : i32
      %get3A_566 = arith.index_cast %add3A_565 : i32 to index
      %get3A_567 = tpu.vector_load %arg5[%get3A_566] {strides = array<i32>} : memref<32768xf32, #tpu.memory_space<vmem>>, vector<16xf32>,
      %add3A_568 = arith.addf %add3A_561, %get3A_567 : vector<16xf32>
      %mul3A_569 = arith.constant 16 : i32
      %mul3A_570 = arith.muli %scan3A_27, %mul3A_569 : i32
      %add3A_571 = arith.constant 18944 : i32
      %add3A_572 = arith.addi %add3A_571, %mul3A_570 : i32
      %get3A_573 = arith.index_cast %add3A_572 : i32 to index
      %get3A_574 = tpu.vector_load %arg5[%get3A_573] {strides = array<i32>} : memref<32768xf32, #tpu.memory_space<vmem>>, vector<16xf32>,
      %add3A_575 = arith.addf %add3A_568, %get3A_574 : vector<16xf32>
      %mul3A_576 = arith.constant 16 : i32
      %mul3A_577 = arith.muli %scan3A_27, %mul3A_576 : i32
      %add3A_578 = arith.constant 19200 : i32
      %add3A_579 = arith.addi %add3A_578, %mul3A_577 : i32
      %get3A_580 = arith.index_cast %add3A_579 : i32 to index
      %get3A_581 = tpu.vector_load %arg5[%get3A_580] {strides = array<i32>} : memref<32768xf32, #tpu.memory_space<vmem>>, vector<16xf32>,
      %add3A_582 = arith.addf %add3A_575, %get3A_581 : vector<16xf32>
      %mul3A_583 = arith.constant 16 : i32
      %mul3A_584 = arith.muli %scan3A_27, %mul3A_583 : i32
      %add3A_585 = arith.constant 19456 : i32
      %add3A_586 = arith.addi %add3A_585, %mul3A_584 : i32
      %get3A_587 = arith.index_cast %add3A_586 : i32 to index
      %get3A_588 = tpu.vector_load %arg5[%get3A_587] {strides = array<i32>} : memref<32768xf32, #tpu.memory_space<vmem>>, vector<16xf32>,
      %add3A_589 = arith.addf %add3A_582, %get3A_588 : vector<16xf32>
      %mul3A_590 = arith.constant 16 : i32
      %mul3A_591 = arith.muli %scan3A_27, %mul3A_590 : i32
      %add3A_592 = arith.constant 19712 : i32
      %add3A_593 = arith.addi %add3A_592, %mul3A_591 : i32
      %get3A_594 = arith.index_cast %add3A_593 : i32 to index
      %get3A_595 = tpu.vector_load %arg5[%get3A_594] {strides = array<i32>} : memref<32768xf32, #tpu.memory_space<vmem>>, vector<16xf32>,
      %add3A_596 = arith.addf %add3A_589, %get3A_595 : vector<16xf32>
      %mul3A_597 = arith.constant 16 : i32
      %mul3A_598 = arith.muli %scan3A_27, %mul3A_597 : i32
      %add3A_599 = arith.constant 19968 : i32
      %add3A_600 = arith.addi %add3A_599, %mul3A_598 : i32
      %get3A_601 = arith.index_cast %add3A_600 : i32 to index
      %get3A_602 = tpu.vector_load %arg5[%get3A_601] {strides = array<i32>} : memref<32768xf32, #tpu.memory_space<vmem>>, vector<16xf32>,
      %add3A_603 = arith.addf %add3A_596, %get3A_602 : vector<16xf32>
      %mul3A_604 = arith.constant 16 : i32
      %mul3A_605 = arith.muli %scan3A_27, %mul3A_604 : i32
      %add3A_606 = arith.constant 20224 : i32
      %add3A_607 = arith.addi %add3A_606, %mul3A_605 : i32
      %get3A_608 = arith.index_cast %add3A_607 : i32 to index
      %get3A_609 = tpu.vector_load %arg5[%get3A_608] {strides = array<i32>} : memref<32768xf32, #tpu.memory_space<vmem>>, vector<16xf32>,
      %add3A_610 = arith.addf %add3A_603, %get3A_609 : vector<16xf32>
      %mul3A_611 = arith.constant 16 : i32
      %mul3A_612 = arith.muli %scan3A_27, %mul3A_611 : i32
      %add3A_613 = arith.constant 1024 : i32
      %add3A_614 = arith.addi %add3A_613, %mul3A_612 : i32
      %swap3A_615 = arith.index_cast %add3A_614 : i32 to index
      %swap3A_616 = tpu.vector_load %arg6[%swap3A_615] {strides = array<i32>} : memref<2048xf32, #tpu.memory_space<vmem>>, vector<16xf32>,
      tpu.vector_store %arg6[%swap3A_615], %add3A_610 {strides = array<i32>} : memref<2048xf32, #tpu.memory_space<vmem>>, vector<16xf32>,
      %mul3A_617 = arith.constant 16 : i32
      %mul3A_618 = arith.muli %scan3A_27, %mul3A_617 : i32
      %add3A_619 = arith.constant 20480 : i32
      %add3A_620 = arith.addi %add3A_619, %mul3A_618 : i32
      %get3A_621 = arith.index_cast %add3A_620 : i32 to index
      %get3A_622 = tpu.vector_load %arg5[%get3A_621] {strides = array<i32>} : memref<32768xf32, #tpu.memory_space<vmem>>, vector<16xf32>,
      %add3A_623 = arith.addf %broadcast_in_dim3A_1, %get3A_622 : vector<16xf32>
      %mul3A_624 = arith.constant 16 : i32
      %mul3A_625 = arith.muli %scan3A_27, %mul3A_624 : i32
      %add3A_626 = arith.constant 20736 : i32
      %add3A_627 = arith.addi %add3A_626, %mul3A_625 : i32
      %get3A_628 = arith.index_cast %add3A_627 : i32 to index
      %get3A_629 = tpu.vector_load %arg5[%get3A_628] {strides = array<i32>} : memref<32768xf32, #tpu.memory_space<vmem>>, vector<16xf32>,
      %add3A_630 = arith.addf %add3A_623, %get3A_629 : vector<16xf32>
      %mul3A_631 = arith.constant 16 : i32
      %mul3A_632 = arith.muli %scan3A_27, %mul3A_631 : i32
      %add3A_633 = arith.constant 20992 : i32
      %add3A_634 = arith.addi %add3A_633, %mul3A_632 : i32
      %get3A_635 = arith.index_cast %add3A_634 : i32 to index
      %get3A_636 = tpu.vector_load %arg5[%get3A_635] {strides = array<i32>} : memref<32768xf32, #tpu.memory_space<vmem>>, vector<16xf32>,
      %add3A_637 = arith.addf %add3A_630, %get3A_636 : vector<16xf32>
      %mul3A_638 = arith.constant 16 : i32
      %mul3A_639 = arith.muli %scan3A_27, %mul3A_638 : i32
      %add3A_640 = arith.constant 21248 : i32
      %add3A_641 = arith.addi %add3A_640, %mul3A_639 : i32
      %get3A_642 = arith.index_cast %add3A_641 : i32 to index
      %get3A_643 = tpu.vector_load %arg5[%get3A_642] {strides = array<i32>} : memref<32768xf32, #tpu.memory_space<vmem>>, vector<16xf32>,
      %add3A_644 = arith.addf %add3A_637, %get3A_643 : vector<16xf32>
      %mul3A_645 = arith.constant 16 : i32
      %mul3A_646 = arith.muli %scan3A_27, %mul3A_645 : i32
      %add3A_647 = arith.constant 21504 : i32
      %add3A_648 = arith.addi %add3A_647, %mul3A_646 : i32
      %get3A_649 = arith.index_cast %add3A_648 : i32 to index
      %get3A_650 = tpu.vector_load %arg5[%get3A_649] {strides = array<i32>} : memref<32768xf32, #tpu.memory_space<vmem>>, vector<16xf32>,
      %add3A_651 = arith.addf %add3A_644, %get3A_650 : vector<16xf32>
      %mul3A_652 = arith.constant 16 : i32
      %mul3A_653 = arith.muli %scan3A_27, %mul3A_652 : i32
      %add3A_654 = arith.constant 21760 : i32
      %add3A_655 = arith.addi %add3A_654, %mul3A_653 : i32
      %get3A_656 = arith.index_cast %add3A_655 : i32 to index
      %get3A_657 = tpu.vector_load %arg5[%get3A_656] {strides = array<i32>} : memref<32768xf32, #tpu.memory_space<vmem>>, vector<16xf32>,
      %add3A_658 = arith.addf %add3A_651, %get3A_657 : vector<16xf32>
      %mul3A_659 = arith.constant 16 : i32
      %mul3A_660 = arith.muli %scan3A_27, %mul3A_659 : i32
      %add3A_661 = arith.constant 22016 : i32
      %add3A_662 = arith.addi %add3A_661, %mul3A_660 : i32
      %get3A_663 = arith.index_cast %add3A_662 : i32 to index
      %get3A_664 = tpu.vector_load %arg5[%get3A_663] {strides = array<i32>} : memref<32768xf32, #tpu.memory_space<vmem>>, vector<16xf32>,
      %add3A_665 = arith.addf %add3A_658, %get3A_664 : vector<16xf32>
      %mul3A_666 = arith.constant 16 : i32
      %mul3A_667 = arith.muli %scan3A_27, %mul3A_666 : i32
      %add3A_668 = arith.constant 22272 : i32
      %add3A_669 = arith.addi %add3A_668, %mul3A_667 : i32
      %get3A_670 = arith.index_cast %add3A_669 : i32 to index
      %get3A_671 = tpu.vector_load %arg5[%get3A_670] {strides = array<i32>} : memref<32768xf32, #tpu.memory_space<vmem>>, vector<16xf32>,
      %add3A_672 = arith.addf %add3A_665, %get3A_671 : vector<16xf32>
      %mul3A_673 = arith.constant 16 : i32
      %mul3A_674 = arith.muli %scan3A_27, %mul3A_673 : i32
      %add3A_675 = arith.constant 22528 : i32
      %add3A_676 = arith.addi %add3A_675, %mul3A_674 : i32
      %get3A_677 = arith.index_cast %add3A_676 : i32 to index
      %get3A_678 = tpu.vector_load %arg5[%get3A_677] {strides = array<i32>} : memref<32768xf32, #tpu.memory_space<vmem>>, vector<16xf32>,
      %add3A_679 = arith.addf %add3A_672, %get3A_678 : vector<16xf32>
      %mul3A_680 = arith.constant 16 : i32
      %mul3A_681 = arith.muli %scan3A_27, %mul3A_680 : i32
      %add3A_682 = arith.constant 22784 : i32
      %add3A_683 = arith.addi %add3A_682, %mul3A_681 : i32
      %get3A_684 = arith.index_cast %add3A_683 : i32 to index
      %get3A_685 = tpu.vector_load %arg5[%get3A_684] {strides = array<i32>} : memref<32768xf32, #tpu.memory_space<vmem>>, vector<16xf32>,
      %add3A_686 = arith.addf %add3A_679, %get3A_685 : vector<16xf32>
      %mul3A_687 = arith.constant 16 : i32
      %mul3A_688 = arith.muli %scan3A_27, %mul3A_687 : i32
      %add3A_689 = arith.constant 23040 : i32
      %add3A_690 = arith.addi %add3A_689, %mul3A_688 : i32
      %get3A_691 = arith.index_cast %add3A_690 : i32 to index
      %get3A_692 = tpu.vector_load %arg5[%get3A_691] {strides = array<i32>} : memref<32768xf32, #tpu.memory_space<vmem>>, vector<16xf32>,
      %add3A_693 = arith.addf %add3A_686, %get3A_692 : vector<16xf32>
      %mul3A_694 = arith.constant 16 : i32
      %mul3A_695 = arith.muli %scan3A_27, %mul3A_694 : i32
      %add3A_696 = arith.constant 23296 : i32
      %add3A_697 = arith.addi %add3A_696, %mul3A_695 : i32
      %get3A_698 = arith.index_cast %add3A_697 : i32 to index
      %get3A_699 = tpu.vector_load %arg5[%get3A_698] {strides = array<i32>} : memref<32768xf32, #tpu.memory_space<vmem>>, vector<16xf32>,
      %add3A_700 = arith.addf %add3A_693, %get3A_699 : vector<16xf32>
      %mul3A_701 = arith.constant 16 : i32
      %mul3A_702 = arith.muli %scan3A_27, %mul3A_701 : i32
      %add3A_703 = arith.constant 23552 : i32
      %add3A_704 = arith.addi %add3A_703, %mul3A_702 : i32
      %get3A_705 = arith.index_cast %add3A_704 : i32 to index
      %get3A_706 = tpu.vector_load %arg5[%get3A_705] {strides = array<i32>} : memref<32768xf32, #tpu.memory_space<vmem>>, vector<16xf32>,
      %add3A_707 = arith.addf %add3A_700, %get3A_706 : vector<16xf32>
      %mul3A_708 = arith.constant 16 : i32
      %mul3A_709 = arith.muli %scan3A_27, %mul3A_708 : i32
      %add3A_710 = arith.constant 23808 : i32
      %add3A_711 = arith.addi %add3A_710, %mul3A_709 : i32
      %get3A_712 = arith.index_cast %add3A_711 : i32 to index
      %get3A_713 = tpu.vector_load %arg5[%get3A_712] {strides = array<i32>} : memref<32768xf32, #tpu.memory_space<vmem>>, vector<16xf32>,
      %add3A_714 = arith.addf %add3A_707, %get3A_713 : vector<16xf32>
      %mul3A_715 = arith.constant 16 : i32
      %mul3A_716 = arith.muli %scan3A_27, %mul3A_715 : i32
      %add3A_717 = arith.constant 24064 : i32
      %add3A_718 = arith.addi %add3A_717, %mul3A_716 : i32
      %get3A_719 = arith.index_cast %add3A_718 : i32 to index
      %get3A_720 = tpu.vector_load %arg5[%get3A_719] {strides = array<i32>} : memref<32768xf32, #tpu.memory_space<vmem>>, vector<16xf32>,
      %add3A_721 = arith.addf %add3A_714, %get3A_720 : vector<16xf32>
      %mul3A_722 = arith.constant 16 : i32
      %mul3A_723 = arith.muli %scan3A_27, %mul3A_722 : i32
      %add3A_724 = arith.constant 24320 : i32
      %add3A_725 = arith.addi %add3A_724, %mul3A_723 : i32
      %get3A_726 = arith.index_cast %add3A_725 : i32 to index
      %get3A_727 = tpu.vector_load %arg5[%get3A_726] {strides = array<i32>} : memref<32768xf32, #tpu.memory_space<vmem>>, vector<16xf32>,
      %add3A_728 = arith.addf %add3A_721, %get3A_727 : vector<16xf32>
      %mul3A_729 = arith.constant 16 : i32
      %mul3A_730 = arith.muli %scan3A_27, %mul3A_729 : i32
      %add3A_731 = arith.constant 1280 : i32
      %add3A_732 = arith.addi %add3A_731, %mul3A_730 : i32
      %swap3A_733 = arith.index_cast %add3A_732 : i32 to index
      %swap3A_734 = tpu.vector_load %arg6[%swap3A_733] {strides = array<i32>} : memref<2048xf32, #tpu.memory_space<vmem>>, vector<16xf32>,
      tpu.vector_store %arg6[%swap3A_733], %add3A_728 {strides = array<i32>} : memref<2048xf32, #tpu.memory_space<vmem>>, vector<16xf32>,
      %mul3A_735 = arith.constant 16 : i32
      %mul3A_736 = arith.muli %scan3A_27, %mul3A_735 : i32
      %add3A_737 = arith.constant 24576 : i32
      %add3A_738 = arith.addi %add3A_737, %mul3A_736 : i32
      %get3A_739 = arith.index_cast %add3A_738 : i32 to index
      %get3A_740 = tpu.vector_load %arg5[%get3A_739] {strides = array<i32>} : memref<32768xf32, #tpu.memory_space<vmem>>, vector<16xf32>,
      %add3A_741 = arith.addf %broadcast_in_dim3A_1, %get3A_740 : vector<16xf32>
      %mul3A_742 = arith.constant 16 : i32
      %mul3A_743 = arith.muli %scan3A_27, %mul3A_742 : i32
      %add3A_744 = arith.constant 24832 : i32
      %add3A_745 = arith.addi %add3A_744, %mul3A_743 : i32
      %get3A_746 = arith.index_cast %add3A_745 : i32 to index
      %get3A_747 = tpu.vector_load %arg5[%get3A_746] {strides = array<i32>} : memref<32768xf32, #tpu.memory_space<vmem>>, vector<16xf32>,
      %add3A_748 = arith.addf %add3A_741, %get3A_747 : vector<16xf32>
      %mul3A_749 = arith.constant 16 : i32
      %mul3A_750 = arith.muli %scan3A_27, %mul3A_749 : i32
      %add3A_751 = arith.constant 25088 : i32
      %add3A_752 = arith.addi %add3A_751, %mul3A_750 : i32
      %get3A_753 = arith.index_cast %add3A_752 : i32 to index
      %get3A_754 = tpu.vector_load %arg5[%get3A_753] {strides = array<i32>} : memref<32768xf32, #tpu.memory_space<vmem>>, vector<16xf32>,
      %add3A_755 = arith.addf %add3A_748, %get3A_754 : vector<16xf32>
      %mul3A_756 = arith.constant 16 : i32
      %mul3A_757 = arith.muli %scan3A_27, %mul3A_756 : i32
      %add3A_758 = arith.constant 25344 : i32
      %add3A_759 = arith.addi %add3A_758, %mul3A_757 : i32
      %get3A_760 = arith.index_cast %add3A_759 : i32 to index
      %get3A_761 = tpu.vector_load %arg5[%get3A_760] {strides = array<i32>} : memref<32768xf32, #tpu.memory_space<vmem>>, vector<16xf32>,
      %add3A_762 = arith.addf %add3A_755, %get3A_761 : vector<16xf32>
      %mul3A_763 = arith.constant 16 : i32
      %mul3A_764 = arith.muli %scan3A_27, %mul3A_763 : i32
      %add3A_765 = arith.constant 25600 : i32
      %add3A_766 = arith.addi %add3A_765, %mul3A_764 : i32
      %get3A_767 = arith.index_cast %add3A_766 : i32 to index
      %get3A_768 = tpu.vector_load %arg5[%get3A_767] {strides = array<i32>} : memref<32768xf32, #tpu.memory_space<vmem>>, vector<16xf32>,
      %add3A_769 = arith.addf %add3A_762, %get3A_768 : vector<16xf32>
      %mul3A_770 = arith.constant 16 : i32
      %mul3A_771 = arith.muli %scan3A_27, %mul3A_770 : i32
      %add3A_772 = arith.constant 25856 : i32
      %add3A_773 = arith.addi %add3A_772, %mul3A_771 : i32
      %get3A_774 = arith.index_cast %add3A_773 : i32 to index
      %get3A_775 = tpu.vector_load %arg5[%get3A_774] {strides = array<i32>} : memref<32768xf32, #tpu.memory_space<vmem>>, vector<16xf32>,
      %add3A_776 = arith.addf %add3A_769, %get3A_775 : vector<16xf32>
      %mul3A_777 = arith.constant 16 : i32
      %mul3A_778 = arith.muli %scan3A_27, %mul3A_777 : i32
      %add3A_779 = arith.constant 26112 : i32
      %add3A_780 = arith.addi %add3A_779, %mul3A_778 : i32
      %get3A_781 = arith.index_cast %add3A_780 : i32 to index
      %get3A_782 = tpu.vector_load %arg5[%get3A_781] {strides = array<i32>} : memref<32768xf32, #tpu.memory_space<vmem>>, vector<16xf32>,
      %add3A_783 = arith.addf %add3A_776, %get3A_782 : vector<16xf32>
      %mul3A_784 = arith.constant 16 : i32
      %mul3A_785 = arith.muli %scan3A_27, %mul3A_784 : i32
      %add3A_786 = arith.constant 26368 : i32
      %add3A_787 = arith.addi %add3A_786, %mul3A_785 : i32
      %get3A_788 = arith.index_cast %add3A_787 : i32 to index
      %get3A_789 = tpu.vector_load %arg5[%get3A_788] {strides = array<i32>} : memref<32768xf32, #tpu.memory_space<vmem>>, vector<16xf32>,
      %add3A_790 = arith.addf %add3A_783, %get3A_789 : vector<16xf32>
      %mul3A_791 = arith.constant 16 : i32
      %mul3A_792 = arith.muli %scan3A_27, %mul3A_791 : i32
      %add3A_793 = arith.constant 26624 : i32
      %add3A_794 = arith.addi %add3A_793, %mul3A_792 : i32
      %get3A_795 = arith.index_cast %add3A_794 : i32 to index
      %get3A_796 = tpu.vector_load %arg5[%get3A_795] {strides = array<i32>} : memref<32768xf32, #tpu.memory_space<vmem>>, vector<16xf32>,
      %add3A_797 = arith.addf %add3A_790, %get3A_796 : vector<16xf32>
      %mul3A_798 = arith.constant 16 : i32
      %mul3A_799 = arith.muli %scan3A_27, %mul3A_798 : i32
      %add3A_800 = arith.constant 26880 : i32
      %add3A_801 = arith.addi %add3A_800, %mul3A_799 : i32
      %get3A_802 = arith.index_cast %add3A_801 : i32 to index
      %get3A_803 = tpu.vector_load %arg5[%get3A_802] {strides = array<i32>} : memref<32768xf32, #tpu.memory_space<vmem>>, vector<16xf32>,
      %add3A_804 = arith.addf %add3A_797, %get3A_803 : vector<16xf32>
      %mul3A_805 = arith.constant 16 : i32
      %mul3A_806 = arith.muli %scan3A_27, %mul3A_805 : i32
      %add3A_807 = arith.constant 27136 : i32
      %add3A_808 = arith.addi %add3A_807, %mul3A_806 : i32
      %get3A_809 = arith.index_cast %add3A_808 : i32 to index
      %get3A_810 = tpu.vector_load %arg5[%get3A_809] {strides = array<i32>} : memref<32768xf32, #tpu.memory_space<vmem>>, vector<16xf32>,
      %add3A_811 = arith.addf %add3A_804, %get3A_810 : vector<16xf32>
      %mul3A_812 = arith.constant 16 : i32
      %mul3A_813 = arith.muli %scan3A_27, %mul3A_812 : i32
      %add3A_814 = arith.constant 27392 : i32
      %add3A_815 = arith.addi %add3A_814, %mul3A_813 : i32
      %get3A_816 = arith.index_cast %add3A_815 : i32 to index
      %get3A_817 = tpu.vector_load %arg5[%get3A_816] {strides = array<i32>} : memref<32768xf32, #tpu.memory_space<vmem>>, vector<16xf32>,
      %add3A_818 = arith.addf %add3A_811, %get3A_817 : vector<16xf32>
      %mul3A_819 = arith.constant 16 : i32
      %mul3A_820 = arith.muli %scan3A_27, %mul3A_819 : i32
      %add3A_821 = arith.constant 27648 : i32
      %add3A_822 = arith.addi %add3A_821, %mul3A_820 : i32
      %get3A_823 = arith.index_cast %add3A_822 : i32 to index
      %get3A_824 = tpu.vector_load %arg5[%get3A_823] {strides = array<i32>} : memref<32768xf32, #tpu.memory_space<vmem>>, vector<16xf32>,
      %add3A_825 = arith.addf %add3A_818, %get3A_824 : vector<16xf32>
      %mul3A_826 = arith.constant 16 : i32
      %mul3A_827 = arith.muli %scan3A_27, %mul3A_826 : i32
      %add3A_828 = arith.constant 27904 : i32
      %add3A_829 = arith.addi %add3A_828, %mul3A_827 : i32
      %get3A_830 = arith.index_cast %add3A_829 : i32 to index
      %get3A_831 = tpu.vector_load %arg5[%get3A_830] {strides = array<i32>} : memref<32768xf32, #tpu.memory_space<vmem>>, vector<16xf32>,
      %add3A_832 = arith.addf %add3A_825, %get3A_831 : vector<16xf32>
      %mul3A_833 = arith.constant 16 : i32
      %mul3A_834 = arith.muli %scan3A_27, %mul3A_833 : i32
      %add3A_835 = arith.constant 28160 : i32
      %add3A_836 = arith.addi %add3A_835, %mul3A_834 : i32
      %get3A_837 = arith.index_cast %add3A_836 : i32 to index
      %get3A_838 = tpu.vector_load %arg5[%get3A_837] {strides = array<i32>} : memref<32768xf32, #tpu.memory_space<vmem>>, vector<16xf32>,
      %add3A_839 = arith.addf %add3A_832, %get3A_838 : vector<16xf32>
      %mul3A_840 = arith.constant 16 : i32
      %mul3A_841 = arith.muli %scan3A_27, %mul3A_840 : i32
      %add3A_842 = arith.constant 28416 : i32
      %add3A_843 = arith.addi %add3A_842, %mul3A_841 : i32
      %get3A_844 = arith.index_cast %add3A_843 : i32 to index
      %get3A_845 = tpu.vector_load %arg5[%get3A_844] {strides = array<i32>} : memref<32768xf32, #tpu.memory_space<vmem>>, vector<16xf32>,
      %add3A_846 = arith.addf %add3A_839, %get3A_845 : vector<16xf32>
      %mul3A_847 = arith.constant 16 : i32
      %mul3A_848 = arith.muli %scan3A_27, %mul3A_847 : i32
      %add3A_849 = arith.constant 1536 : i32
      %add3A_850 = arith.addi %add3A_849, %mul3A_848 : i32
      %swap3A_851 = arith.index_cast %add3A_850 : i32 to index
      %swap3A_852 = tpu.vector_load %arg6[%swap3A_851] {strides = array<i32>} : memref<2048xf32, #tpu.memory_space<vmem>>, vector<16xf32>,
      tpu.vector_store %arg6[%swap3A_851], %add3A_846 {strides = array<i32>} : memref<2048xf32, #tpu.memory_space<vmem>>, vector<16xf32>,
      %mul3A_853 = arith.constant 16 : i32
      %mul3A_854 = arith.muli %scan3A_27, %mul3A_853 : i32
      %add3A_855 = arith.constant 28672 : i32
      %add3A_856 = arith.addi %add3A_855, %mul3A_854 : i32
      %get3A_857 = arith.index_cast %add3A_856 : i32 to index
      %get3A_858 = tpu.vector_load %arg5[%get3A_857] {strides = array<i32>} : memref<32768xf32, #tpu.memory_space<vmem>>, vector<16xf32>,
      %add3A_859 = arith.addf %broadcast_in_dim3A_1, %get3A_858 : vector<16xf32>
      %mul3A_860 = arith.constant 16 : i32
      %mul3A_861 = arith.muli %scan3A_27, %mul3A_860 : i32
      %add3A_862 = arith.constant 28928 : i32
      %add3A_863 = arith.addi %add3A_862, %mul3A_861 : i32
      %get3A_864 = arith.index_cast %add3A_863 : i32 to index
      %get3A_865 = tpu.vector_load %arg5[%get3A_864] {strides = array<i32>} : memref<32768xf32, #tpu.memory_space<vmem>>, vector<16xf32>,
      %add3A_866 = arith.addf %add3A_859, %get3A_865 : vector<16xf32>
      %mul3A_867 = arith.constant 16 : i32
      %mul3A_868 = arith.muli %scan3A_27, %mul3A_867 : i32
      %add3A_869 = arith.constant 29184 : i32
      %add3A_870 = arith.addi %add3A_869, %mul3A_868 : i32
      %get3A_871 = arith.index_cast %add3A_870 : i32 to index
      %get3A_872 = tpu.vector_load %arg5[%get3A_871] {strides = array<i32>} : memref<32768xf32, #tpu.memory_space<vmem>>, vector<16xf32>,
      %add3A_873 = arith.addf %add3A_866, %get3A_872 : vector<16xf32>
      %mul3A_874 = arith.constant 16 : i32
      %mul3A_875 = arith.muli %scan3A_27, %mul3A_874 : i32
      %add3A_876 = arith.constant 29440 : i32
      %add3A_877 = arith.addi %add3A_876, %mul3A_875 : i32
      %get3A_878 = arith.index_cast %add3A_877 : i32 to index
      %get3A_879 = tpu.vector_load %arg5[%get3A_878] {strides = array<i32>} : memref<32768xf32, #tpu.memory_space<vmem>>, vector<16xf32>,
      %add3A_880 = arith.addf %add3A_873, %get3A_879 : vector<16xf32>
      %mul3A_881 = arith.constant 16 : i32
      %mul3A_882 = arith.muli %scan3A_27, %mul3A_881 : i32
      %add3A_883 = arith.constant 29696 : i32
      %add3A_884 = arith.addi %add3A_883, %mul3A_882 : i32
      %get3A_885 = arith.index_cast %add3A_884 : i32 to index
      %get3A_886 = tpu.vector_load %arg5[%get3A_885] {strides = array<i32>} : memref<32768xf32, #tpu.memory_space<vmem>>, vector<16xf32>,
      %add3A_887 = arith.addf %add3A_880, %get3A_886 : vector<16xf32>
      %mul3A_888 = arith.constant 16 : i32
      %mul3A_889 = arith.muli %scan3A_27, %mul3A_888 : i32
      %add3A_890 = arith.constant 29952 : i32
      %add3A_891 = arith.addi %add3A_890, %mul3A_889 : i32
      %get3A_892 = arith.index_cast %add3A_891 : i32 to index
      %get3A_893 = tpu.vector_load %arg5[%get3A_892] {strides = array<i32>} : memref<32768xf32, #tpu.memory_space<vmem>>, vector<16xf32>,
      %add3A_894 = arith.addf %add3A_887, %get3A_893 : vector<16xf32>
      %mul3A_895 = arith.constant 16 : i32
      %mul3A_896 = arith.muli %scan3A_27, %mul3A_895 : i32
      %add3A_897 = arith.constant 30208 : i32
      %add3A_898 = arith.addi %add3A_897, %mul3A_896 : i32
      %get3A_899 = arith.index_cast %add3A_898 : i32 to index
      %get3A_900 = tpu.vector_load %arg5[%get3A_899] {strides = array<i32>} : memref<32768xf32, #tpu.memory_space<vmem>>, vector<16xf32>,
      %add3A_901 = arith.addf %add3A_894, %get3A_900 : vector<16xf32>
      %mul3A_902 = arith.constant 16 : i32
      %mul3A_903 = arith.muli %scan3A_27, %mul3A_902 : i32
      %add3A_904 = arith.constant 30464 : i32
      %add3A_905 = arith.addi %add3A_904, %mul3A_903 : i32
      %get3A_906 = arith.index_cast %add3A_905 : i32 to index
      %get3A_907 = tpu.vector_load %arg5[%get3A_906] {strides = array<i32>} : memref<32768xf32, #tpu.memory_space<vmem>>, vector<16xf32>,
      %add3A_908 = arith.addf %add3A_901, %get3A_907 : vector<16xf32>
      %mul3A_909 = arith.constant 16 : i32
      %mul3A_910 = arith.muli %scan3A_27, %mul3A_909 : i32
      %add3A_911 = arith.constant 30720 : i32
      %add3A_912 = arith.addi %add3A_911, %mul3A_910 : i32
      %get3A_913 = arith.index_cast %add3A_912 : i32 to index
      %get3A_914 = tpu.vector_load %arg5[%get3A_913] {strides = array<i32>} : memref<32768xf32, #tpu.memory_space<vmem>>, vector<16xf32>,
      %add3A_915 = arith.addf %add3A_908, %get3A_914 : vector<16xf32>
      %mul3A_916 = arith.constant 16 : i32
      %mul3A_917 = arith.muli %scan3A_27, %mul3A_916 : i32
      %add3A_918 = arith.constant 30976 : i32
      %add3A_919 = arith.addi %add3A_918, %mul3A_917 : i32
      %get3A_920 = arith.index_cast %add3A_919 : i32 to index
      %get3A_921 = tpu.vector_load %arg5[%get3A_920] {strides = array<i32>} : memref<32768xf32, #tpu.memory_space<vmem>>, vector<16xf32>,
      %add3A_922 = arith.addf %add3A_915, %get3A_921 : vector<16xf32>
      %mul3A_923 = arith.constant 16 : i32
      %mul3A_924 = arith.muli %scan3A_27, %mul3A_923 : i32
      %add3A_925 = arith.constant 31232 : i32
      %add3A_926 = arith.addi %add3A_925, %mul3A_924 : i32
      %get3A_927 = arith.index_cast %add3A_926 : i32 to index
      %get3A_928 = tpu.vector_load %arg5[%get3A_927] {strides = array<i32>} : memref<32768xf32, #tpu.memory_space<vmem>>, vector<16xf32>,
      %add3A_929 = arith.addf %add3A_922, %get3A_928 : vector<16xf32>
      %mul3A_930 = arith.constant 16 : i32
      %mul3A_931 = arith.muli %scan3A_27, %mul3A_930 : i32
      %add3A_932 = arith.constant 31488 : i32
      %add3A_933 = arith.addi %add3A_932, %mul3A_931 : i32
      %get3A_934 = arith.index_cast %add3A_933 : i32 to index
      %get3A_935 = tpu.vector_load %arg5[%get3A_934] {strides = array<i32>} : memref<32768xf32, #tpu.memory_space<vmem>>, vector<16xf32>,
      %add3A_936 = arith.addf %add3A_929, %get3A_935 : vector<16xf32>
      %mul3A_937 = arith.constant 16 : i32
      %mul3A_938 = arith.muli %scan3A_27, %mul3A_937 : i32
      %add3A_939 = arith.constant 31744 : i32
      %add3A_940 = arith.addi %add3A_939, %mul3A_938 : i32
      %get3A_941 = arith.index_cast %add3A_940 : i32 to index
      %get3A_942 = tpu.vector_load %arg5[%get3A_941] {strides = array<i32>} : memref<32768xf32, #tpu.memory_space<vmem>>, vector<16xf32>,
      %add3A_943 = arith.addf %add3A_936, %get3A_942 : vector<16xf32>
      %mul3A_944 = arith.constant 16 : i32
      %mul3A_945 = arith.muli %scan3A_27, %mul3A_944 : i32
      %add3A_946 = arith.constant 32000 : i32
      %add3A_947 = arith.addi %add3A_946, %mul3A_945 : i32
      %get3A_948 = arith.index_cast %add3A_947 : i32 to index
      %get3A_949 = tpu.vector_load %arg5[%get3A_948] {strides = array<i32>} : memref<32768xf32, #tpu.memory_space<vmem>>, vector<16xf32>,
      %add3A_950 = arith.addf %add3A_943, %get3A_949 : vector<16xf32>
      %mul3A_951 = arith.constant 16 : i32
      %mul3A_952 = arith.muli %scan3A_27, %mul3A_951 : i32
      %add3A_953 = arith.constant 32256 : i32
      %add3A_954 = arith.addi %add3A_953, %mul3A_952 : i32
      %get3A_955 = arith.index_cast %add3A_954 : i32 to index
      %get3A_956 = tpu.vector_load %arg5[%get3A_955] {strides = array<i32>} : memref<32768xf32, #tpu.memory_space<vmem>>, vector<16xf32>,
      %add3A_957 = arith.addf %add3A_950, %get3A_956 : vector<16xf32>
      %mul3A_958 = arith.constant 16 : i32
      %mul3A_959 = arith.muli %scan3A_27, %mul3A_958 : i32
      %add3A_960 = arith.constant 32512 : i32
      %add3A_961 = arith.addi %add3A_960, %mul3A_959 : i32
      %get3A_962 = arith.index_cast %add3A_961 : i32 to index
      %get3A_963 = tpu.vector_load %arg5[%get3A_962] {strides = array<i32>} : memref<32768xf32, #tpu.memory_space<vmem>>, vector<16xf32>,
      %add3A_964 = arith.addf %add3A_957, %get3A_963 : vector<16xf32>
      %mul3A_965 = arith.constant 16 : i32
      %mul3A_966 = arith.muli %scan3A_27, %mul3A_965 : i32
      %add3A_967 = arith.constant 1792 : i32
      %add3A_968 = arith.addi %add3A_967, %mul3A_966 : i32
      %swap3A_969 = arith.index_cast %add3A_968 : i32 to index
      %swap3A_970 = tpu.vector_load %arg6[%swap3A_969] {strides = array<i32>} : memref<2048xf32, #tpu.memory_space<vmem>>, vector<16xf32>,
      tpu.vector_store %arg6[%swap3A_969], %add3A_964 {strides = array<i32>} : memref<2048xf32, #tpu.memory_space<vmem>>, vector<16xf32>,
      %scan3A_971 = arith.constant 0 : i32
      scf.yield %scan3A_971 : i32
    }
    %scan3A_26 = arith.constant 16 : i32
    "tpu.region"() ({
      %run_scoped3A = tpu.sem_alloc : memref<!tpu.dma_semaphore, #tpu.memory_space<semaphore_mem>>
      %dma_start3A = arith.constant 0 : i32
      %dma_start3A_27 = tpu.memref_slice %arg3[%add3A, %dma_start3A] : memref<32x2048xf32, #tpu.memory_space<hbm>> -> memref<1x2048xf32, #tpu.memory_space<hbm>>
      %dma_start3A_28 = tpu.memref_squeeze %dma_start3A_27 : memref<1x2048xf32, #tpu.memory_space<hbm>> -> memref<2048xf32, #tpu.memory_space<hbm>>
      %dma_start3A_29 = arith.constant 0 : i32
      %dma_start3A_30 = tpu.memref_slice %arg3[%add3A, %dma_start3A_29] : memref<32x2048xf32, #tpu.memory_space<hbm>> -> memref<1x2048xf32, #tpu.memory_space<hbm>>
      %dma_start3A_31 = tpu.memref_squeeze %dma_start3A_30 : memref<1x2048xf32, #tpu.memory_space<hbm>> -> memref<2048xf32, #tpu.memory_space<hbm>>
      tpu.enqueue_dma source(%arg6 : memref<2048xf32, #tpu.memory_space<vmem>>) target(%dma_start3A_31 : memref<2048xf32, #tpu.memory_space<hbm>>) target_semaphore(%run_scoped3A : memref<!tpu.dma_semaphore, #tpu.memory_space<semaphore_mem>>)
      %dma_wait3A = arith.constant 0 : i32
      %dma_wait3A_32 = tpu.memref_slice %arg3[%add3A, %dma_wait3A] : memref<32x2048xf32, #tpu.memory_space<hbm>> -> memref<1x2048xf32, #tpu.memory_space<hbm>>
      %dma_wait3A_33 = tpu.memref_squeeze %dma_wait3A_32 : memref<1x2048xf32, #tpu.memory_space<hbm>> -> memref<2048xf32, #tpu.memory_space<hbm>>
      %dma_wait3A_34 = arith.constant 0 : i32
      %dma_wait3A_35 = tpu.memref_slice %arg3[%add3A, %dma_wait3A_34] : memref<32x2048xf32, #tpu.memory_space<hbm>> -> memref<1x2048xf32, #tpu.memory_space<hbm>>
      %dma_wait3A_36 = tpu.memref_squeeze %dma_wait3A_35 : memref<1x2048xf32, #tpu.memory_space<hbm>> -> memref<2048xf32, #tpu.memory_space<hbm>>
      tpu.wait_dma2 semaphore(%run_scoped3A : memref<!tpu.dma_semaphore, #tpu.memory_space<semaphore_mem>>) src(%arg6 : memref<2048xf32, #tpu.memory_space<vmem>>) dst(%dma_wait3A_36 : memref<2048xf32, #tpu.memory_space<hbm>>)
      tpu.yield
    }) : () -> ()
    return
  }
}

module attributes {stable_mosaic.version = 14 : i64} {
  func.func @_apply_body(%arg0: i32, %arg1: memref<4x3x224x256xf32, #tpu.memory_space<vmem>>, %arg2: memref<256x896xf32, #tpu.memory_space<vmem>>, %arg3: memref<4x3x224x256xf32, #tpu.memory_space<vmem>>) attributes {dimension_semantics = [#tpu.dimension_semantics<arbitrary>], iteration_bounds = array<i64: 56>, scalar_prefetch = 0 : i64, scratch_operands = 0 : i64, tpu.core_type = #tpu.core_type<tc>, window_params = [{transform_indices = @transform_0, window_bounds = array<i64: 4, 3, 224, 256>}, {transform_indices = @transform_1, window_bounds = array<i64: 256, 896>}, {transform_indices = @transform_2, window_bounds = array<i64: 4, 3, 224, 256>}]} {
    %get3A = arith.constant 0 : index
    %get3A_0 = arith.constant 0 : index
    %get3A_1 = vector.load %arg2[%get3A, %get3A_0] : memref<256x896xf32, #tpu.memory_space<vmem>>, vector<256x896xf32>
    %transpose3A = tpu.transpose %get3A_1, [1, 0] : vector<256x896xf32> -> vector<896x256xf32>
    %reshape3A = vector.shape_cast %transpose3A : vector<896x256xf32> to vector<4x224x256xf32>
    %get3A_2 = arith.constant 0 : index
    %get3A_3 = arith.constant 0 : index
    %get3A_4 = arith.constant 0 : index
    %get3A_5 = arith.constant 0 : index
    %get3A_6 = vector.load %arg1[%get3A_2, %get3A_3, %get3A_4, %get3A_5] : memref<4x3x224x256xf32, #tpu.memory_space<vmem>>, vector<4x3x224x256xf32>
    %broadcast_in_dim3A = vector.shape_cast %reshape3A : vector<4x224x256xf32> to vector<4x1x224x256xf32>
    %mul3A = vector.broadcast %broadcast_in_dim3A : vector<4x1x224x256xf32> to vector<4x3x224x256xf32>
    %mul3A_7 = arith.mulf %get3A_6, %mul3A : vector<4x3x224x256xf32>
    %swap3A = arith.constant 0 : index
    %swap3A_8 = arith.constant 0 : index
    %swap3A_9 = arith.constant 0 : index
    %swap3A_10 = arith.constant 0 : index
    %swap3A_11 = vector.load %arg3[%swap3A, %swap3A_8, %swap3A_9, %swap3A_10] : memref<4x3x224x256xf32, #tpu.memory_space<vmem>>, vector<4x3x224x256xf32>
    tpu.vector_store %arg3[%swap3A, %swap3A_8, %swap3A_9, %swap3A_10], %mul3A_7 {strides = array<i32>} : memref<4x3x224x256xf32, #tpu.memory_space<vmem>>, vector<4x3x224x256xf32>,
    return
  }
  func.func @transform_0(%arg0: i32) -> (i32, i32, i32, i32) {
    %c0_i32 = arith.constant 0 : i32
    %c0_i32_0 = arith.constant 0 : i32
    %c0_i32_1 = arith.constant 0 : i32
    %c0_i32_2 = arith.constant 0 : i32
    return %arg0, %c0_i32, %c0_i32_0, %c0_i32_1 : i32, i32, i32, i32
  }
  func.func @transform_1(%arg0: i32) -> (i32, i32) {
    %c0_i32 = arith.constant 0 : i32
    %c0_i32_0 = arith.constant 0 : i32
    return %c0_i32, %arg0 : i32, i32
  }
  func.func @transform_2(%arg0: i32) -> (i32, i32, i32, i32) {
    %c0_i32 = arith.constant 0 : i32
    %c0_i32_0 = arith.constant 0 : i32
    %c0_i32_1 = arith.constant 0 : i32
    %c0_i32_2 = arith.constant 0 : i32
    return %arg0, %c0_i32, %c0_i32_0, %c0_i32_1 : i32, i32, i32, i32
  }
}

module attributes {stable_mosaic.version = 14 : i64} {
  func.func @_search_body(%arg0: i32, %arg1: memref<8x150528xf32, #tpu.memory_space<vmem>>, %arg2: memref<1x8x256xf32, #tpu.memory_space<vmem>>, %arg3: memref<8x50176xf32, #tpu.memory_space<vmem>>) attributes {dimension_semantics = [#tpu.dimension_semantics<arbitrary>], iteration_bounds = array<i64: 32>, scalar_prefetch = 0 : i64, scratch_operands = 0 : i64, tpu.core_type = #tpu.core_type<tc>, window_params = [{transform_indices = @transform_0, window_bounds = array<i64: 8, 150528>}, {transform_indices = @transform_1, window_bounds = array<i64: 1, 8, 256>}, {transform_indices = @transform_2, window_bounds = array<i64: 8, 50176>}]} {
    %get3A = arith.constant 0 : index
    %get3A_0 = arith.constant 0 : index
    %get3A_1 = vector.load %arg1[%get3A, %get3A_0] : memref<8x150528xf32, #tpu.memory_space<vmem>>, vector<8x150528xf32>
    %bitcast_convert_type3A = tpu.bitcast %get3A_1 : vector<8x150528xf32> -> vector<8x150528xi32>
    %get3A_2 = arith.constant 0 : index
    %get3A_3 = arith.constant 0 : index
    %get3A_4 = arith.constant 0 : index
    %get3A_5 = vector.load %arg2[%get3A_2, %get3A_3, %get3A_4] : memref<1x8x256xf32, #tpu.memory_space<vmem>>, vector<1x8x256xf32>
    %get3A_6 = vector.shape_cast %get3A_5 : vector<1x8x256xf32> to vector<8x256xf32>
    %iota3A = tpu.iota {dimensions = array<i32: 0>} : vector<256x256xi32>
    %iota3A_7 = tpu.iota {dimensions = array<i32: 1>} : vector<256x256xi32>
    %ge3A = arith.cmpi sge, %iota3A, %iota3A_7 : vector<256x256xi32>
    %convert_element_type3A = arith.extui %ge3A : vector<256x256xi1> to vector<256x256xi32>
    %convert_element_type3A_8 = arith.sitofp %convert_element_type3A : vector<256x256xi32> to vector<256x256xf32>
    %dot_general3A = arith.constant dense<0.000000e+00> : vector<8x256xf32>
    %dot_general3A_9 = tpu.matmul %get3A_6, %convert_element_type3A_8, %dot_general3A {dimension_numbers = #tpu.dot_dimension_numbers<[1], [0], [0], [1], [0, 0, 1, 1], [], []>, transpose_lhs_hint = false} : vector<8x256xf32>, vector<256x256xf32>, vector<8x256xf32> -> vector<8x256xf32>
    %ge3A_10 = arith.constant 1.254400e+04 : f32
    %ge3A_11 = vector.broadcast %ge3A_10 : f32 to vector<8x256xf32>
    %ge3A_12 = arith.cmpf oge, %dot_general3A_9, %ge3A_11 : vector<8x256xf32>
    %iota3A_13 = tpu.iota {dimensions = array<i32: 1>} : vector<8x256xi32>
    %jit3A = arith.constant 0 : i32
    %broadcast_in_dim3A = vector.broadcast %jit3A : i32 to vector<8x256xi32>
    %select_n3A = arith.select %ge3A_12, %iota3A_13, %broadcast_in_dim3A : vector<8x256xi1>, vector<8x256xi32>
    %reduce_max3A = arith.constant dense<-2147483648> : vector<8xi32>
    %reduce_max3A_14 = vector.multi_reduction <maxsi>, %select_n3A, %reduce_max3A [1] : vector<8x256xi32> to vector<8xi32>
    %broadcast_in_dim3A_15 = vector.shape_cast %reduce_max3A_14 : vector<8xi32> to vector<8x1xi32>
    %jit3A_16 = arith.constant 3.000000e+38 : f32
    %broadcast_in_dim3A_17 = vector.broadcast %jit3A_16 : f32 to vector<8x256xf32>
    %select_n3A_18 = arith.select %ge3A_12, %dot_general3A_9, %broadcast_in_dim3A_17 : vector<8x256xi1>, vector<8x256xf32>
    %reduce_min3A = arith.constant dense<0x7F800000> : vector<8xf32>
    %reduce_min3A_19 = vector.multi_reduction <minimumf>, %select_n3A_18, %reduce_min3A [1] : vector<8x256xf32> to vector<8xf32>
    %broadcast_in_dim3A_20 = vector.shape_cast %reduce_min3A_19 : vector<8xf32> to vector<8x1xf32>
    %shift_left3A = arith.constant 23 : i32
    %shift_left3A_21 = vector.broadcast %shift_left3A : i32 to vector<8x1xi32>
    %shift_left3A_22 = arith.shli %broadcast_in_dim3A_15, %shift_left3A_21 : vector<8x1xi32>
    %add3A = arith.constant 1 : i32
    %add3A_23 = vector.broadcast %add3A : i32 to vector<8x1xi32>
    %add3A_24 = arith.addi %broadcast_in_dim3A_15, %add3A_23 : vector<8x1xi32>
    %shift_left3A_25 = arith.constant 23 : i32
    %shift_left3A_26 = vector.broadcast %shift_left3A_25 : i32 to vector<8x1xi32>
    %shift_left3A_27 = arith.shli %add3A_24, %shift_left3A_26 : vector<8x1xi32>
    %min3A = arith.constant 1065353216 : i32
    %min3A_28 = vector.broadcast %min3A : i32 to vector<8x1xi32>
    %min3A_29 = arith.minsi %shift_left3A_27, %min3A_28 : vector<8x1xi32>
    %while3A = arith.constant 1.254400e+04 : f32
    %while3A_30 = arith.constant 1.254400e+04 : f32
    %while3A_31 = arith.constant 0 : i32
    %while3A_32:4 = scf.while (%while3A_73 = %while3A_31, %while3A_74 = %shift_left3A_22, %while3A_75 = %min3A_29, %while3A_76 = %broadcast_in_dim3A_20) : (i32, vector<8x1xi32>, vector<8x1xi32>, vector<8x1xf32>) -> (i32, vector<8x1xi32>, vector<8x1xi32>, vector<8x1xf32>) {
      %lt3A = arith.constant 31 : i32
      %lt3A_77 = arith.cmpi slt, %while3A_73, %lt3A : i32
      %ne3A = vector.broadcast %while3A : f32 to vector<8x1xf32>
      %ne3A_78 = arith.cmpf one, %while3A_76, %ne3A : vector<8x1xf32>
      %sub3A_79 = arith.subi %while3A_75, %while3A_74 : vector<8x1xi32>
      %gt3A_80 = arith.constant 1 : i32
      %gt3A_81 = vector.broadcast %gt3A_80 : i32 to vector<8x1xi32>
      %gt3A_82 = arith.cmpi sgt, %sub3A_79, %gt3A_81 : vector<8x1xi32>
      %and3A_83 = arith.andi %ne3A_78, %gt3A_82 : vector<8x1xi1>
      %reduce_or3A_84 = arith.constant 1.000000e+00 : f32
      %reduce_or3A_85 = arith.constant 0.000000e+00 : f32
      %reduce_or3A_86 = vector.broadcast %reduce_or3A_84 : f32 to vector<8x1xf32>
      %reduce_or3A_87 = vector.broadcast %reduce_or3A_85 : f32 to vector<8x1xf32>
      %reduce_or3A_88 = arith.select %and3A_83, %reduce_or3A_86, %reduce_or3A_87 : vector<8x1xi1>, vector<8x1xf32>
      %reduce_or3A_89 = vector.shape_cast %reduce_or3A_88 : vector<8x1xf32> to vector<1x8x1xf32>
      %reduce_or3A_90 = arith.constant dense<0xFF800000> : vector<1xf32>
      %reduce_or3A_91 = vector.multi_reduction <maximumf>, %reduce_or3A_89, %reduce_or3A_90 [1, 2] : vector<1x8x1xf32> to vector<1xf32>
      %reduce_or3A_92 = vector.shape_cast %reduce_or3A_91 : vector<1xf32> to vector<1x1x1xf32>
      %reduce_or3A_93 = vector.extract %reduce_or3A_92[0, 0, 0] : f32 from vector<1x1x1xf32>
      %reduce_or3A_94 = arith.constant 0.000000e+00 : f32
      %reduce_or3A_95 = arith.cmpf ogt, %reduce_or3A_93, %reduce_or3A_94 : f32
      %and3A_96 = arith.andi %lt3A_77, %reduce_or3A_95 : i1
      scf.condition(%and3A_96) %while3A_73, %while3A_74, %while3A_75, %while3A_76 : i32, vector<8x1xi32>, vector<8x1xi32>, vector<8x1xf32>
    } do {
    ^bb0(%while3A_73: i32, %while3A_74: vector<8x1xi32>, %while3A_75: vector<8x1xi32>, %while3A_76: vector<8x1xf32>):
      %sub3A_77 = arith.subi %while3A_75, %while3A_74 : vector<8x1xi32>
      %jit3A_78 = arith.constant 2 : i32
      %div3A = vector.broadcast %jit3A_78 : i32 to vector<8x1xi32>
      %div3A_79 = arith.divsi %sub3A_77, %div3A : vector<8x1xi32>
      %sign3A = arith.constant 0 : i32
      %sign3A_80 = vector.broadcast %sign3A : i32 to vector<8x1xi32>
      %sign3A_81 = arith.cmpi sgt, %sub3A_77, %sign3A_80 : vector<8x1xi32>
      %sign3A_82 = arith.extui %sign3A_81 : vector<8x1xi1> to vector<8x1xi32>
      %sign3A_83 = arith.constant 0 : i32
      %sign3A_84 = vector.broadcast %sign3A_83 : i32 to vector<8x1xi32>
      %sign3A_85 = arith.cmpi slt, %sub3A_77, %sign3A_84 : vector<8x1xi32>
      %sign3A_86 = arith.extui %sign3A_85 : vector<8x1xi1> to vector<8x1xi32>
      %sign3A_87 = arith.subi %sign3A_82, %sign3A_86 : vector<8x1xi32>
      %sign3A_88 = arith.constant 0 : i32
      %sign3A_89 = arith.cmpi sgt, %jit3A_78, %sign3A_88 : i32
      %sign3A_90 = arith.extui %sign3A_89 : i1 to i32
      %sign3A_91 = arith.constant 0 : i32
      %sign3A_92 = arith.cmpi slt, %jit3A_78, %sign3A_91 : i32
      %sign3A_93 = arith.extui %sign3A_92 : i1 to i32
      %sign3A_94 = arith.subi %sign3A_90, %sign3A_93 : i32
      %ne3A = vector.broadcast %sign3A_94 : i32 to vector<8x1xi32>
      %ne3A_95 = arith.cmpi ne, %sign3A_87, %ne3A : vector<8x1xi32>
      %rem3A = vector.broadcast %jit3A_78 : i32 to vector<8x1xi32>
      %rem3A_96 = arith.remsi %sub3A_77, %rem3A : vector<8x1xi32>
      %ne3A_97 = arith.constant 0 : i32
      %ne3A_98 = vector.broadcast %ne3A_97 : i32 to vector<8x1xi32>
      %ne3A_99 = arith.cmpi ne, %rem3A_96, %ne3A_98 : vector<8x1xi32>
      %and3A_100 = arith.andi %ne3A_95, %ne3A_99 : vector<8x1xi1>
      %sub3A_101 = arith.constant 1 : i32
      %sub3A_102 = vector.broadcast %sub3A_101 : i32 to vector<8x1xi32>
      %sub3A_103 = arith.subi %div3A_79, %sub3A_102 : vector<8x1xi32>
      %select_n3A_104 = arith.select %and3A_100, %sub3A_103, %div3A_79 : vector<8x1xi1>, vector<8x1xi32>
      %add3A_105 = arith.addi %while3A_74, %select_n3A_104 : vector<8x1xi32>
      %ge3A_106 = vector.broadcast %add3A_105 : vector<8x1xi32> to vector<8x150528xi32>
      %ge3A_107 = arith.cmpi sge, %bitcast_convert_type3A, %ge3A_106 : vector<8x150528xi32>
      %convert_element_type3A_108 = arith.extui %ge3A_107 : vector<8x150528xi1> to vector<8x150528xi32>
      %convert_element_type3A_109 = arith.sitofp %convert_element_type3A_108 : vector<8x150528xi32> to vector<8x150528xf32>
      %slice3A_110 = vector.extract_strided_slice %convert_element_type3A_109 {offsets = [0, 0], sizes = [8, 18816], strides = [1, 1]} : vector<8x150528xf32> to vector<8x18816xf32>
      %reduce_sum3A = arith.constant dense<0.000000e+00> : vector<8xf32>
      %reduce_sum3A_111 = vector.multi_reduction <add>, %slice3A_110, %reduce_sum3A [1] : vector<8x18816xf32> to vector<8xf32>
      %broadcast_in_dim3A_112 = vector.shape_cast %reduce_sum3A_111 : vector<8xf32> to vector<8x1xf32>
      %slice3A_113 = vector.extract_strided_slice %convert_element_type3A_109 {offsets = [0, 18816], sizes = [8, 18816], strides = [1, 1]} : vector<8x150528xf32> to vector<8x18816xf32>
      %reduce_sum3A_114 = arith.constant dense<0.000000e+00> : vector<8xf32>
      %reduce_sum3A_115 = vector.multi_reduction <add>, %slice3A_113, %reduce_sum3A_114 [1] : vector<8x18816xf32> to vector<8xf32>
      %broadcast_in_dim3A_116 = vector.shape_cast %reduce_sum3A_115 : vector<8xf32> to vector<8x1xf32>
      %slice3A_117 = vector.extract_strided_slice %convert_element_type3A_109 {offsets = [0, 37632], sizes = [8, 18816], strides = [1, 1]} : vector<8x150528xf32> to vector<8x18816xf32>
      %reduce_sum3A_118 = arith.constant dense<0.000000e+00> : vector<8xf32>
      %reduce_sum3A_119 = vector.multi_reduction <add>, %slice3A_117, %reduce_sum3A_118 [1] : vector<8x18816xf32> to vector<8xf32>
      %broadcast_in_dim3A_120 = vector.shape_cast %reduce_sum3A_119 : vector<8xf32> to vector<8x1xf32>
      %slice3A_121 = vector.extract_strided_slice %convert_element_type3A_109 {offsets = [0, 56448], sizes = [8, 18816], strides = [1, 1]} : vector<8x150528xf32> to vector<8x18816xf32>
      %reduce_sum3A_122 = arith.constant dense<0.000000e+00> : vector<8xf32>
      %reduce_sum3A_123 = vector.multi_reduction <add>, %slice3A_121, %reduce_sum3A_122 [1] : vector<8x18816xf32> to vector<8xf32>
      %broadcast_in_dim3A_124 = vector.shape_cast %reduce_sum3A_123 : vector<8xf32> to vector<8x1xf32>
      %slice3A_125 = vector.extract_strided_slice %convert_element_type3A_109 {offsets = [0, 75264], sizes = [8, 18816], strides = [1, 1]} : vector<8x150528xf32> to vector<8x18816xf32>
      %reduce_sum3A_126 = arith.constant dense<0.000000e+00> : vector<8xf32>
      %reduce_sum3A_127 = vector.multi_reduction <add>, %slice3A_125, %reduce_sum3A_126 [1] : vector<8x18816xf32> to vector<8xf32>
      %broadcast_in_dim3A_128 = vector.shape_cast %reduce_sum3A_127 : vector<8xf32> to vector<8x1xf32>
      %slice3A_129 = vector.extract_strided_slice %convert_element_type3A_109 {offsets = [0, 94080], sizes = [8, 18816], strides = [1, 1]} : vector<8x150528xf32> to vector<8x18816xf32>
      %reduce_sum3A_130 = arith.constant dense<0.000000e+00> : vector<8xf32>
      %reduce_sum3A_131 = vector.multi_reduction <add>, %slice3A_129, %reduce_sum3A_130 [1] : vector<8x18816xf32> to vector<8xf32>
      %broadcast_in_dim3A_132 = vector.shape_cast %reduce_sum3A_131 : vector<8xf32> to vector<8x1xf32>
      %slice3A_133 = vector.extract_strided_slice %convert_element_type3A_109 {offsets = [0, 112896], sizes = [8, 18816], strides = [1, 1]} : vector<8x150528xf32> to vector<8x18816xf32>
      %reduce_sum3A_134 = arith.constant dense<0.000000e+00> : vector<8xf32>
      %reduce_sum3A_135 = vector.multi_reduction <add>, %slice3A_133, %reduce_sum3A_134 [1] : vector<8x18816xf32> to vector<8xf32>
      %broadcast_in_dim3A_136 = vector.shape_cast %reduce_sum3A_135 : vector<8xf32> to vector<8x1xf32>
      %slice3A_137 = vector.extract_strided_slice %convert_element_type3A_109 {offsets = [0, 131712], sizes = [8, 18816], strides = [1, 1]} : vector<8x150528xf32> to vector<8x18816xf32>
      %reduce_sum3A_138 = arith.constant dense<0.000000e+00> : vector<8xf32>
      %reduce_sum3A_139 = vector.multi_reduction <add>, %slice3A_137, %reduce_sum3A_138 [1] : vector<8x18816xf32> to vector<8xf32>
      %broadcast_in_dim3A_140 = vector.shape_cast %reduce_sum3A_139 : vector<8xf32> to vector<8x1xf32>
      %add3A_141 = arith.constant 0.000000e+00 : f32
      %add3A_142 = vector.broadcast %add3A_141 : f32 to vector<8x1xf32>
      %add3A_143 = arith.addf %add3A_142, %broadcast_in_dim3A_112 : vector<8x1xf32>
      %add3A_144 = arith.addf %add3A_143, %broadcast_in_dim3A_116 : vector<8x1xf32>
      %add3A_145 = arith.addf %add3A_144, %broadcast_in_dim3A_120 : vector<8x1xf32>
      %add3A_146 = arith.addf %add3A_145, %broadcast_in_dim3A_124 : vector<8x1xf32>
      %add3A_147 = arith.addf %add3A_146, %broadcast_in_dim3A_128 : vector<8x1xf32>
      %add3A_148 = arith.addf %add3A_147, %broadcast_in_dim3A_132 : vector<8x1xf32>
      %add3A_149 = arith.addf %add3A_148, %broadcast_in_dim3A_136 : vector<8x1xf32>
      %add3A_150 = arith.addf %add3A_149, %broadcast_in_dim3A_140 : vector<8x1xf32>
      %ge3A_151 = vector.broadcast %while3A_30 : f32 to vector<8x1xf32>
      %ge3A_152 = arith.cmpf oge, %add3A_150, %ge3A_151 : vector<8x1xf32>
      %add3A_153 = arith.constant 1 : i32
      %add3A_154 = arith.addi %while3A_73, %add3A_153 : i32
      %select_n3A_155 = arith.select %ge3A_152, %add3A_105, %while3A_74 : vector<8x1xi1>, vector<8x1xi32>
      %select_n3A_156 = arith.select %ge3A_152, %while3A_75, %add3A_105 : vector<8x1xi1>, vector<8x1xi32>
      %select_n3A_157 = arith.select %ge3A_152, %add3A_150, %while3A_76 : vector<8x1xi1>, vector<8x1xf32>
      scf.yield %add3A_154, %select_n3A_155, %select_n3A_156, %select_n3A_157 : i32, vector<8x1xi32>, vector<8x1xi32>, vector<8x1xf32>
    }
    %eq3A = arith.constant 1.254400e+04 : f32
    %eq3A_33 = vector.broadcast %eq3A : f32 to vector<8x1xf32>
    %eq3A_34 = arith.cmpf oeq, %while3A_32#3, %eq3A_33 : vector<8x1xf32>
    %sub3A = arith.constant 1 : i32
    %sub3A_35 = vector.broadcast %sub3A : i32 to vector<8x1xi32>
    %sub3A_36 = arith.subi %while3A_32#1, %sub3A_35 : vector<8x1xi32>
    %select_n3A_37 = arith.select %eq3A_34, %sub3A_36, %while3A_32#1 : vector<8x1xi1>, vector<8x1xi32>
    %iota3A_38 = tpu.iota {dimensions = array<i32: 1>} : vector<8x150528xi32>
    %not3A = arith.constant dense<true> : vector<8x1xi1>
    %not3A_39 = arith.xori %eq3A_34, %not3A : vector<8x1xi1>
    %reduce_or3A = arith.constant 1.000000e+00 : f32
    %reduce_or3A_40 = arith.constant 0.000000e+00 : f32
    %reduce_or3A_41 = vector.broadcast %reduce_or3A : f32 to vector<8x1xf32>
    %reduce_or3A_42 = vector.broadcast %reduce_or3A_40 : f32 to vector<8x1xf32>
    %reduce_or3A_43 = arith.select %not3A_39, %reduce_or3A_41, %reduce_or3A_42 : vector<8x1xi1>, vector<8x1xf32>
    %reduce_or3A_44 = vector.shape_cast %reduce_or3A_43 : vector<8x1xf32> to vector<1x8x1xf32>
    %reduce_or3A_45 = arith.constant dense<0xFF800000> : vector<1xf32>
    %reduce_or3A_46 = vector.multi_reduction <maximumf>, %reduce_or3A_44, %reduce_or3A_45 [1, 2] : vector<1x8x1xf32> to vector<1xf32>
    %reduce_or3A_47 = vector.shape_cast %reduce_or3A_46 : vector<1xf32> to vector<1x1x1xf32>
    %reduce_or3A_48 = vector.extract %reduce_or3A_47[0, 0, 0] : f32 from vector<1x1x1xf32>
    %reduce_or3A_49 = arith.constant 0.000000e+00 : f32
    %reduce_or3A_50 = arith.cmpf ogt, %reduce_or3A_48, %reduce_or3A_49 : f32
    %convert_element_type3A_51 = arith.extui %reduce_or3A_50 : i1 to i32
    %cond3A = arith.constant 1.254400e+04 : f32
    %cond3A_52 = arith.constant 0 : i32
    %cond3A_53 = arith.cmpi ne, %convert_element_type3A_51, %cond3A_52 : i32
    %cond3A_54 = scf.if %cond3A_53 -> (vector<8x1xi32>) {
      %gt3A_73 = vector.broadcast %select_n3A_37 : vector<8x1xi32> to vector<8x150528xi32>
      %gt3A_74 = arith.cmpi sgt, %bitcast_convert_type3A, %gt3A_73 : vector<8x150528xi32>
      %convert_element_type3A_75 = arith.extui %gt3A_74 : vector<8x150528xi1> to vector<8x150528xi32>
      %convert_element_type3A_76 = arith.sitofp %convert_element_type3A_75 : vector<8x150528xi32> to vector<8x150528xf32>
      %reduce_sum3A = arith.constant dense<0.000000e+00> : vector<8xf32>
      %reduce_sum3A_77 = vector.multi_reduction <add>, %convert_element_type3A_76, %reduce_sum3A [1] : vector<8x150528xf32> to vector<8xf32>
      %broadcast_in_dim3A_78 = vector.shape_cast %reduce_sum3A_77 : vector<8xf32> to vector<8x1xf32>
      %sub3A_79 = vector.broadcast %cond3A : f32 to vector<8x1xf32>
      %sub3A_80 = arith.subf %sub3A_79, %broadcast_in_dim3A_78 : vector<8x1xf32>
      %eq3A_81 = vector.broadcast %select_n3A_37 : vector<8x1xi32> to vector<8x150528xi32>
      %eq3A_82 = arith.cmpi eq, %bitcast_convert_type3A, %eq3A_81 : vector<8x150528xi32>
      %jit3A_83 = arith.constant 1073741824 : i32
      %broadcast_in_dim3A_84 = vector.broadcast %jit3A_83 : i32 to vector<8x150528xi32>
      %select_n3A_85 = arith.select %eq3A_82, %iota3A_38, %broadcast_in_dim3A_84 : vector<8x150528xi1>, vector<8x150528xi32>
      %broadcast_in_dim3A_86 = arith.constant 0 : i32
      %broadcast_in_dim3A_87 = vector.broadcast %broadcast_in_dim3A_86 : i32 to vector<8x1xi32>
      %broadcast_in_dim3A_88 = arith.constant 150527 : i32
      %broadcast_in_dim3A_89 = vector.broadcast %broadcast_in_dim3A_88 : i32 to vector<8x1xi32>
      %scan3A = arith.constant 0 : i32
      %scan3A_90 = arith.constant 18 : i32
      %scan3A_91 = arith.addi %scan3A, %scan3A_90 : i32
      %scan3A_92 = arith.constant 1 : i32
      %scan3A_93:2 = scf.for %scan3A_94 = %scan3A to %scan3A_91 step %scan3A_92 iter_args(%scan3A_95 = %broadcast_in_dim3A_87, %scan3A_96 = %broadcast_in_dim3A_89) -> (vector<8x1xi32>, vector<8x1xi32>)  : i32 {
        %sub3A_97 = arith.subi %scan3A_96, %scan3A_95 : vector<8x1xi32>
        %jit3A_98 = arith.constant 2 : i32
        %div3A = vector.broadcast %jit3A_98 : i32 to vector<8x1xi32>
        %div3A_99 = arith.divsi %sub3A_97, %div3A : vector<8x1xi32>
        %sign3A = arith.constant 0 : i32
        %sign3A_100 = vector.broadcast %sign3A : i32 to vector<8x1xi32>
        %sign3A_101 = arith.cmpi sgt, %sub3A_97, %sign3A_100 : vector<8x1xi32>
        %sign3A_102 = arith.extui %sign3A_101 : vector<8x1xi1> to vector<8x1xi32>
        %sign3A_103 = arith.constant 0 : i32
        %sign3A_104 = vector.broadcast %sign3A_103 : i32 to vector<8x1xi32>
        %sign3A_105 = arith.cmpi slt, %sub3A_97, %sign3A_104 : vector<8x1xi32>
        %sign3A_106 = arith.extui %sign3A_105 : vector<8x1xi1> to vector<8x1xi32>
        %sign3A_107 = arith.subi %sign3A_102, %sign3A_106 : vector<8x1xi32>
        %sign3A_108 = arith.constant 0 : i32
        %sign3A_109 = arith.cmpi sgt, %jit3A_98, %sign3A_108 : i32
        %sign3A_110 = arith.extui %sign3A_109 : i1 to i32
        %sign3A_111 = arith.constant 0 : i32
        %sign3A_112 = arith.cmpi slt, %jit3A_98, %sign3A_111 : i32
        %sign3A_113 = arith.extui %sign3A_112 : i1 to i32
        %sign3A_114 = arith.subi %sign3A_110, %sign3A_113 : i32
        %ne3A = vector.broadcast %sign3A_114 : i32 to vector<8x1xi32>
        %ne3A_115 = arith.cmpi ne, %sign3A_107, %ne3A : vector<8x1xi32>
        %rem3A = vector.broadcast %jit3A_98 : i32 to vector<8x1xi32>
        %rem3A_116 = arith.remsi %sub3A_97, %rem3A : vector<8x1xi32>
        %ne3A_117 = arith.constant 0 : i32
        %ne3A_118 = vector.broadcast %ne3A_117 : i32 to vector<8x1xi32>
        %ne3A_119 = arith.cmpi ne, %rem3A_116, %ne3A_118 : vector<8x1xi32>
        %and3A_120 = arith.andi %ne3A_115, %ne3A_119 : vector<8x1xi1>
        %sub3A_121 = arith.constant 1 : i32
        %sub3A_122 = vector.broadcast %sub3A_121 : i32 to vector<8x1xi32>
        %sub3A_123 = arith.subi %div3A_99, %sub3A_122 : vector<8x1xi32>
        %select_n3A_124 = arith.select %and3A_120, %sub3A_123, %div3A_99 : vector<8x1xi1>, vector<8x1xi32>
        %add3A_125 = arith.addi %scan3A_95, %select_n3A_124 : vector<8x1xi32>
        %le3A_126 = vector.broadcast %add3A_125 : vector<8x1xi32> to vector<8x150528xi32>
        %le3A_127 = arith.cmpi sle, %select_n3A_85, %le3A_126 : vector<8x150528xi32>
        %convert_element_type3A_128 = arith.extui %le3A_127 : vector<8x150528xi1> to vector<8x150528xi32>
        %convert_element_type3A_129 = arith.sitofp %convert_element_type3A_128 : vector<8x150528xi32> to vector<8x150528xf32>
        %reduce_sum3A_130 = arith.constant dense<0.000000e+00> : vector<8xf32>
        %reduce_sum3A_131 = vector.multi_reduction <add>, %convert_element_type3A_129, %reduce_sum3A_130 [1] : vector<8x150528xf32> to vector<8xf32>
        %broadcast_in_dim3A_132 = vector.shape_cast %reduce_sum3A_131 : vector<8xf32> to vector<8x1xf32>
        %ge3A_133 = arith.cmpf oge, %broadcast_in_dim3A_132, %sub3A_80 : vector<8x1xf32>
        %add3A_134 = arith.constant 1 : i32
        %add3A_135 = vector.broadcast %add3A_134 : i32 to vector<8x1xi32>
        %add3A_136 = arith.addi %add3A_125, %add3A_135 : vector<8x1xi32>
        %select_n3A_137 = arith.select %ge3A_133, %scan3A_95, %add3A_136 : vector<8x1xi1>, vector<8x1xi32>
        %select_n3A_138 = arith.select %ge3A_133, %add3A_125, %scan3A_96 : vector<8x1xi1>, vector<8x1xi32>
        scf.yield %select_n3A_137, %select_n3A_138 : vector<8x1xi32>, vector<8x1xi32>
      }
      scf.yield %scan3A_93#0 : vector<8x1xi32>
    } else {
      %broadcast_in_dim3A_73 = arith.constant -1 : i32
      %broadcast_in_dim3A_74 = vector.broadcast %broadcast_in_dim3A_73 : i32 to vector<8x1xi32>
      scf.yield %broadcast_in_dim3A_74 : vector<8x1xi32>
    }
    %jit3A_55 = arith.constant -1 : i32
    %broadcast_in_dim3A_56 = vector.broadcast %jit3A_55 : i32 to vector<8x1xi32>
    %select_n3A_57 = arith.select %eq3A_34, %broadcast_in_dim3A_56, %cond3A_54 : vector<8x1xi1>, vector<8x1xi32>
    %gt3A = vector.broadcast %select_n3A_37 : vector<8x1xi32> to vector<8x150528xi32>
    %gt3A_58 = arith.cmpi sgt, %bitcast_convert_type3A, %gt3A : vector<8x150528xi32>
    %eq3A_59 = vector.broadcast %select_n3A_37 : vector<8x1xi32> to vector<8x150528xi32>
    %eq3A_60 = arith.cmpi eq, %bitcast_convert_type3A, %eq3A_59 : vector<8x150528xi32>
    %le3A = vector.broadcast %select_n3A_57 : vector<8x1xi32> to vector<8x150528xi32>
    %le3A_61 = arith.cmpi sle, %iota3A_38, %le3A : vector<8x150528xi32>
    %and3A = arith.andi %eq3A_60, %le3A_61 : vector<8x150528xi1>
    %or3A = arith.ori %gt3A_58, %and3A : vector<8x150528xi1>
    %slice3A = vector.extract_strided_slice %or3A {offsets = [0, 0], sizes = [8, 50176], strides = [1, 1]} : vector<8x150528xi1> to vector<8x50176xi1>
    %slice3A_62 = vector.extract_strided_slice %or3A {offsets = [0, 50176], sizes = [8, 50176], strides = [1, 1]} : vector<8x150528xi1> to vector<8x50176xi1>
    %or3A_63 = arith.ori %slice3A, %slice3A_62 : vector<8x50176xi1>
    %slice3A_64 = vector.extract_strided_slice %or3A {offsets = [0, 100352], sizes = [8, 50176], strides = [1, 1]} : vector<8x150528xi1> to vector<8x50176xi1>
    %or3A_65 = arith.ori %or3A_63, %slice3A_64 : vector<8x50176xi1>
    %convert_element_type3A_66 = arith.extui %or3A_65 : vector<8x50176xi1> to vector<8x50176xi32>
    %convert_element_type3A_67 = arith.sitofp %convert_element_type3A_66 : vector<8x50176xi32> to vector<8x50176xf32>
    %sub3A_68 = arith.constant 1.000000e+00 : f32
    %sub3A_69 = vector.broadcast %sub3A_68 : f32 to vector<8x50176xf32>
    %sub3A_70 = arith.subf %sub3A_69, %convert_element_type3A_67 : vector<8x50176xf32>
    %swap3A = arith.constant 0 : index
    %swap3A_71 = arith.constant 0 : index
    %swap3A_72 = vector.load %arg3[%swap3A, %swap3A_71] : memref<8x50176xf32, #tpu.memory_space<vmem>>, vector<8x50176xf32>
    tpu.vector_store %arg3[%swap3A, %swap3A_71], %sub3A_70 {strides = array<i32>} : memref<8x50176xf32, #tpu.memory_space<vmem>>, vector<8x50176xf32>,
    return
  }
  func.func @transform_0(%arg0: i32) -> (i32, i32) {
    %c0_i32 = arith.constant 0 : i32
    %c0_i32_0 = arith.constant 0 : i32
    return %arg0, %c0_i32 : i32, i32
  }
  func.func @transform_1(%arg0: i32) -> (i32, i32, i32) {
    %c0_i32 = arith.constant 0 : i32
    %c0_i32_0 = arith.constant 0 : i32
    %c0_i32_1 = arith.constant 0 : i32
    return %arg0, %c0_i32, %c0_i32_0 : i32, i32, i32
  }
  func.func @transform_2(%arg0: i32) -> (i32, i32) {
    %c0_i32 = arith.constant 0 : i32
    %c0_i32_0 = arith.constant 0 : i32
    return %arg0, %c0_i32 : i32, i32
  }
}

</mosaic_0001>

<sc_bundles>
// kernel: kernel.5.cloned.1.call-start
scs
__scs_entry_jumppad:
0x0: {  	(pc) =	sbr.rel $0x88, $3  }
0x1: {  	(tag) =	ssettag $0x0;
	lr =	simm.s32 $0x1  }
0x2: {  	[smem:$0x3F9F] =	sst lr;
	_ =	strace $0xD0000000  }
0x3: {  	_ = 	snop  }
0x4: {  	_ = 	snop  }
0x5: {  	_ = 	snop  }
0x6: {  	_ = 	snop  }
0x7: {  	_ = 	snop  }
__scs_overlays_trampoline_lowered:
0x8: {  	[smem:$0x3FAE] =	sst s0  }
0x9: {  	[smem:$0x3FAF] =	sst s1  }
0xa: {  	[smem:$0x3FB0] =	sst s2  }
0xb: {  	[smem:$0x3FB1] =	sst s3  }
0xc: {  	[smem:$0x3FB2] =	sst s4  }
0xd: {  	[smem:$0x3FB3] =	sst s5  }
0xe: {  	[smem:$0x3FB4] =	sst s6  }
0xf: {  	[smem:$0x3FB5] =	sst s7  }
0x10: {  	[smem:$0x3FB6] =	sst s8  }
0x11: {  	[smem:$0x3FB7] =	sst s9;
	s0 =	simm.s32 @!p0 $0x0  }
0x12: {  	s1 =	sld [smem:$0x3F9D];
	s0 =	simm.s32 @p0 $0x1  }
0x13: {  	[smem:$0x3FB8] =	sst s0;
	s0 =	simm.s32 @!p1 $0x0  }
0x14: {  	s2 =	sld [smem:$0x3F9C];
	s0 =	simm.s32 @p1 $0x1  }
0x15: {  	[smem:$0x3FB9] =	sst s0;
	s0 =	simm.s32 @!p2 $0x0  }
0x16: {  	s3 =	sld [smem:$0x3FDB];
	s0 =	simm.s32 @p2 $0x1  }
0x17: {  	s4 =	simm.s32 $0x1BF5;
	[smem:$0x3FBB] =	sst s0  }
0x18: {  	s0 =	sld [smem:$0x3F9E];
	_ =	swait.ge [sflag:s4], $0x0  }
0x19: {  	s7 =	sld [smem:$0x3F9F]  }
0x1a: {  	s8 =	sadd.s32 $0xFFFFE003, lr  }
0x1b: {  	s9 =	sadd.s32 $0xFFFFFEF7, lr;
	s5 =	simm.s32 $0xFFFFFFFF;
	p2 =	slt.u32 s8, $0xFFFFF086  }
0x1c: {  	p1 =	slt.u32 s9, $0xF7A;
	s5 =	simm.s32 @!p2 $0x0  }
0x1d: {  	s5 =	simm.s32 @p1 $0x1;
	p0 =	seq.s32 s7, s2  }
0x1e: {  	s7 =	smul.u32 @!p0 $0xF7A, s2;
	p2 =	seq.s32 @!p0 s5, $0x0  }
0x1f: {  	s9 =	smul.u32 $0xF7A, s1;
	s8 =	simm.s32 @!p0 $0x1BF5;
	p2 =	por !p2, p0  }
0x20: {  	[sflag:s8] =	ssyncset.s32 @!p0 $0xFFFFF086;
	s6 =	sadd.s32 @!p0 s3, s7;
	s7 =	simm.s32 @!p0 $0x108  }
0x21: {  	s3 =	sadd.s32 s3, s9;
	s6 =	sadd.s32 @!p0 $0x88, s6;
	s7 =	simm.s32 @p2 $0x1082  }
0x22: {  	[simem:s7], [sflag:s8] =	dma.local @!p0 [hbm:s6], $0xF7A  }
0x23: {  	s9 =	sor.u32 $0xD0000000, s2;
	s6 =	simm.s32 $0x108;
	_ =	swait.ge @!p0 [sflag:s8], $0x0  }
0x24: {  	s3 =	sadd.s32 $0x88, s3;
	s6 =	simm.s32 @!p1 $0x1082;
	[sflag:s4] =	ssyncset.s32 $0xFFFFF086  }
0x25: {  	[simem:s6], [sflag:s4] =	dma.local [hbm:s3], $0xF7A  }
0x26: {  	[smem:$0x3F9F] =	sst s1;
	(tag) =	ssettag s2;
	_ =	strace s9  }
0x27: {  	s1 =	sld [smem:$0x3FAF]  }
0x28: {  	s2 =	sld [smem:$0x3FB0]  }
0x29: {  	s4 =	sld [smem:$0x3FB2]  }
0x2a: {  	p0 =	seq.s32 s5, $0x0;
	s5 =	sld [smem:$0x3FB3]  }
0x2b: {  	s6 =	sld [smem:$0x3FB4]  }
0x2c: {  	s7 =	sld [smem:$0x3FB5]  }
0x2d: {  	s3 =	simm.s32 $0x108;
	s8 =	sld [smem:$0x3FB6]  }
0x2e: {  	s3 =	simm.s32 @!p0 $0x1082;
	s9 =	sld [smem:$0x3FB7]  }
0x2f: {  	lr =	sadd.s32 s0, s3;
	s0 =	sld [smem:$0x3FAE]  }
0x30: {  	s3 =	sld [smem:$0x3FB1]  }
0x31: {  	[smem:$0x3FBA] =	sst s10  }
0x32: {  	s10 =	sld [smem:$0x3FB8];
	_ =	sdelay $0x3  }
0x33: {  	p0 =	seq.s32 s10, $0x1;
	s10 =	sld [smem:$0x3FBA];
	_ =	sdelay $0x3  }
0x34: {  	[smem:$0x3FBA] =	sst s10  }
0x35: {  	s10 =	sld [smem:$0x3FB9];
	_ =	sdelay $0x3  }
0x36: {  	p1 =	seq.s32 s10, $0x1;
	s10 =	sld [smem:$0x3FBA];
	_ =	sdelay $0x3  }
0x37: {  	[smem:$0x3FBA] =	sst s10  }
0x38: {  	s10 =	sld [smem:$0x3FBB]  }
0x39: {  	_ = 	snop;
	(pc) =	sbr.ind lr, $3  }
0x3a: {  	_ = 	snop  }
0x3b: {  	_ = 	snop  }
0x3c: {  	p2 =	seq.s32 s10, $0x1;
	s10 =	sld [smem:$0x3FBA]  }
0x3d: {  	_ =	shalt  }
0x3e: {  	_ =	shalt  }
0x3f: {  	_ =	shalt  }
0x40: {  	_ =	shalt  }
0x41: {  	_ =	shalt  }
0x42: {  	_ =	shalt  }
0x43: {  	_ =	shalt  }
0x44: {  	_ =	shalt  }
0x45: {  	_ =	shalt  }
0x46: {  	_ =	shalt  }
0x47: {  	_ =	shalt  }
0x48: {  	_ =	shalt  }
0x49: {  	_ =	shalt  }
0x4a: {  	_ =	shalt  }
0x4b: {  	_ =	shalt  }
0x4c: {  	_ =	shalt  }
0x4d: {  	_ =	shalt  }
0x4e: {  	_ =	shalt  }
0x4f: {  	_ =	shalt  }
0x50: {  	_ =	shalt  }
0x51: {  	_ =	shalt  }
0x52: {  	_ =	shalt  }
0x53: {  	_ =	shalt  }
0x54: {  	_ =	shalt  }
0x55: {  	_ =	shalt  }
0x56: {  	_ =	shalt  }
0x57: {  	_ =	shalt  }
0x58: {  	_ =	shalt  }
0x59: {  	_ =	shalt  }
0x5a: {  	_ =	shalt  }
0x5b: {  	_ =	shalt  }
0x5c: {  	_ =	shalt  }
0x5d: {  	_ =	shalt  }
0x5e: {  	_ =	shalt  }
0x5f: {  	_ =	shalt  }
0x60: {  	_ =	shalt  }
0x61: {  	_ =	shalt  }
0x62: {  	_ =	shalt  }
0x63: {  	_ =	shalt  }
0x64: {  	_ =	shalt  }
0x65: {  	_ =	shalt  }
0x66: {  	_ =	shalt  }
0x67: {  	_ =	shalt  }
0x68: {  	_ =	shalt  }
0x69: {  	_ =	shalt  }
0x6a: {  	_ =	shalt  }
0x6b: {  	_ =	shalt  }
0x6c: {  	_ =	shalt  }
0x6d: {  	_ =	shalt  }
0x6e: {  	_ =	shalt  }
0x6f: {  	_ =	shalt  }
0x70: {  	_ =	shalt  }
0x71: {  	_ =	shalt  }
0x72: {  	_ =	shalt  }
0x73: {  	_ =	shalt  }
0x74: {  	_ =	shalt  }
0x75: {  	_ =	shalt  }
0x76: {  	_ =	shalt  }
0x77: {  	_ =	shalt  }
0x78: {  	_ =	shalt  }
0x79: {  	_ =	shalt  }
0x7a: {  	_ =	shalt  }
0x7b: {  	_ =	shalt  }
0x7c: {  	_ =	shalt  }
0x7d: {  	_ =	shalt  }
0x7e: {  	_ =	shalt  }
0x7f: {  	_ =	shalt  }
0x80: {  	_ =	shalt  }
0x81: {  	_ =	shalt  }
0x82: {  	_ =	shalt  }
0x83: {  	_ =	shalt  }
0x84: {  	_ =	shalt  }
0x85: {  	_ =	shalt  }
0x86: {  	_ =	shalt  }
0x87: {  	_ =	shalt  }
.Lfunc_end0:
.L_simem_size_0:
called_computation_lowered:
.L_overlay_start_0:
0x88: {  	s2 =	sld [smem:$0x3FD9]  }
0x89: {  	s3 =	sld [smem:$0x3FFE];
	_ =	sdelay $0x1  }
0x8a: {  	s1 =	srdreg.scid  }
0x8b: {  	s0 =	sand.u32 $0x1, s1  }
0x8c: {  	s17 =	sshll.u32 s0, $0xA;
	s2 =	sadd.s32 s3, s2  }
0x8d: {  	s2 =	sadd.s32 s2, s17  }
0x8e: {  	[smem:$0x3FC6] =	sst s2  }
0x8f: {  	_ = 	snop  }
0x90: {  	s2 =	sld [smem:$0x3FD0];
	(tm) =	ssettm $0x1  }
0x91: {  	s18 =	sld [smem:$0x3FFB];
	_ =	sdelay $0x3  }
0x92: {  	_ =	strace s18  }
0x93: {  	s3 =	sld [smem:$0x3FFC];
	_ =	sdelay $0x3  }
0x94: {  	_ =	strace s3  }
0x95: {  	s3 =	sld [smem:$0x3FFD];
	_ =	sdelay $0x3  }
0x96: {  	_ =	strace s3  }
0x97: {  	_ =	strace $0x8FFFFFFF  }
0x98: {  	s19 =	sld [smem:$0x3FDB];
	_ =	sdelay $0x1  }
0x99: {  	s4 =	simm.s32 $_scs_section_size  }
0x9a: {  	s5 =	simm.s32 $_size__tile_overlayer_lowered;
	s6 =	simm.s32 $_tile_overlayer_lowered  }
0x9b: {  	s22 =	simm.s32 $0x1BFF;
	s21 =	sshll.u32 s6, $0x1;
	s3 =	sadd.s32 s4, s19  }
0x9c: {  	s7 =	simm.s32 $0x0;
	s20 =	sshll.u32 s5, $0x1;
	s5 =	sadd.s32 s21, s3  }
0x9d: {  	[timem:s7], [sflag:s22] =	dma.local [hbm:s5], s20  }
0x9e: {  	_ =	swait.ge [sflag:s22], s20  }
0x9f: {  	s4 =	ssub.s32 $0x0, s20;
	[sflag:s22] =	ssyncset.done $0x0  }
0xa0: {  	[sflag:s22] =	ssyncadd.s32 s4;
	_ =	sdelay $0x1  }
0xa1: {  	s23 =	simm.s32 $0x1B8B  }
0xa2: {  	_ =	swait.ge [sflag:s23], $0x1  }
0xa3: {  	[sflag:s23] =	ssyncset.done $0x0  }
0xa4: {  	s25 =	simm.s32 $0x1B8E;
	s24 =	sld [smem:$0x3FFE];
	[sflag:s23] =	ssyncadd.s32 $0xFFFFFFFF  }
0xa5: {  	s26 =	simm.s32 $execute0_lowered;
	[smem:$0x3FD2] =	sst s25  }
0xa6: {  	s5 =	sshll.u32 s26, $0x1;
	_ =	strace $0x80000046;
	[dreg:$0x1] =	wrdreg $0xFFFFFFFF  }
0xa7: {  	s28 =	simm.s32 $_size_execute0_lowered;
	s3 =	sadd.s32 s3, s5;
	[dreg:$0x0] =	wrdreg $0x0  }
0xa8: {  	s5 =	sshll.u32 s28, $0x1;
	[dreg:$0x2] =	wrdreg s3  }
0xa9: {  	[dreg:$0x3] =	wrdreg s5  }
0xaa: {  	[dreg:$0x4] =	wrdreg $0xC0  }
0xab: {  	_ =	task [dreg:s7], $0x5FFFF  }
0xac: {  	[dreg:$0x1] =	wrdreg $0xFFFFFFFF  }
0xad: {  	[dreg:$0x0] =	wrdreg $0x60  }
0xae: {  	[dreg:$0x2] =	wrdreg s2  }
0xaf: {  	[dreg:$0x3] =	wrdreg s24  }
0xb0: {  	[dreg:$0x4] =	wrdreg $0x9  }
0xb1: {  	_ =	task.clear_ibuf [dreg:s7], $0x5FFFF;
	_ =	strace $0x90000046  }
0xb2: {  	s29 =	simm.s32 $0x9;
	_ =	strace $0x80000048  }
0xb3: {  	_ =	swait.ge [sflag:s29], $0x1  }
0xb4: {  	[sflag:s29] =	ssyncadd.s32 $0xFFFFFFFF  }
0xb5: {  	_ =	strace $0x90000048  }
0xb6: {  	_ =	sfence  }
0xb7: {  	s30 =	sld [smem:$0x0];
	_ =	sdelay $0x2  }
0xb8: {  	s31 =	sshll.u32 s1, $0xD;
	s1 =	sshrl.u32 s1, $0x2  }
0xb9: {  	s3 =	sand.u32 $0x4000, s31;
	s1 =	sadd.s32 s1, s30  }
0xba: {  	s0 =	sor.u32 s3, s0;
	s1 =	sshll.u32 s1, $0x11  }
0xbb: {  	s0 =	sor.u32 s1, s0  }
0xbc: {  	s0 =	sadd.s32 $0x8F2B, s0  }
0xbd: {  	[sflag:s0] =	ssyncadd.remote.s32 $0x1  }
0xbe: {  	_ =	sfence.sel $0xFFFF  }
0xbf: {  	[dreg:$0x0] =	wrdreg $0xFFFFFFFF;
	(pc) =	sbr.abs _section_cstart, $3  }
0xc0: {  	[dreg:$0x1] =	wrdreg $0xFFFFFFFF  }
0xc1: {  	_ =	task.clear_ibuf [dreg:s7], $0x2FFFF;
	_ =	strace $0x9FFFFFFF  }
0xc2: {  	(tm) =	ssettm $0x7FFFFFFF  }
0xc3: {  	_ =	shalt  }
tec
execute0_lowered:
.L_overlay_start_1:
0x0: {  	(tag) =	ssettag $0x1  }
0x1: {  	s2 =	rddreg [dreg:$0x0]  }
0x2: {  	s4 =	rddreg [dreg:$0x1]  }
0x3: {  	s1 =	stileid.u32;
	s3 =	srdreg.scid  }
0x4: {  	s0 =	rddreg [dreg:$0x2];
	s9 =	simm.s32 $0x80;
	s10 =	simm.s32 $0x400  }
0x5: {  	s11 =	simm.s32 $0xE000;
	s5 =	sand.u32 $0x1, s3;
	s6 =	sshll.u32 s1, $0x1  }
0x6: {  	v0 =	vlaneseq.u32;
	s3 =	simm.s32 $0x0;
	s7 =	sshll.u32 s1, $0x9;
	s6 =	sor.u32 s5, s6  }
0x7: {  	v0 =	vmul.u32 $0x100, v0;
	[smem:$0x7FF] =	sst s3;
	s7 =	sand.u32 $0x1800, s7;
	s5 =	ssub.s32 $0x2, s5  }
0x8: {  	s8 =	sshll.u32 s6, $0x4;
	s4 =	sadd.s32 s7, s4;
	s31 =	sshrl.u32 s5, $0x1  }
0x9: {  	v1 =	vimm.f32 $0.0e+00;
	v2 =	vimm.f32 $1.000000000e+00;
	_ =	strace $0x80000047;
	v3 =	vor.u32 $0x1000, v0;
	s30 =	sand.u32 $0x70, s8;
	s8 =	ssub.s32 s5, s31  }
0xa: {  	v4 =	vor.u32 $0x2000, v0;
	v5 =	vor.u32 $0x3000, v0;
	v6 =	vor.u32 $0x4000, v0;
	s7 =	sadd.s32 s30, s4;
	s4 =	smul.u32 $0x126000, s6;
	s6 =	smax.u32 s8, $0x1  }
0xb: {  	v7 =	vor.u32 $0x5000, v0;
	v8 =	vor.u32 $0x6000, v0;
	v9 =	vor.u32 $0x7000, v0;
	s8 =	simm.s32 $0x6000;
	s5 =	sadd.s32 $0x400, s7;
	s7 =	simm.s32 $0x1  }
.LBB2_1:
0xc: {  	s12 =	simm.s32 $0x40;
	s13 =	simm.s32 $0x0  }
.LBB2_2:
0xd: {  	p0 =	sne.s32 s12, $0x1FFC0;
	[tilespmem:s13+$0x6000] =	vst v1;
	s13 =	smov.u32 s12;
	s12 =	sadd.s32 $0x40, s12  }
.Ltmp0:
0xe: {  	(pc) =	sbr.rel @p0 .LBB2_2-.Ltmp0, $2  }
0xf: {  	_ =	sdelay $0x2  }
0x10: {  	s13 =	sshra.s32 s13, $0x2  }
0x11: {  	[tilespmem:s13+$0x6000] =	vst v1;
	s12 =	simm.s32 $0x0;
	s13 =	simm.s32 $0x0  }
.LBB2_4:
0x12: {  	s14 =	smul.u32 $0x6000, s13;
	_ =	sdelay $0x1  }
0x13: {  	s14 =	sadd.s32 s4, s14  }
0x14: {  	s14 =	sshrl.u32 s14, $0x3  }
0x15: {  	s14 =	sadd.s32 s2, s14  }
0x16: {  	[tilespmem:s12], [sflag:$0x1] =	stream.linear.gather [hbm4b:s14+s12], $0x6000, $0x38;
	[tilespmem:$0xE800] =	vst v63  }
0x17: {  	_ =	swait.ge [sflag:s7], $0x6000  }
0x18: {  	[sflag:s7] =	ssyncset.done $0x0  }
0x19: {  	s14 =	simm.s32 $0x0;
	[sflag:s7] =	ssyncadd.s32 $0xFFFFA000  }
.LBB2_5:
0x1a: {  	s15 =	sshra.s32 s14, $0x2  }
0x1b: {  	v10 =	vld [tilespmem:s15+$0x0];
	_ =	sdelay $0x4  }
0x1c: {  	v10 =	vshrl.u32 v10, $0x17  }
0x1d: {  	v10 =	vand.u32 $0xFF, v10  }
0x1e: {  	v10 =	vor.u32 v0, v10;
	_ =	sdelay $0x4  }
0x1f: {  	[tilespmem:v10+s8+$0x0] =	vst.idx.add.f32.msk $0xffff, v2  }
0x20: {  	v10 =	vld [tilespmem:s15+$0x10];
	_ =	sdelay $0x4  }
0x21: {  	v10 =	vshrl.u32 v10, $0x17  }
0x22: {  	v10 =	vand.u32 $0xFF, v10  }
0x23: {  	v10 =	vor.u32 v0, v10;
	_ =	sdelay $0x4  }
0x24: {  	[tilespmem:v10+s8+$0x0] =	vst.idx.add.f32.msk $0xffff, v2  }
0x25: {  	v10 =	vld [tilespmem:s15+$0x20];
	_ =	sdelay $0x4  }
0x26: {  	v10 =	vshrl.u32 v10, $0x17  }
0x27: {  	v10 =	vand.u32 $0xFF, v10  }
0x28: {  	v10 =	vor.u32 v0, v10;
	_ =	sdelay $0x4  }
0x29: {  	[tilespmem:v10+s8+$0x0] =	vst.idx.add.f32.msk $0xffff, v2  }
0x2a: {  	v10 =	vld [tilespmem:s15+$0x30];
	_ =	sdelay $0x4  }
0x2b: {  	v10 =	vshrl.u32 v10, $0x17  }
0x2c: {  	v10 =	vand.u32 $0xFF, v10  }
0x2d: {  	v10 =	vor.u32 v0, v10;
	_ =	sdelay $0x4  }
0x2e: {  	[tilespmem:v10+s8+$0x0] =	vst.idx.add.f32.msk $0xffff, v2  }
0x2f: {  	v10 =	vld [tilespmem:s15+$0x40];
	_ =	sdelay $0x4  }
0x30: {  	v10 =	vshrl.u32 v10, $0x17  }
0x31: {  	v10 =	vand.u32 $0xFF, v10  }
0x32: {  	v10 =	vor.u32 v0, v10;
	_ =	sdelay $0x4  }
0x33: {  	[tilespmem:v10+s8+$0x0] =	vst.idx.add.f32.msk $0xffff, v2  }
0x34: {  	v10 =	vld [tilespmem:s15+$0x50];
	_ =	sdelay $0x4  }
0x35: {  	v10 =	vshrl.u32 v10, $0x17  }
0x36: {  	v10 =	vand.u32 $0xFF, v10  }
0x37: {  	v10 =	vor.u32 v0, v10;
	_ =	sdelay $0x4  }
0x38: {  	[tilespmem:v10+s8+$0x0] =	vst.idx.add.f32.msk $0xffff, v2  }
0x39: {  	v10 =	vld [tilespmem:s15+$0x60];
	_ =	sdelay $0x4  }
0x3a: {  	v10 =	vshrl.u32 v10, $0x17  }
0x3b: {  	v10 =	vand.u32 $0xFF, v10  }
0x3c: {  	v10 =	vor.u32 v0, v10;
	_ =	sdelay $0x4  }
0x3d: {  	[tilespmem:v10+s8+$0x0] =	vst.idx.add.f32.msk $0xffff, v2  }
0x3e: {  	v10 =	vld [tilespmem:s15+$0x70];
	_ =	sdelay $0x4  }
0x3f: {  	v10 =	vshrl.u32 v10, $0x17  }
0x40: {  	v10 =	vand.u32 $0xFF, v10  }
0x41: {  	v10 =	vor.u32 v0, v10;
	_ =	sdelay $0x4  }
0x42: {  	[tilespmem:v10+s8+$0x0] =	vst.idx.add.f32.msk $0xffff, v2  }
0x43: {  	v10 =	vld [tilespmem:s15+$0x80];
	_ =	sdelay $0x4  }
0x44: {  	v10 =	vshrl.u32 v10, $0x17  }
0x45: {  	v10 =	vand.u32 $0xFF, v10  }
0x46: {  	v10 =	vor.u32 v3, v10;
	_ =	sdelay $0x4  }
0x47: {  	[tilespmem:v10+s8+$0x0] =	vst.idx.add.f32.msk $0xffff, v2  }
0x48: {  	v10 =	vld [tilespmem:s15+$0x90];
	_ =	sdelay $0x4  }
0x49: {  	v10 =	vshrl.u32 v10, $0x17  }
0x4a: {  	v10 =	vand.u32 $0xFF, v10  }
0x4b: {  	v10 =	vor.u32 v3, v10;
	_ =	sdelay $0x4  }
0x4c: {  	[tilespmem:v10+s8+$0x0] =	vst.idx.add.f32.msk $0xffff, v2  }
0x4d: {  	v10 =	vld [tilespmem:s15+$0xA0];
	_ =	sdelay $0x4  }
0x4e: {  	v10 =	vshrl.u32 v10, $0x17  }
0x4f: {  	v10 =	vand.u32 $0xFF, v10  }
0x50: {  	v10 =	vor.u32 v3, v10;
	_ =	sdelay $0x4  }
0x51: {  	[tilespmem:v10+s8+$0x0] =	vst.idx.add.f32.msk $0xffff, v2  }
0x52: {  	v10 =	vld [tilespmem:s15+$0xB0];
	_ =	sdelay $0x4  }
0x53: {  	v10 =	vshrl.u32 v10, $0x17  }
0x54: {  	v10 =	vand.u32 $0xFF, v10  }
0x55: {  	v10 =	vor.u32 v3, v10;
	_ =	sdelay $0x4  }
0x56: {  	[tilespmem:v10+s8+$0x0] =	vst.idx.add.f32.msk $0xffff, v2  }
0x57: {  	v10 =	vld [tilespmem:s15+$0xC0];
	_ =	sdelay $0x4  }
0x58: {  	v10 =	vshrl.u32 v10, $0x17  }
0x59: {  	v10 =	vand.u32 $0xFF, v10  }
0x5a: {  	v10 =	vor.u32 v3, v10;
	_ =	sdelay $0x4  }
0x5b: {  	[tilespmem:v10+s8+$0x0] =	vst.idx.add.f32.msk $0xffff, v2  }
0x5c: {  	v10 =	vld [tilespmem:s15+$0xD0];
	_ =	sdelay $0x4  }
0x5d: {  	v10 =	vshrl.u32 v10, $0x17  }
0x5e: {  	v10 =	vand.u32 $0xFF, v10  }
0x5f: {  	v10 =	vor.u32 v3, v10;
	_ =	sdelay $0x4  }
0x60: {  	[tilespmem:v10+s8+$0x0] =	vst.idx.add.f32.msk $0xffff, v2  }
0x61: {  	v10 =	vld [tilespmem:s15+$0xE0];
	_ =	sdelay $0x4  }
0x62: {  	v10 =	vshrl.u32 v10, $0x17  }
0x63: {  	v10 =	vand.u32 $0xFF, v10  }
0x64: {  	v10 =	vor.u32 v3, v10;
	_ =	sdelay $0x4  }
0x65: {  	[tilespmem:v10+s8+$0x0] =	vst.idx.add.f32.msk $0xffff, v2  }
0x66: {  	v10 =	vld [tilespmem:s15+$0xF0];
	_ =	sdelay $0x4  }
0x67: {  	v10 =	vshrl.u32 v10, $0x17  }
0x68: {  	v10 =	vand.u32 $0xFF, v10  }
0x69: {  	v10 =	vor.u32 v3, v10;
	_ =	sdelay $0x4  }
0x6a: {  	[tilespmem:v10+s8+$0x0] =	vst.idx.add.f32.msk $0xffff, v2  }
0x6b: {  	v10 =	vld [tilespmem:s15+$0x100];
	_ =	sdelay $0x4  }
0x6c: {  	v10 =	vshrl.u32 v10, $0x17  }
0x6d: {  	v10 =	vand.u32 $0xFF, v10  }
0x6e: {  	v10 =	vor.u32 v4, v10;
	_ =	sdelay $0x4  }
0x6f: {  	[tilespmem:v10+s8+$0x0] =	vst.idx.add.f32.msk $0xffff, v2  }
0x70: {  	v10 =	vld [tilespmem:s15+$0x110];
	_ =	sdelay $0x4  }
0x71: {  	v10 =	vshrl.u32 v10, $0x17  }
0x72: {  	v10 =	vand.u32 $0xFF, v10  }
0x73: {  	v10 =	vor.u32 v4, v10;
	_ =	sdelay $0x4  }
0x74: {  	[tilespmem:v10+s8+$0x0] =	vst.idx.add.f32.msk $0xffff, v2  }
0x75: {  	v10 =	vld [tilespmem:s15+$0x120];
	_ =	sdelay $0x4  }
0x76: {  	v10 =	vshrl.u32 v10, $0x17  }
0x77: {  	v10 =	vand.u32 $0xFF, v10  }
0x78: {  	v10 =	vor.u32 v4, v10;
	_ =	sdelay $0x4  }
0x79: {  	[tilespmem:v10+s8+$0x0] =	vst.idx.add.f32.msk $0xffff, v2  }
0x7a: {  	v10 =	vld [tilespmem:s15+$0x130];
	_ =	sdelay $0x4  }
0x7b: {  	v10 =	vshrl.u32 v10, $0x17  }
0x7c: {  	v10 =	vand.u32 $0xFF, v10  }
0x7d: {  	v10 =	vor.u32 v4, v10;
	_ =	sdelay $0x4  }
0x7e: {  	[tilespmem:v10+s8+$0x0] =	vst.idx.add.f32.msk $0xffff, v2  }
0x7f: {  	v10 =	vld [tilespmem:s15+$0x140];
	_ =	sdelay $0x4  }
0x80: {  	v10 =	vshrl.u32 v10, $0x17  }
0x81: {  	v10 =	vand.u32 $0xFF, v10  }
0x82: {  	v10 =	vor.u32 v4, v10;
	_ =	sdelay $0x4  }
0x83: {  	[tilespmem:v10+s8+$0x0] =	vst.idx.add.f32.msk $0xffff, v2  }
0x84: {  	v10 =	vld [tilespmem:s15+$0x150];
	_ =	sdelay $0x4  }
0x85: {  	v10 =	vshrl.u32 v10, $0x17  }
0x86: {  	v10 =	vand.u32 $0xFF, v10  }
0x87: {  	v10 =	vor.u32 v4, v10;
	_ =	sdelay $0x4  }
0x88: {  	[tilespmem:v10+s8+$0x0] =	vst.idx.add.f32.msk $0xffff, v2  }
0x89: {  	v10 =	vld [tilespmem:s15+$0x160];
	_ =	sdelay $0x4  }
0x8a: {  	v10 =	vshrl.u32 v10, $0x17  }
0x8b: {  	v10 =	vand.u32 $0xFF, v10  }
0x8c: {  	v10 =	vor.u32 v4, v10;
	_ =	sdelay $0x4  }
0x8d: {  	[tilespmem:v10+s8+$0x0] =	vst.idx.add.f32.msk $0xffff, v2  }
0x8e: {  	v10 =	vld [tilespmem:s15+$0x170];
	_ =	sdelay $0x4  }
0x8f: {  	v10 =	vshrl.u32 v10, $0x17  }
0x90: {  	v10 =	vand.u32 $0xFF, v10  }
0x91: {  	v10 =	vor.u32 v4, v10;
	_ =	sdelay $0x4  }
0x92: {  	[tilespmem:v10+s8+$0x0] =	vst.idx.add.f32.msk $0xffff, v2  }
0x93: {  	v10 =	vld [tilespmem:s15+$0x180];
	_ =	sdelay $0x4  }
0x94: {  	v10 =	vshrl.u32 v10, $0x17  }
0x95: {  	v10 =	vand.u32 $0xFF, v10  }
0x96: {  	v10 =	vor.u32 v5, v10;
	_ =	sdelay $0x4  }
0x97: {  	[tilespmem:v10+s8+$0x0] =	vst.idx.add.f32.msk $0xffff, v2  }
0x98: {  	v10 =	vld [tilespmem:s15+$0x190];
	_ =	sdelay $0x4  }
0x99: {  	v10 =	vshrl.u32 v10, $0x17  }
0x9a: {  	v10 =	vand.u32 $0xFF, v10  }
0x9b: {  	v10 =	vor.u32 v5, v10;
	_ =	sdelay $0x4  }
0x9c: {  	[tilespmem:v10+s8+$0x0] =	vst.idx.add.f32.msk $0xffff, v2  }
0x9d: {  	v10 =	vld [tilespmem:s15+$0x1A0];
	_ =	sdelay $0x4  }
0x9e: {  	v10 =	vshrl.u32 v10, $0x17  }
0x9f: {  	v10 =	vand.u32 $0xFF, v10  }
0xa0: {  	v10 =	vor.u32 v5, v10;
	_ =	sdelay $0x4  }
0xa1: {  	[tilespmem:v10+s8+$0x0] =	vst.idx.add.f32.msk $0xffff, v2  }
0xa2: {  	v10 =	vld [tilespmem:s15+$0x1B0];
	_ =	sdelay $0x4  }
0xa3: {  	v10 =	vshrl.u32 v10, $0x17  }
0xa4: {  	v10 =	vand.u32 $0xFF, v10  }
0xa5: {  	v10 =	vor.u32 v5, v10;
	_ =	sdelay $0x4  }
0xa6: {  	[tilespmem:v10+s8+$0x0] =	vst.idx.add.f32.msk $0xffff, v2  }
0xa7: {  	v10 =	vld [tilespmem:s15+$0x1C0];
	_ =	sdelay $0x4  }
0xa8: {  	v10 =	vshrl.u32 v10, $0x17  }
0xa9: {  	v10 =	vand.u32 $0xFF, v10  }
0xaa: {  	v10 =	vor.u32 v5, v10;
	_ =	sdelay $0x4  }
0xab: {  	[tilespmem:v10+s8+$0x0] =	vst.idx.add.f32.msk $0xffff, v2  }
0xac: {  	v10 =	vld [tilespmem:s15+$0x1D0];
	_ =	sdelay $0x4  }
0xad: {  	v10 =	vshrl.u32 v10, $0x17  }
0xae: {  	v10 =	vand.u32 $0xFF, v10  }
0xaf: {  	v10 =	vor.u32 v5, v10;
	_ =	sdelay $0x4  }
0xb0: {  	[tilespmem:v10+s8+$0x0] =	vst.idx.add.f32.msk $0xffff, v2  }
0xb1: {  	v10 =	vld [tilespmem:s15+$0x1E0];
	_ =	sdelay $0x4  }
0xb2: {  	v10 =	vshrl.u32 v10, $0x17  }
0xb3: {  	v10 =	vand.u32 $0xFF, v10  }
0xb4: {  	v10 =	vor.u32 v5, v10;
	_ =	sdelay $0x4  }
0xb5: {  	[tilespmem:v10+s8+$0x0] =	vst.idx.add.f32.msk $0xffff, v2  }
0xb6: {  	v10 =	vld [tilespmem:s15+$0x1F0];
	_ =	sdelay $0x4  }
0xb7: {  	v10 =	vshrl.u32 v10, $0x17  }
0xb8: {  	v10 =	vand.u32 $0xFF, v10  }
0xb9: {  	v10 =	vor.u32 v5, v10;
	_ =	sdelay $0x4  }
0xba: {  	[tilespmem:v10+s8+$0x0] =	vst.idx.add.f32.msk $0xffff, v2  }
0xbb: {  	v10 =	vld [tilespmem:s15+$0x200];
	_ =	sdelay $0x4  }
0xbc: {  	v10 =	vshrl.u32 v10, $0x17  }
0xbd: {  	v10 =	vand.u32 $0xFF, v10  }
0xbe: {  	v10 =	vor.u32 v6, v10;
	_ =	sdelay $0x4  }
0xbf: {  	[tilespmem:v10+s8+$0x0] =	vst.idx.add.f32.msk $0xffff, v2  }
0xc0: {  	v10 =	vld [tilespmem:s15+$0x210];
	_ =	sdelay $0x4  }
0xc1: {  	v10 =	vshrl.u32 v10, $0x17  }
0xc2: {  	v10 =	vand.u32 $0xFF, v10  }
0xc3: {  	v10 =	vor.u32 v6, v10;
	_ =	sdelay $0x4  }
0xc4: {  	[tilespmem:v10+s8+$0x0] =	vst.idx.add.f32.msk $0xffff, v2  }
0xc5: {  	v10 =	vld [tilespmem:s15+$0x220];
	_ =	sdelay $0x4  }
0xc6: {  	v10 =	vshrl.u32 v10, $0x17  }
0xc7: {  	v10 =	vand.u32 $0xFF, v10  }
0xc8: {  	v10 =	vor.u32 v6, v10;
	_ =	sdelay $0x4  }
0xc9: {  	[tilespmem:v10+s8+$0x0] =	vst.idx.add.f32.msk $0xffff, v2  }
0xca: {  	v10 =	vld [tilespmem:s15+$0x230];
	_ =	sdelay $0x4  }
0xcb: {  	v10 =	vshrl.u32 v10, $0x17  }
0xcc: {  	v10 =	vand.u32 $0xFF, v10  }
0xcd: {  	v10 =	vor.u32 v6, v10;
	_ =	sdelay $0x4  }
0xce: {  	[tilespmem:v10+s8+$0x0] =	vst.idx.add.f32.msk $0xffff, v2  }
0xcf: {  	v10 =	vld [tilespmem:s15+$0x240];
	_ =	sdelay $0x4  }
0xd0: {  	v10 =	vshrl.u32 v10, $0x17  }
0xd1: {  	v10 =	vand.u32 $0xFF, v10  }
0xd2: {  	v10 =	vor.u32 v6, v10;
	_ =	sdelay $0x4  }
0xd3: {  	[tilespmem:v10+s8+$0x0] =	vst.idx.add.f32.msk $0xffff, v2  }
0xd4: {  	v10 =	vld [tilespmem:s15+$0x250];
	_ =	sdelay $0x4  }
0xd5: {  	v10 =	vshrl.u32 v10, $0x17  }
0xd6: {  	v10 =	vand.u32 $0xFF, v10  }
0xd7: {  	v10 =	vor.u32 v6, v10;
	_ =	sdelay $0x4  }
0xd8: {  	[tilespmem:v10+s8+$0x0] =	vst.idx.add.f32.msk $0xffff, v2  }
0xd9: {  	v10 =	vld [tilespmem:s15+$0x260];
	_ =	sdelay $0x4  }
0xda: {  	v10 =	vshrl.u32 v10, $0x17  }
0xdb: {  	v10 =	vand.u32 $0xFF, v10  }
0xdc: {  	v10 =	vor.u32 v6, v10;
	_ =	sdelay $0x4  }
0xdd: {  	[tilespmem:v10+s8+$0x0] =	vst.idx.add.f32.msk $0xffff, v2  }
0xde: {  	v10 =	vld [tilespmem:s15+$0x270];
	_ =	sdelay $0x4  }
0xdf: {  	v10 =	vshrl.u32 v10, $0x17  }
0xe0: {  	v10 =	vand.u32 $0xFF, v10  }
0xe1: {  	v10 =	vor.u32 v6, v10;
	_ =	sdelay $0x4  }
0xe2: {  	[tilespmem:v10+s8+$0x0] =	vst.idx.add.f32.msk $0xffff, v2  }
0xe3: {  	v10 =	vld [tilespmem:s15+$0x280];
	_ =	sdelay $0x4  }
0xe4: {  	v10 =	vshrl.u32 v10, $0x17  }
0xe5: {  	v10 =	vand.u32 $0xFF, v10  }
0xe6: {  	v10 =	vor.u32 v7, v10;
	_ =	sdelay $0x4  }
0xe7: {  	[tilespmem:v10+s8+$0x0] =	vst.idx.add.f32.msk $0xffff, v2  }
0xe8: {  	v10 =	vld [tilespmem:s15+$0x290];
	_ =	sdelay $0x4  }
0xe9: {  	v10 =	vshrl.u32 v10, $0x17  }
0xea: {  	v10 =	vand.u32 $0xFF, v10  }
0xeb: {  	v10 =	vor.u32 v7, v10;
	_ =	sdelay $0x4  }
0xec: {  	[tilespmem:v10+s8+$0x0] =	vst.idx.add.f32.msk $0xffff, v2  }
0xed: {  	v10 =	vld [tilespmem:s15+$0x2A0];
	_ =	sdelay $0x4  }
0xee: {  	v10 =	vshrl.u32 v10, $0x17  }
0xef: {  	v10 =	vand.u32 $0xFF, v10  }
0xf0: {  	v10 =	vor.u32 v7, v10;
	_ =	sdelay $0x4  }
0xf1: {  	[tilespmem:v10+s8+$0x0] =	vst.idx.add.f32.msk $0xffff, v2  }
0xf2: {  	v10 =	vld [tilespmem:s15+$0x2B0];
	_ =	sdelay $0x4  }
0xf3: {  	v10 =	vshrl.u32 v10, $0x17  }
0xf4: {  	v10 =	vand.u32 $0xFF, v10  }
0xf5: {  	v10 =	vor.u32 v7, v10;
	_ =	sdelay $0x4  }
0xf6: {  	[tilespmem:v10+s8+$0x0] =	vst.idx.add.f32.msk $0xffff, v2  }
0xf7: {  	v10 =	vld [tilespmem:s15+$0x2C0];
	_ =	sdelay $0x4  }
0xf8: {  	v10 =	vshrl.u32 v10, $0x17  }
0xf9: {  	v10 =	vand.u32 $0xFF, v10  }
0xfa: {  	v10 =	vor.u32 v7, v10;
	_ =	sdelay $0x4  }
0xfb: {  	[tilespmem:v10+s8+$0x0] =	vst.idx.add.f32.msk $0xffff, v2  }
0xfc: {  	v10 =	vld [tilespmem:s15+$0x2D0];
	_ =	sdelay $0x4  }
0xfd: {  	v10 =	vshrl.u32 v10, $0x17  }
0xfe: {  	v10 =	vand.u32 $0xFF, v10  }
0xff: {  	v10 =	vor.u32 v7, v10;
	_ =	sdelay $0x4  }
0x100: {  	[tilespmem:v10+s8+$0x0] =	vst.idx.add.f32.msk $0xffff, v2  }
0x101: {  	v10 =	vld [tilespmem:s15+$0x2E0];
	_ =	sdelay $0x4  }
0x102: {  	v10 =	vshrl.u32 v10, $0x17  }
0x103: {  	v10 =	vand.u32 $0xFF, v10  }
0x104: {  	v10 =	vor.u32 v7, v10;
	_ =	sdelay $0x4  }
0x105: {  	[tilespmem:v10+s8+$0x0] =	vst.idx.add.f32.msk $0xffff, v2  }
0x106: {  	v10 =	vld [tilespmem:s15+$0x2F0];
	_ =	sdelay $0x4  }
0x107: {  	v10 =	vshrl.u32 v10, $0x17  }
0x108: {  	v10 =	vand.u32 $0xFF, v10  }
0x109: {  	v10 =	vor.u32 v7, v10;
	_ =	sdelay $0x4  }
0x10a: {  	[tilespmem:v10+s8+$0x0] =	vst.idx.add.f32.msk $0xffff, v2  }
0x10b: {  	v10 =	vld [tilespmem:s15+$0x300];
	_ =	sdelay $0x4  }
0x10c: {  	v10 =	vshrl.u32 v10, $0x17  }
0x10d: {  	v10 =	vand.u32 $0xFF, v10  }
0x10e: {  	v10 =	vor.u32 v8, v10;
	_ =	sdelay $0x4  }
0x10f: {  	[tilespmem:v10+s8+$0x0] =	vst.idx.add.f32.msk $0xffff, v2  }
0x110: {  	v10 =	vld [tilespmem:s15+$0x310];
	_ =	sdelay $0x4  }
0x111: {  	v10 =	vshrl.u32 v10, $0x17  }
0x112: {  	v10 =	vand.u32 $0xFF, v10  }
0x113: {  	v10 =	vor.u32 v8, v10;
	_ =	sdelay $0x4  }
0x114: {  	[tilespmem:v10+s8+$0x0] =	vst.idx.add.f32.msk $0xffff, v2  }
0x115: {  	v10 =	vld [tilespmem:s15+$0x320];
	_ =	sdelay $0x4  }
0x116: {  	v10 =	vshrl.u32 v10, $0x17  }
0x117: {  	v10 =	vand.u32 $0xFF, v10  }
0x118: {  	v10 =	vor.u32 v8, v10;
	_ =	sdelay $0x4  }
0x119: {  	[tilespmem:v10+s8+$0x0] =	vst.idx.add.f32.msk $0xffff, v2  }
0x11a: {  	v10 =	vld [tilespmem:s15+$0x330];
	_ =	sdelay $0x4  }
0x11b: {  	v10 =	vshrl.u32 v10, $0x17  }
0x11c: {  	v10 =	vand.u32 $0xFF, v10  }
0x11d: {  	v10 =	vor.u32 v8, v10;
	_ =	sdelay $0x4  }
0x11e: {  	[tilespmem:v10+s8+$0x0] =	vst.idx.add.f32.msk $0xffff, v2  }
0x11f: {  	v10 =	vld [tilespmem:s15+$0x340];
	_ =	sdelay $0x4  }
0x120: {  	v10 =	vshrl.u32 v10, $0x17  }
0x121: {  	v10 =	vand.u32 $0xFF, v10  }
0x122: {  	v10 =	vor.u32 v8, v10;
	_ =	sdelay $0x4  }
0x123: {  	[tilespmem:v10+s8+$0x0] =	vst.idx.add.f32.msk $0xffff, v2  }
0x124: {  	v10 =	vld [tilespmem:s15+$0x350];
	_ =	sdelay $0x4  }
0x125: {  	v10 =	vshrl.u32 v10, $0x17  }
0x126: {  	v10 =	vand.u32 $0xFF, v10  }
0x127: {  	v10 =	vor.u32 v8, v10;
	_ =	sdelay $0x4  }
0x128: {  	[tilespmem:v10+s8+$0x0] =	vst.idx.add.f32.msk $0xffff, v2  }
0x129: {  	v10 =	vld [tilespmem:s15+$0x360];
	_ =	sdelay $0x4  }
0x12a: {  	v10 =	vshrl.u32 v10, $0x17  }
0x12b: {  	v10 =	vand.u32 $0xFF, v10  }
0x12c: {  	v10 =	vor.u32 v8, v10;
	_ =	sdelay $0x4  }
0x12d: {  	[tilespmem:v10+s8+$0x0] =	vst.idx.add.f32.msk $0xffff, v2  }
0x12e: {  	v10 =	vld [tilespmem:s15+$0x370];
	_ =	sdelay $0x4  }
0x12f: {  	v10 =	vshrl.u32 v10, $0x17  }
0x130: {  	v10 =	vand.u32 $0xFF, v10  }
0x131: {  	v10 =	vor.u32 v8, v10;
	_ =	sdelay $0x4  }
0x132: {  	[tilespmem:v10+s8+$0x0] =	vst.idx.add.f32.msk $0xffff, v2  }
0x133: {  	v10 =	vld [tilespmem:s15+$0x380];
	_ =	sdelay $0x4  }
0x134: {  	v10 =	vshrl.u32 v10, $0x17  }
0x135: {  	v10 =	vand.u32 $0xFF, v10  }
0x136: {  	v10 =	vor.u32 v9, v10;
	_ =	sdelay $0x4  }
0x137: {  	[tilespmem:v10+s8+$0x0] =	vst.idx.add.f32.msk $0xffff, v2  }
0x138: {  	v10 =	vld [tilespmem:s15+$0x390];
	_ =	sdelay $0x4  }
0x139: {  	v10 =	vshrl.u32 v10, $0x17  }
0x13a: {  	v10 =	vand.u32 $0xFF, v10  }
0x13b: {  	v10 =	vor.u32 v9, v10;
	_ =	sdelay $0x4  }
0x13c: {  	[tilespmem:v10+s8+$0x0] =	vst.idx.add.f32.msk $0xffff, v2  }
0x13d: {  	v10 =	vld [tilespmem:s15+$0x3A0];
	_ =	sdelay $0x4  }
0x13e: {  	v10 =	vshrl.u32 v10, $0x17  }
0x13f: {  	v10 =	vand.u32 $0xFF, v10  }
0x140: {  	v10 =	vor.u32 v9, v10;
	_ =	sdelay $0x4  }
0x141: {  	[tilespmem:v10+s8+$0x0] =	vst.idx.add.f32.msk $0xffff, v2  }
0x142: {  	v10 =	vld [tilespmem:s15+$0x3B0];
	_ =	sdelay $0x4  }
0x143: {  	v10 =	vshrl.u32 v10, $0x17  }
0x144: {  	v10 =	vand.u32 $0xFF, v10  }
0x145: {  	v10 =	vor.u32 v9, v10;
	_ =	sdelay $0x4  }
0x146: {  	[tilespmem:v10+s8+$0x0] =	vst.idx.add.f32.msk $0xffff, v2  }
0x147: {  	v10 =	vld [tilespmem:s15+$0x3C0];
	_ =	sdelay $0x4  }
0x148: {  	v10 =	vshrl.u32 v10, $0x17  }
0x149: {  	v10 =	vand.u32 $0xFF, v10  }
0x14a: {  	v10 =	vor.u32 v9, v10;
	_ =	sdelay $0x4  }
0x14b: {  	[tilespmem:v10+s8+$0x0] =	vst.idx.add.f32.msk $0xffff, v2  }
0x14c: {  	v10 =	vld [tilespmem:s15+$0x3D0];
	_ =	sdelay $0x4  }
0x14d: {  	v10 =	vshrl.u32 v10, $0x17  }
0x14e: {  	v10 =	vand.u32 $0xFF, v10  }
0x14f: {  	v10 =	vor.u32 v9, v10;
	_ =	sdelay $0x4  }
0x150: {  	[tilespmem:v10+s8+$0x0] =	vst.idx.add.f32.msk $0xffff, v2  }
0x151: {  	v10 =	vld [tilespmem:s15+$0x3E0];
	_ =	sdelay $0x4  }
0x152: {  	v10 =	vshrl.u32 v10, $0x17  }
0x153: {  	v10 =	vand.u32 $0xFF, v10  }
0x154: {  	v10 =	vor.u32 v9, v10;
	_ =	sdelay $0x4  }
0x155: {  	[tilespmem:v10+s8+$0x0] =	vst.idx.add.f32.msk $0xffff, v2  }
0x156: {  	v10 =	vld [tilespmem:s15+$0x3F0];
	_ =	sdelay $0x4  }
0x157: {  	v10 =	vshrl.u32 v10, $0x17  }
0x158: {  	v10 =	vand.u32 $0xFF, v10  }
0x159: {  	p0 =	sne.s32 s14, $0x17000;
	v10 =	vor.u32 v9, v10  }
.Ltmp1:
0x15a: {  	_ = 	snop;
	(pc) =	sbr.rel @p0 .LBB2_5-.Ltmp1, $2  }
0x15b: {  	_ =	sdelay $0x2  }
0x15c: {  	s14 =	sadd.s32 $0x1000, s14;
	[tilespmem:v10+s8+$0x0] =	vst.idx.add.f32.msk $0xffff, v2  }
0x15d: {  	s13 =	sadd.s32 $0x1, s13  }
0x15e: {  	p0 =	sne.s32 s13, $0x31  }
.Ltmp2:
0x15f: {  	_ = 	snop;
	(pc) =	sbr.rel @p0 .LBB2_4-.Ltmp2, $1  }
0x160: {  	_ =	sdelay $0x3  }
0x161: {  	s12 =	simm.s32 $0x6400  }
0x162: {  	v10 =	vld [tilespmem:s12+$0xFFFFFC00];
	_ =	sdelay $0x1  }
0x163: {  	v11 =	vld [tilespmem:s12+$0xFFFFFD00];
	_ =	sdelay $0x1  }
0x164: {  	v12 =	vld [tilespmem:s12+$0xFFFFFE00]  }
0x165: {  	v10 =	vadd.f32 $0.0e+00, v10  }
0x166: {  	v13 =	vld [tilespmem:s12+$0xFFFFFF00]  }
0x167: {  	v10 =	vadd.f32 v11, v10  }
0x168: {  	v11 =	vld [tilespmem:s12+$0x0]  }
0x169: {  	v10 =	vadd.f32 v12, v10  }
0x16a: {  	v34 =	vld [tilespmem:s12+$0x100]  }
0x16b: {  	v10 =	vadd.f32 v13, v10  }
0x16c: {  	v35 =	vld [tilespmem:s12+$0x200]  }
0x16d: {  	v10 =	vadd.f32 v11, v10  }
0x16e: {  	s13 =	simm.s32 $0x0;
	v11 =	vld [tilespmem:s12+$0x300]  }
0x16f: {  	s14 =	sand.u32 $0xF0, s13;
	v10 =	vadd.f32 v34, v10  }
0x170: {  	v36 =	vld [tilespmem:s14+$0x6800]  }
0x171: {  	v10 =	vadd.f32 v35, v10  }
0x172: {  	v37 =	vld [tilespmem:s14+$0x6900]  }
0x173: {  	v10 =	vadd.f32 v11, v10  }
0x174: {  	v11 =	vld [tilespmem:s14+$0x6A00]  }
0x175: {  	v10 =	vadd.f32 v36, v10  }
0x176: {  	v38 =	vld [tilespmem:s14+$0x6B00]  }
0x177: {  	v10 =	vadd.f32 v37, v10  }
0x178: {  	v39 =	vld [tilespmem:s14+$0x6C00]  }
0x179: {  	v10 =	vadd.f32 v11, v10  }
0x17a: {  	v11 =	vld [tilespmem:s14+$0x6D00]  }
0x17b: {  	v10 =	vadd.f32 v38, v10  }
0x17c: {  	v40 =	vld [tilespmem:s14+$0x6E00]  }
0x17d: {  	v10 =	vadd.f32 v39, v10  }
0x17e: {  	v41 =	vld [tilespmem:s14+$0x6F00]  }
0x17f: {  	v10 =	vadd.f32 v11, v10;
	_ =	sdelay $0x1  }
0x180: {  	v10 =	vadd.f32 v40, v10;
	_ =	sdelay $0x1  }
0x181: {  	v10 =	vadd.f32 v41, v10  }
0x182: {  	s13 =	simm.s32 $0xE400  }
0x183: {  	[tilespmem:s13+$0xFFFFFC00] =	vst v10  }
0x184: {  	v10 =	vld [tilespmem:s14+$0x7000];
	_ =	sdelay $0x1  }
0x185: {  	v11 =	vld [tilespmem:s14+$0x7100];
	_ =	sdelay $0x1  }
0x186: {  	v42 =	vld [tilespmem:s14+$0x7200]  }
0x187: {  	v10 =	vadd.f32 $0.0e+00, v10  }
0x188: {  	v43 =	vld [tilespmem:s14+$0x7300]  }
0x189: {  	v10 =	vadd.f32 v11, v10  }
0x18a: {  	v11 =	vld [tilespmem:s14+$0x7400]  }
0x18b: {  	v10 =	vadd.f32 v42, v10  }
0x18c: {  	v44 =	vld [tilespmem:s14+$0x7500]  }
0x18d: {  	v10 =	vadd.f32 v43, v10  }
0x18e: {  	v45 =	vld [tilespmem:s14+$0x7600]  }
0x18f: {  	v10 =	vadd.f32 v11, v10  }
0x190: {  	v11 =	vld [tilespmem:s14+$0x7700]  }
0x191: {  	v10 =	vadd.f32 v44, v10  }
0x192: {  	v46 =	vld [tilespmem:s14+$0x7800]  }
0x193: {  	v10 =	vadd.f32 v45, v10  }
0x194: {  	v47 =	vld [tilespmem:s14+$0x7900]  }
0x195: {  	v10 =	vadd.f32 v11, v10  }
0x196: {  	v11 =	vld [tilespmem:s14+$0x7A00]  }
0x197: {  	v10 =	vadd.f32 v46, v10  }
0x198: {  	v48 =	vld [tilespmem:s14+$0x7B00]  }
0x199: {  	v10 =	vadd.f32 v47, v10  }
0x19a: {  	v49 =	vld [tilespmem:s14+$0x7C00]  }
0x19b: {  	v10 =	vadd.f32 v11, v10  }
0x19c: {  	v11 =	vld [tilespmem:s14+$0x7D00]  }
0x19d: {  	v10 =	vadd.f32 v48, v10  }
0x19e: {  	v50 =	vld [tilespmem:s14+$0x7E00]  }
0x19f: {  	v10 =	vadd.f32 v49, v10  }
0x1a0: {  	v51 =	vld [tilespmem:s14+$0x7F00]  }
0x1a1: {  	v10 =	vadd.f32 v11, v10;
	_ =	sdelay $0x1  }
0x1a2: {  	v10 =	vadd.f32 v50, v10;
	_ =	sdelay $0x1  }
0x1a3: {  	v10 =	vadd.f32 v51, v10;
	_ =	sdelay $0x1  }
0x1a4: {  	[tilespmem:s13+$0xFFFFFD00] =	vst v10  }
0x1a5: {  	v10 =	vld [tilespmem:s14+$0x8000];
	_ =	sdelay $0x1  }
0x1a6: {  	v11 =	vld [tilespmem:s14+$0x8100];
	_ =	sdelay $0x1  }
0x1a7: {  	v52 =	vld [tilespmem:s14+$0x8200]  }
0x1a8: {  	v10 =	vadd.f32 $0.0e+00, v10  }
0x1a9: {  	v53 =	vld [tilespmem:s14+$0x8300]  }
0x1aa: {  	v10 =	vadd.f32 v11, v10  }
0x1ab: {  	v11 =	vld [tilespmem:s14+$0x8400]  }
0x1ac: {  	v10 =	vadd.f32 v52, v10  }
0x1ad: {  	v54 =	vld [tilespmem:s14+$0x8500]  }
0x1ae: {  	v10 =	vadd.f32 v53, v10  }
0x1af: {  	v55 =	vld [tilespmem:s14+$0x8600]  }
0x1b0: {  	v10 =	vadd.f32 v11, v10  }
0x1b1: {  	v11 =	vld [tilespmem:s14+$0x8700]  }
0x1b2: {  	v10 =	vadd.f32 v54, v10  }
0x1b3: {  	v56 =	vld [tilespmem:s14+$0x8800]  }
0x1b4: {  	v10 =	vadd.f32 v55, v10  }
0x1b5: {  	v57 =	vld [tilespmem:s14+$0x8900]  }
0x1b6: {  	v10 =	vadd.f32 v11, v10  }
0x1b7: {  	v11 =	vld [tilespmem:s14+$0x8A00]  }
0x1b8: {  	v10 =	vadd.f32 v56, v10  }
0x1b9: {  	v58 =	vld [tilespmem:s14+$0x8B00]  }
0x1ba: {  	v10 =	vadd.f32 v57, v10  }
0x1bb: {  	v59 =	vld [tilespmem:s14+$0x8C00]  }
0x1bc: {  	v10 =	vadd.f32 v11, v10  }
0x1bd: {  	v11 =	vld [tilespmem:s14+$0x8D00]  }
0x1be: {  	v10 =	vadd.f32 v58, v10  }
0x1bf: {  	v60 =	vld [tilespmem:s14+$0x8E00]  }
0x1c0: {  	v10 =	vadd.f32 v59, v10  }
0x1c1: {  	v61 =	vld [tilespmem:s14+$0x8F00]  }
0x1c2: {  	v10 =	vadd.f32 v11, v10;
	_ =	sdelay $0x1  }
0x1c3: {  	v10 =	vadd.f32 v60, v10;
	_ =	sdelay $0x1  }
0x1c4: {  	v10 =	vadd.f32 v61, v10;
	_ =	sdelay $0x1  }
0x1c5: {  	[tilespmem:s13+$0xFFFFFE00] =	vst v10  }
0x1c6: {  	v10 =	vld [tilespmem:s14+$0x9000];
	_ =	sdelay $0x1  }
0x1c7: {  	v11 =	vld [tilespmem:s14+$0x9100];
	_ =	sdelay $0x1  }
0x1c8: {  	v62 =	vld [tilespmem:s14+$0x9200]  }
0x1c9: {  	v10 =	vadd.f32 $0.0e+00, v10  }
0x1ca: {  	v63 =	vld [tilespmem:s14+$0x9300]  }
0x1cb: {  	v10 =	vadd.f32 v11, v10  }
0x1cc: {  	v11 =	vld [tilespmem:s14+$0x9400]  }
0x1cd: {  	v10 =	vadd.f32 v62, v10  }
0x1ce: {  	v16 =	vld [tilespmem:s14+$0x9500]  }
0x1cf: {  	v10 =	vadd.f32 v63, v10  }
0x1d0: {  	v17 =	vld [tilespmem:s14+$0x9600]  }
0x1d1: {  	v10 =	vadd.f32 v11, v10  }
0x1d2: {  	v11 =	vld [tilespmem:s14+$0x9700]  }
0x1d3: {  	v10 =	vadd.f32 v16, v10  }
0x1d4: {  	v18 =	vld [tilespmem:s14+$0x9800]  }
0x1d5: {  	v10 =	vadd.f32 v17, v10  }
0x1d6: {  	v19 =	vld [tilespmem:s14+$0x9900]  }
0x1d7: {  	v10 =	vadd.f32 v11, v10  }
0x1d8: {  	v11 =	vld [tilespmem:s14+$0x9A00]  }
0x1d9: {  	v10 =	vadd.f32 v18, v10  }
0x1da: {  	v20 =	vld [tilespmem:s14+$0x9B00]  }
0x1db: {  	v10 =	vadd.f32 v19, v10  }
0x1dc: {  	v21 =	vld [tilespmem:s14+$0x9C00]  }
0x1dd: {  	v10 =	vadd.f32 v11, v10  }
0x1de: {  	v11 =	vld [tilespmem:s14+$0x9D00]  }
0x1df: {  	v10 =	vadd.f32 v20, v10  }
0x1e0: {  	v22 =	vld [tilespmem:s14+$0x9E00]  }
0x1e1: {  	v10 =	vadd.f32 v21, v10  }
0x1e2: {  	v23 =	vld [tilespmem:s14+$0x9F00]  }
0x1e3: {  	v10 =	vadd.f32 v11, v10;
	_ =	sdelay $0x1  }
0x1e4: {  	v10 =	vadd.f32 v22, v10;
	_ =	sdelay $0x1  }
0x1e5: {  	v10 =	vadd.f32 v23, v10;
	_ =	sdelay $0x1  }
0x1e6: {  	[tilespmem:s13+$0xFFFFFF00] =	vst v10  }
0x1e7: {  	v10 =	vld [tilespmem:s14+$0xA000];
	_ =	sdelay $0x1  }
0x1e8: {  	v11 =	vld [tilespmem:s14+$0xA100];
	_ =	sdelay $0x1  }
0x1e9: {  	v24 =	vld [tilespmem:s14+$0xA200]  }
0x1ea: {  	v10 =	vadd.f32 $0.0e+00, v10  }
0x1eb: {  	v25 =	vld [tilespmem:s14+$0xA300]  }
0x1ec: {  	v10 =	vadd.f32 v11, v10  }
0x1ed: {  	v11 =	vld [tilespmem:s14+$0xA400]  }
0x1ee: {  	v10 =	vadd.f32 v24, v10  }
0x1ef: {  	v26 =	vld [tilespmem:s14+$0xA500]  }
0x1f0: {  	v10 =	vadd.f32 v25, v10  }
0x1f1: {  	v27 =	vld [tilespmem:s14+$0xA600]  }
0x1f2: {  	v10 =	vadd.f32 v11, v10  }
0x1f3: {  	v11 =	vld [tilespmem:s14+$0xA700]  }
0x1f4: {  	v10 =	vadd.f32 v26, v10  }
0x1f5: {  	v28 =	vld [tilespmem:s14+$0xA800]  }
0x1f6: {  	v10 =	vadd.f32 v27, v10  }
0x1f7: {  	v29 =	vld [tilespmem:s14+$0xA900]  }
0x1f8: {  	v10 =	vadd.f32 v11, v10  }
0x1f9: {  	v11 =	vld [tilespmem:s14+$0xAA00]  }
0x1fa: {  	v10 =	vadd.f32 v28, v10  }
0x1fb: {  	v30 =	vld [tilespmem:s14+$0xAB00]  }
0x1fc: {  	v10 =	vadd.f32 v29, v10  }
0x1fd: {  	v31 =	vld [tilespmem:s14+$0xAC00]  }
0x1fe: {  	v10 =	vadd.f32 v11, v10  }
0x1ff: {  	v11 =	vld [tilespmem:s14+$0xAD00]  }
0x200: {  	v10 =	vadd.f32 v30, v10  }
0x201: {  	v32 =	vld [tilespmem:s14+$0xAE00]  }
0x202: {  	v10 =	vadd.f32 v31, v10  }
0x203: {  	v33 =	vld [tilespmem:s14+$0xAF00]  }
0x204: {  	v10 =	vadd.f32 v11, v10;
	_ =	sdelay $0x1  }
0x205: {  	v10 =	vadd.f32 v32, v10;
	_ =	sdelay $0x1  }
0x206: {  	v10 =	vadd.f32 v33, v10;
	_ =	sdelay $0x1  }
0x207: {  	[tilespmem:s13+$0x0] =	vst v10  }
0x208: {  	v10 =	vld [tilespmem:s14+$0xB000];
	_ =	sdelay $0x1  }
0x209: {  	v11 =	vld [tilespmem:s14+$0xB100];
	_ =	sdelay $0x1  }
0x20a: {  	v34 =	vld [tilespmem:s14+$0xB200]  }
0x20b: {  	v10 =	vadd.f32 $0.0e+00, v10  }
0x20c: {  	v35 =	vld [tilespmem:s14+$0xB300]  }
0x20d: {  	v10 =	vadd.f32 v11, v10  }
0x20e: {  	v11 =	vld [tilespmem:s14+$0xB400]  }
0x20f: {  	v10 =	vadd.f32 v34, v10  }
0x210: {  	v36 =	vld [tilespmem:s14+$0xB500]  }
0x211: {  	v10 =	vadd.f32 v35, v10  }
0x212: {  	v37 =	vld [tilespmem:s14+$0xB600]  }
0x213: {  	v10 =	vadd.f32 v11, v10  }
0x214: {  	v11 =	vld [tilespmem:s14+$0xB700]  }
0x215: {  	v10 =	vadd.f32 v36, v10  }
0x216: {  	v38 =	vld [tilespmem:s14+$0xB800]  }
0x217: {  	v10 =	vadd.f32 v37, v10  }
0x218: {  	v39 =	vld [tilespmem:s14+$0xB900]  }
0x219: {  	v10 =	vadd.f32 v11, v10  }
0x21a: {  	v11 =	vld [tilespmem:s14+$0xBA00]  }
0x21b: {  	v10 =	vadd.f32 v38, v10  }
0x21c: {  	v40 =	vld [tilespmem:s14+$0xBB00]  }
0x21d: {  	v10 =	vadd.f32 v39, v10  }
0x21e: {  	v41 =	vld [tilespmem:s14+$0xBC00]  }
0x21f: {  	v10 =	vadd.f32 v11, v10  }
0x220: {  	v11 =	vld [tilespmem:s14+$0xBD00]  }
0x221: {  	v10 =	vadd.f32 v40, v10  }
0x222: {  	v42 =	vld [tilespmem:s14+$0xBE00]  }
0x223: {  	v10 =	vadd.f32 v41, v10  }
0x224: {  	v43 =	vld [tilespmem:s14+$0xBF00]  }
0x225: {  	v10 =	vadd.f32 v11, v10;
	_ =	sdelay $0x1  }
0x226: {  	v10 =	vadd.f32 v42, v10;
	_ =	sdelay $0x1  }
0x227: {  	v10 =	vadd.f32 v43, v10;
	_ =	sdelay $0x1  }
0x228: {  	[tilespmem:s13+$0x100] =	vst v10  }
0x229: {  	v10 =	vld [tilespmem:s14+$0xC000];
	_ =	sdelay $0x1  }
0x22a: {  	v11 =	vld [tilespmem:s14+$0xC100];
	_ =	sdelay $0x1  }
0x22b: {  	v44 =	vld [tilespmem:s14+$0xC200]  }
0x22c: {  	v10 =	vadd.f32 $0.0e+00, v10  }
0x22d: {  	v45 =	vld [tilespmem:s14+$0xC300]  }
0x22e: {  	v10 =	vadd.f32 v11, v10  }
0x22f: {  	v11 =	vld [tilespmem:s14+$0xC400]  }
0x230: {  	v10 =	vadd.f32 v44, v10  }
0x231: {  	v46 =	vld [tilespmem:s14+$0xC500]  }
0x232: {  	v10 =	vadd.f32 v45, v10  }
0x233: {  	v47 =	vld [tilespmem:s14+$0xC600]  }
0x234: {  	v10 =	vadd.f32 v11, v10  }
0x235: {  	v11 =	vld [tilespmem:s14+$0xC700]  }
0x236: {  	v10 =	vadd.f32 v46, v10  }
0x237: {  	v48 =	vld [tilespmem:s14+$0xC800]  }
0x238: {  	v10 =	vadd.f32 v47, v10  }
0x239: {  	v49 =	vld [tilespmem:s14+$0xC900]  }
0x23a: {  	v10 =	vadd.f32 v11, v10  }
0x23b: {  	v11 =	vld [tilespmem:s14+$0xCA00]  }
0x23c: {  	v10 =	vadd.f32 v48, v10  }
0x23d: {  	v50 =	vld [tilespmem:s14+$0xCB00]  }
0x23e: {  	v10 =	vadd.f32 v49, v10  }
0x23f: {  	v51 =	vld [tilespmem:s14+$0xCC00]  }
0x240: {  	v10 =	vadd.f32 v11, v10  }
0x241: {  	v11 =	vld [tilespmem:s14+$0xCD00]  }
0x242: {  	v10 =	vadd.f32 v50, v10  }
0x243: {  	v52 =	vld [tilespmem:s14+$0xCE00]  }
0x244: {  	v10 =	vadd.f32 v51, v10  }
0x245: {  	v53 =	vld [tilespmem:s14+$0xCF00]  }
0x246: {  	v10 =	vadd.f32 v11, v10;
	_ =	sdelay $0x1  }
0x247: {  	v10 =	vadd.f32 v52, v10;
	_ =	sdelay $0x1  }
0x248: {  	v10 =	vadd.f32 v53, v10;
	_ =	sdelay $0x1  }
0x249: {  	[tilespmem:s13+$0x200] =	vst v10  }
0x24a: {  	v10 =	vld [tilespmem:s14+$0xD000];
	_ =	sdelay $0x1  }
0x24b: {  	v11 =	vld [tilespmem:s14+$0xD100];
	_ =	sdelay $0x1  }
0x24c: {  	v54 =	vld [tilespmem:s14+$0xD200]  }
0x24d: {  	v10 =	vadd.f32 $0.0e+00, v10  }
0x24e: {  	v55 =	vld [tilespmem:s14+$0xD300]  }
0x24f: {  	v10 =	vadd.f32 v11, v10  }
0x250: {  	v11 =	vld [tilespmem:s14+$0xD400]  }
0x251: {  	v10 =	vadd.f32 v54, v10  }
0x252: {  	v56 =	vld [tilespmem:s14+$0xD500]  }
0x253: {  	v10 =	vadd.f32 v55, v10  }
0x254: {  	v57 =	vld [tilespmem:s14+$0xD600]  }
0x255: {  	v10 =	vadd.f32 v11, v10  }
0x256: {  	v11 =	vld [tilespmem:s14+$0xD700]  }
0x257: {  	v10 =	vadd.f32 v56, v10  }
0x258: {  	v58 =	vld [tilespmem:s14+$0xD800]  }
0x259: {  	v10 =	vadd.f32 v57, v10  }
0x25a: {  	v59 =	vld [tilespmem:s14+$0xD900]  }
0x25b: {  	v10 =	vadd.f32 v11, v10  }
0x25c: {  	v11 =	vld [tilespmem:s14+$0xDA00]  }
0x25d: {  	v10 =	vadd.f32 v58, v10  }
0x25e: {  	v60 =	vld [tilespmem:s14+$0xDB00]  }
0x25f: {  	v10 =	vadd.f32 v59, v10  }
0x260: {  	v61 =	vld [tilespmem:s14+$0xDC00]  }
0x261: {  	v10 =	vadd.f32 v11, v10  }
0x262: {  	v11 =	vld [tilespmem:s14+$0xDD00]  }
0x263: {  	v10 =	vadd.f32 v60, v10  }
0x264: {  	v62 =	vld [tilespmem:s14+$0xDE00]  }
0x265: {  	v10 =	vadd.f32 v61, v10  }
0x266: {  	v63 =	vld [tilespmem:s14+$0xDF00]  }
0x267: {  	v10 =	vadd.f32 v11, v10;
	_ =	sdelay $0x1  }
0x268: {  	v10 =	vadd.f32 v62, v10;
	_ =	sdelay $0x1  }
0x269: {  	s14 =	simm.s32 $0x10;
	v10 =	vadd.f32 v63, v10  }
.LBB2_8:
0x26a: {  	_ = 	snop  }
0x26b: {  	p0 =	sne.s32 s14, $0xF0;
	s12 =	sadd.s32 $0x10, s12;
	[tilespmem:s13+$0x300] =	vst v10;
	s13 =	sadd.s32 $0x10, s13  }
0x26c: {  	s15 =	smov.u32 s14;
	s14 =	sadd.s32 $0x10, s14;
	v10 =	vld [tilespmem:s12+$0xFFFFFC00];
	_ =	sdelay $0x1  }
0x26d: {  	v11 =	vld [tilespmem:s12+$0xFFFFFD00];
	_ =	sdelay $0x1  }
0x26e: {  	v12 =	vld [tilespmem:s12+$0xFFFFFE00]  }
0x26f: {  	v10 =	vadd.f32 $0.0e+00, v10  }
0x270: {  	v13 =	vld [tilespmem:s12+$0xFFFFFF00]  }
0x271: {  	v10 =	vadd.f32 v11, v10  }
0x272: {  	v11 =	vld [tilespmem:s12+$0x0]  }
0x273: {  	v10 =	vadd.f32 v12, v10  }
0x274: {  	v12 =	vld [tilespmem:s12+$0x100]  }
0x275: {  	v10 =	vadd.f32 v13, v10  }
0x276: {  	v13 =	vld [tilespmem:s12+$0x200]  }
0x277: {  	v10 =	vadd.f32 v11, v10  }
0x278: {  	v11 =	vld [tilespmem:s12+$0x300]  }
0x279: {  	s15 =	sand.u32 $0xF0, s15;
	v10 =	vadd.f32 v12, v10  }
0x27a: {  	v12 =	vld [tilespmem:s15+$0x6800]  }
0x27b: {  	v10 =	vadd.f32 v13, v10  }
0x27c: {  	v13 =	vld [tilespmem:s15+$0x6900]  }
0x27d: {  	v10 =	vadd.f32 v11, v10  }
0x27e: {  	v11 =	vld [tilespmem:s15+$0x6A00]  }
0x27f: {  	v10 =	vadd.f32 v12, v10  }
0x280: {  	v12 =	vld [tilespmem:s15+$0x6B00]  }
0x281: {  	v10 =	vadd.f32 v13, v10  }
0x282: {  	v13 =	vld [tilespmem:s15+$0x6C00]  }
0x283: {  	v10 =	vadd.f32 v11, v10  }
0x284: {  	v11 =	vld [tilespmem:s15+$0x6D00]  }
0x285: {  	v10 =	vadd.f32 v12, v10  }
0x286: {  	v12 =	vld [tilespmem:s15+$0x6E00]  }
0x287: {  	v10 =	vadd.f32 v13, v10  }
0x288: {  	v13 =	vld [tilespmem:s15+$0x6F00]  }
0x289: {  	v10 =	vadd.f32 v11, v10;
	_ =	sdelay $0x1  }
0x28a: {  	v10 =	vadd.f32 v12, v10;
	_ =	sdelay $0x1  }
0x28b: {  	v10 =	vadd.f32 v13, v10;
	_ =	sdelay $0x1  }
0x28c: {  	[tilespmem:s13+$0xFFFFFC00] =	vst v10  }
0x28d: {  	v10 =	vld [tilespmem:s15+$0x7000];
	_ =	sdelay $0x1  }
0x28e: {  	v11 =	vld [tilespmem:s15+$0x7100];
	_ =	sdelay $0x1  }
0x28f: {  	v12 =	vld [tilespmem:s15+$0x7200]  }
0x290: {  	v10 =	vadd.f32 $0.0e+00, v10  }
0x291: {  	v13 =	vld [tilespmem:s15+$0x7300]  }
0x292: {  	v10 =	vadd.f32 v11, v10  }
0x293: {  	v11 =	vld [tilespmem:s15+$0x7400]  }
0x294: {  	v10 =	vadd.f32 v12, v10  }
0x295: {  	v12 =	vld [tilespmem:s15+$0x7500]  }
0x296: {  	v10 =	vadd.f32 v13, v10  }
0x297: {  	v13 =	vld [tilespmem:s15+$0x7600]  }
0x298: {  	v10 =	vadd.f32 v11, v10  }
0x299: {  	v11 =	vld [tilespmem:s15+$0x7700]  }
0x29a: {  	v10 =	vadd.f32 v12, v10  }
0x29b: {  	v12 =	vld [tilespmem:s15+$0x7800]  }
0x29c: {  	v10 =	vadd.f32 v13, v10  }
0x29d: {  	v13 =	vld [tilespmem:s15+$0x7900]  }
0x29e: {  	v10 =	vadd.f32 v11, v10  }
0x29f: {  	v11 =	vld [tilespmem:s15+$0x7A00]  }
0x2a0: {  	v10 =	vadd.f32 v12, v10  }
0x2a1: {  	v12 =	vld [tilespmem:s15+$0x7B00]  }
0x2a2: {  	v10 =	vadd.f32 v13, v10  }
0x2a3: {  	v13 =	vld [tilespmem:s15+$0x7C00]  }
0x2a4: {  	v10 =	vadd.f32 v11, v10  }
0x2a5: {  	v11 =	vld [tilespmem:s15+$0x7D00]  }
0x2a6: {  	v10 =	vadd.f32 v12, v10  }
0x2a7: {  	v12 =	vld [tilespmem:s15+$0x7E00]  }
0x2a8: {  	v10 =	vadd.f32 v13, v10  }
0x2a9: {  	v13 =	vld [tilespmem:s15+$0x7F00]  }
0x2aa: {  	v10 =	vadd.f32 v11, v10;
	_ =	sdelay $0x1  }
0x2ab: {  	v10 =	vadd.f32 v12, v10;
	_ =	sdelay $0x1  }
0x2ac: {  	v10 =	vadd.f32 v13, v10;
	_ =	sdelay $0x1  }
0x2ad: {  	[tilespmem:s13+$0xFFFFFD00] =	vst v10  }
0x2ae: {  	v10 =	vld [tilespmem:s15+$0x8000];
	_ =	sdelay $0x1  }
0x2af: {  	v11 =	vld [tilespmem:s15+$0x8100];
	_ =	sdelay $0x1  }
0x2b0: {  	v12 =	vld [tilespmem:s15+$0x8200]  }
0x2b1: {  	v10 =	vadd.f32 $0.0e+00, v10  }
0x2b2: {  	v13 =	vld [tilespmem:s15+$0x8300]  }
0x2b3: {  	v10 =	vadd.f32 v11, v10  }
0x2b4: {  	v11 =	vld [tilespmem:s15+$0x8400]  }
0x2b5: {  	v10 =	vadd.f32 v12, v10  }
0x2b6: {  	v12 =	vld [tilespmem:s15+$0x8500]  }
0x2b7: {  	v10 =	vadd.f32 v13, v10  }
0x2b8: {  	v13 =	vld [tilespmem:s15+$0x8600]  }
0x2b9: {  	v10 =	vadd.f32 v11, v10  }
0x2ba: {  	v11 =	vld [tilespmem:s15+$0x8700]  }
0x2bb: {  	v10 =	vadd.f32 v12, v10  }
0x2bc: {  	v12 =	vld [tilespmem:s15+$0x8800]  }
0x2bd: {  	v10 =	vadd.f32 v13, v10  }
0x2be: {  	v13 =	vld [tilespmem:s15+$0x8900]  }
0x2bf: {  	v10 =	vadd.f32 v11, v10  }
0x2c0: {  	v11 =	vld [tilespmem:s15+$0x8A00]  }
0x2c1: {  	v10 =	vadd.f32 v12, v10  }
0x2c2: {  	v12 =	vld [tilespmem:s15+$0x8B00]  }
0x2c3: {  	v10 =	vadd.f32 v13, v10  }
0x2c4: {  	v13 =	vld [tilespmem:s15+$0x8C00]  }
0x2c5: {  	v10 =	vadd.f32 v11, v10  }
0x2c6: {  	v11 =	vld [tilespmem:s15+$0x8D00]  }
0x2c7: {  	v10 =	vadd.f32 v12, v10  }
0x2c8: {  	v12 =	vld [tilespmem:s15+$0x8E00]  }
0x2c9: {  	v10 =	vadd.f32 v13, v10  }
0x2ca: {  	v13 =	vld [tilespmem:s15+$0x8F00]  }
0x2cb: {  	v10 =	vadd.f32 v11, v10;
	_ =	sdelay $0x1  }
0x2cc: {  	v10 =	vadd.f32 v12, v10;
	_ =	sdelay $0x1  }
0x2cd: {  	v10 =	vadd.f32 v13, v10;
	_ =	sdelay $0x1  }
0x2ce: {  	[tilespmem:s13+$0xFFFFFE00] =	vst v10  }
0x2cf: {  	v10 =	vld [tilespmem:s15+$0x9000];
	_ =	sdelay $0x1  }
0x2d0: {  	v11 =	vld [tilespmem:s15+$0x9100];
	_ =	sdelay $0x1  }
0x2d1: {  	v12 =	vld [tilespmem:s15+$0x9200]  }
0x2d2: {  	v10 =	vadd.f32 $0.0e+00, v10  }
0x2d3: {  	v13 =	vld [tilespmem:s15+$0x9300]  }
0x2d4: {  	v10 =	vadd.f32 v11, v10  }
0x2d5: {  	v11 =	vld [tilespmem:s15+$0x9400]  }
0x2d6: {  	v10 =	vadd.f32 v12, v10  }
0x2d7: {  	v12 =	vld [tilespmem:s15+$0x9500]  }
0x2d8: {  	v10 =	vadd.f32 v13, v10  }
0x2d9: {  	v13 =	vld [tilespmem:s15+$0x9600]  }
0x2da: {  	v10 =	vadd.f32 v11, v10  }
0x2db: {  	v11 =	vld [tilespmem:s15+$0x9700]  }
0x2dc: {  	v10 =	vadd.f32 v12, v10  }
0x2dd: {  	v12 =	vld [tilespmem:s15+$0x9800]  }
0x2de: {  	v10 =	vadd.f32 v13, v10  }
0x2df: {  	v13 =	vld [tilespmem:s15+$0x9900]  }
0x2e0: {  	v10 =	vadd.f32 v11, v10  }
0x2e1: {  	v11 =	vld [tilespmem:s15+$0x9A00]  }
0x2e2: {  	v10 =	vadd.f32 v12, v10  }
0x2e3: {  	v12 =	vld [tilespmem:s15+$0x9B00]  }
0x2e4: {  	v10 =	vadd.f32 v13, v10  }
0x2e5: {  	v13 =	vld [tilespmem:s15+$0x9C00]  }
0x2e6: {  	v10 =	vadd.f32 v11, v10  }
0x2e7: {  	v11 =	vld [tilespmem:s15+$0x9D00]  }
0x2e8: {  	v10 =	vadd.f32 v12, v10  }
0x2e9: {  	v12 =	vld [tilespmem:s15+$0x9E00]  }
0x2ea: {  	v10 =	vadd.f32 v13, v10  }
0x2eb: {  	v13 =	vld [tilespmem:s15+$0x9F00]  }
0x2ec: {  	v10 =	vadd.f32 v11, v10;
	_ =	sdelay $0x1  }
0x2ed: {  	v10 =	vadd.f32 v12, v10;
	_ =	sdelay $0x1  }
0x2ee: {  	v10 =	vadd.f32 v13, v10;
	_ =	sdelay $0x1  }
0x2ef: {  	[tilespmem:s13+$0xFFFFFF00] =	vst v10  }
0x2f0: {  	v10 =	vld [tilespmem:s15+$0xA000];
	_ =	sdelay $0x1  }
0x2f1: {  	v11 =	vld [tilespmem:s15+$0xA100];
	_ =	sdelay $0x1  }
0x2f2: {  	v12 =	vld [tilespmem:s15+$0xA200]  }
0x2f3: {  	v10 =	vadd.f32 $0.0e+00, v10  }
0x2f4: {  	v13 =	vld [tilespmem:s15+$0xA300]  }
0x2f5: {  	v10 =	vadd.f32 v11, v10  }
0x2f6: {  	v11 =	vld [tilespmem:s15+$0xA400]  }
0x2f7: {  	v10 =	vadd.f32 v12, v10  }
0x2f8: {  	v12 =	vld [tilespmem:s15+$0xA500]  }
0x2f9: {  	v10 =	vadd.f32 v13, v10  }
0x2fa: {  	v13 =	vld [tilespmem:s15+$0xA600]  }
0x2fb: {  	v10 =	vadd.f32 v11, v10  }
0x2fc: {  	v11 =	vld [tilespmem:s15+$0xA700]  }
0x2fd: {  	v10 =	vadd.f32 v12, v10  }
0x2fe: {  	v12 =	vld [tilespmem:s15+$0xA800]  }
0x2ff: {  	v10 =	vadd.f32 v13, v10  }
0x300: {  	v13 =	vld [tilespmem:s15+$0xA900]  }
0x301: {  	v10 =	vadd.f32 v11, v10  }
0x302: {  	v11 =	vld [tilespmem:s15+$0xAA00]  }
0x303: {  	v10 =	vadd.f32 v12, v10  }
0x304: {  	v12 =	vld [tilespmem:s15+$0xAB00]  }
0x305: {  	v10 =	vadd.f32 v13, v10  }
0x306: {  	v13 =	vld [tilespmem:s15+$0xAC00]  }
0x307: {  	v10 =	vadd.f32 v11, v10  }
0x308: {  	v11 =	vld [tilespmem:s15+$0xAD00]  }
0x309: {  	v10 =	vadd.f32 v12, v10  }
0x30a: {  	v12 =	vld [tilespmem:s15+$0xAE00]  }
0x30b: {  	v10 =	vadd.f32 v13, v10  }
0x30c: {  	v13 =	vld [tilespmem:s15+$0xAF00]  }
0x30d: {  	v10 =	vadd.f32 v11, v10;
	_ =	sdelay $0x1  }
0x30e: {  	v10 =	vadd.f32 v12, v10;
	_ =	sdelay $0x1  }
0x30f: {  	v10 =	vadd.f32 v13, v10;
	_ =	sdelay $0x1  }
0x310: {  	[tilespmem:s13+$0x0] =	vst v10  }
0x311: {  	v10 =	vld [tilespmem:s15+$0xB000]  }
0x312: {  	v11 =	vld [tilespmem:s15+$0xB100]  }
0x313: {  	v12 =	vld [tilespmem:s15+$0xB200]  }
0x314: {  	v13 =	vld [tilespmem:s15+$0xB300]  }
0x315: {  	v14 =	vld [tilespmem:s15+$0xB400]  }
0x316: {  	v10 =	vadd.f32 $0.0e+00, v10;
	v15 =	vld [tilespmem:s15+$0xB500]  }
0x317: {  	v16 =	vld [tilespmem:s15+$0xB600]  }
0x318: {  	v10 =	vadd.f32 v11, v10;
	v11 =	vld [tilespmem:s15+$0xB700]  }
0x319: {  	v17 =	vld [tilespmem:s15+$0xB800]  }
0x31a: {  	v10 =	vadd.f32 v12, v10;
	v12 =	vld [tilespmem:s15+$0xB900]  }
0x31b: {  	v18 =	vld [tilespmem:s15+$0xBA00]  }
0x31c: {  	v10 =	vadd.f32 v13, v10;
	v13 =	vld [tilespmem:s15+$0xBB00]  }
0x31d: {  	v19 =	vld [tilespmem:s15+$0xBC00]  }
0x31e: {  	v10 =	vadd.f32 v14, v10;
	v14 =	vld [tilespmem:s15+$0xBD00]  }
0x31f: {  	v20 =	vld [tilespmem:s15+$0xBE00]  }
0x320: {  	v10 =	vadd.f32 v15, v10;
	v15 =	vld [tilespmem:s15+$0xBF00];
	_ =	sdelay $0x1  }
0x321: {  	v10 =	vadd.f32 v16, v10;
	_ =	sdelay $0x1  }
0x322: {  	v10 =	vadd.f32 v11, v10;
	_ =	sdelay $0x1  }
0x323: {  	v10 =	vadd.f32 v17, v10;
	_ =	sdelay $0x1  }
0x324: {  	v10 =	vadd.f32 v12, v10;
	_ =	sdelay $0x1  }
0x325: {  	v10 =	vadd.f32 v18, v10;
	_ =	sdelay $0x1  }
0x326: {  	v10 =	vadd.f32 v13, v10;
	_ =	sdelay $0x1  }
0x327: {  	v10 =	vadd.f32 v19, v10;
	_ =	sdelay $0x1  }
0x328: {  	v10 =	vadd.f32 v14, v10;
	_ =	sdelay $0x1  }
0x329: {  	v10 =	vadd.f32 v20, v10;
	_ =	sdelay $0x1  }
0x32a: {  	v10 =	vadd.f32 v15, v10;
	_ =	sdelay $0x1  }
0x32b: {  	[tilespmem:s13+$0x100] =	vst v10  }
0x32c: {  	v10 =	vld [tilespmem:s15+$0xC000]  }
0x32d: {  	v11 =	vld [tilespmem:s15+$0xC100]  }
0x32e: {  	v12 =	vld [tilespmem:s15+$0xC200]  }
0x32f: {  	v13 =	vld [tilespmem:s15+$0xC300]  }
0x330: {  	v14 =	vld [tilespmem:s15+$0xC400]  }
0x331: {  	v10 =	vadd.f32 $0.0e+00, v10;
	v15 =	vld [tilespmem:s15+$0xC500]  }
0x332: {  	v16 =	vld [tilespmem:s15+$0xC600]  }
0x333: {  	v10 =	vadd.f32 v11, v10;
	v11 =	vld [tilespmem:s15+$0xC700]  }
0x334: {  	v17 =	vld [tilespmem:s15+$0xC800]  }
0x335: {  	v10 =	vadd.f32 v12, v10;
	v12 =	vld [tilespmem:s15+$0xC900]  }
0x336: {  	v18 =	vld [tilespmem:s15+$0xCA00]  }
0x337: {  	v10 =	vadd.f32 v13, v10;
	v13 =	vld [tilespmem:s15+$0xCB00]  }
0x338: {  	v19 =	vld [tilespmem:s15+$0xCC00]  }
0x339: {  	v10 =	vadd.f32 v14, v10;
	v14 =	vld [tilespmem:s15+$0xCD00]  }
0x33a: {  	v20 =	vld [tilespmem:s15+$0xCE00]  }
0x33b: {  	v10 =	vadd.f32 v15, v10;
	v15 =	vld [tilespmem:s15+$0xCF00];
	_ =	sdelay $0x1  }
0x33c: {  	v10 =	vadd.f32 v16, v10;
	_ =	sdelay $0x1  }
0x33d: {  	v10 =	vadd.f32 v11, v10;
	_ =	sdelay $0x1  }
0x33e: {  	v10 =	vadd.f32 v17, v10;
	_ =	sdelay $0x1  }
0x33f: {  	v10 =	vadd.f32 v12, v10;
	_ =	sdelay $0x1  }
0x340: {  	v10 =	vadd.f32 v18, v10;
	_ =	sdelay $0x1  }
0x341: {  	v10 =	vadd.f32 v13, v10;
	_ =	sdelay $0x1  }
0x342: {  	v10 =	vadd.f32 v19, v10;
	_ =	sdelay $0x1  }
0x343: {  	v10 =	vadd.f32 v14, v10;
	_ =	sdelay $0x1  }
0x344: {  	v10 =	vadd.f32 v20, v10;
	_ =	sdelay $0x1  }
0x345: {  	v10 =	vadd.f32 v15, v10;
	_ =	sdelay $0x1  }
0x346: {  	[tilespmem:s13+$0x200] =	vst v10  }
0x347: {  	v10 =	vld [tilespmem:s15+$0xD000]  }
0x348: {  	v11 =	vld [tilespmem:s15+$0xD100]  }
0x349: {  	v12 =	vld [tilespmem:s15+$0xD200]  }
0x34a: {  	v13 =	vld [tilespmem:s15+$0xD300]  }
0x34b: {  	v14 =	vld [tilespmem:s15+$0xD400]  }
0x34c: {  	v10 =	vadd.f32 $0.0e+00, v10;
	v15 =	vld [tilespmem:s15+$0xD500]  }
0x34d: {  	v16 =	vld [tilespmem:s15+$0xD600]  }
0x34e: {  	v10 =	vadd.f32 v11, v10;
	v11 =	vld [tilespmem:s15+$0xD700]  }
0x34f: {  	v17 =	vld [tilespmem:s15+$0xD800]  }
0x350: {  	v10 =	vadd.f32 v12, v10;
	v12 =	vld [tilespmem:s15+$0xD900]  }
0x351: {  	v18 =	vld [tilespmem:s15+$0xDA00]  }
0x352: {  	v10 =	vadd.f32 v13, v10;
	v13 =	vld [tilespmem:s15+$0xDB00]  }
0x353: {  	v19 =	vld [tilespmem:s15+$0xDC00]  }
0x354: {  	v10 =	vadd.f32 v14, v10;
	v14 =	vld [tilespmem:s15+$0xDD00]  }
0x355: {  	v20 =	vld [tilespmem:s15+$0xDE00]  }
0x356: {  	v10 =	vadd.f32 v15, v10;
	v15 =	vld [tilespmem:s15+$0xDF00];
	_ =	sdelay $0x1  }
0x357: {  	v10 =	vadd.f32 v16, v10;
	_ =	sdelay $0x1  }
0x358: {  	v10 =	vadd.f32 v11, v10;
	_ =	sdelay $0x1  }
0x359: {  	v10 =	vadd.f32 v17, v10;
	_ =	sdelay $0x1  }
0x35a: {  	v10 =	vadd.f32 v12, v10;
	_ =	sdelay $0x1  }
0x35b: {  	v10 =	vadd.f32 v18, v10;
	_ =	sdelay $0x1  }
0x35c: {  	v10 =	vadd.f32 v13, v10;
	_ =	sdelay $0x1  }
0x35d: {  	v10 =	vadd.f32 v19, v10;
	_ =	sdelay $0x1  }
.Ltmp3:
0x35e: {  	v10 =	vadd.f32 v14, v10;
	(pc) =	sbr.rel @p0 .LBB2_8-.Ltmp3, $3  }
0x35f: {  	_ = 	snop  }
0x360: {  	v10 =	vadd.f32 v20, v10;
	_ =	sdelay $0x1  }
0x361: {  	v10 =	vadd.f32 v15, v10  }
0x362: {  	s3 =	sadd.s32 $0x1, s3  }
0x363: {  	p0 =	sne.s32 s3, s6  }
.Ltmp4:
0x364: {  	[tilespmem:s13+$0x300] =	vst v10;
	(pc) =	sbr.rel @p0 .LBB2_1-.Ltmp4, $4  }
0x365: {  	[hbm4b:s5+s9] =	stream.strided.scatter [tilespmem:s11], [sflag:$0x1], $0x800, s10, s9, $0x38;
	[tilespmem:$0xE800] =	vst v63  }
0x366: {  	_ =	swait.ge [sflag:s7], $0x800  }
0x367: {  	[sflag:s7] =	ssyncset.done $0x0  }
0x368: {  	[sflag:s7] =	ssyncadd.s32 $0xFFFFF800  }
0x369: {  	_ =	sfence.sel $0x180000  }
0x36a: {  	[bflag:$0x0] =	sbarrier.arrive $0xFFFF  }
0x36b: {  	p0 =	sne.s32 s1, $0x0;
	_ =	strace $0x90000047  }
0x36c: {  	s0 =	sadd.s32 @!p0 $0x100000, s0;
	[bflag:$0x2] =	sbarrier.arrive $0xFFFF  }
0x36d: {  	[sflag:s0] =	ssyncadd.tile.s32 @!p0 $0x1;
	_ =	shalt  }
.Lfunc_end2:
_tile_overlayer_lowered:
.L_overlay_start_2:
0x36e: {  	(tag) =	ssettag $0x2  }
0x36f: {  	s0 =	rddreg [dreg:$0x0];
	s2 =	stileid.u32  }
0x370: {  	s1 =	rddreg [dreg:$0x1];
	p0 =	sne.s32 s2, $0x0  }
0x371: {  	s3 =	rddreg [dreg:$0x2];
	[bflag:$0x3] =	sbarrier.arrive $0xFFFF;
	s2 =	simm.s32 @!p0 $0x1C01  }
0x372: {  	[timem:s3], [sflag:s2] =	dma.local @!p0 [hbm:s0], s1  }
0x373: {  	s0 =	simm.s32 @!p0 $0x1  }
0x374: {  	_ =	swait.ge @!p0 [sflag:s0], s1  }
0x375: {  	s1 =	ssub.s32 @!p0 $0x0, s1;
	[sflag:s0] =	ssyncset.done @!p0 $0x0  }
0x376: {  	[sflag:s0] =	ssyncadd.s32 @!p0 s1  }
0x377: {  	[bflag:$0x3] =	sbarrier.arrive $0xFFFF  }
0x378: {  	_ =	shalt  }

</sc_bundles>
